<compile_context>
chip_gen: v7x
topology: tpu7x:2x2x1
jax: 0.10.2.dev20260603
libtpu: 0.0.44.dev20260713+nightly
codegen_flags: <defaults>
</compile_context>

<pallas_src>
import functools

import jax
import jax.numpy as jnp
from jax import lax
from jax.experimental import pallas as pl
from jax.experimental.pallas import tpu as pltpu
from jax.experimental.pallas import tpu_sc as plsc

N = 10000
NP = 10240
AR = 10240
E = 320000
D = 128
W = 64
NC = 2
NS = 16
NW = NC * NS
EPW = 10240
EPS = 20480
CHB = 128
NCHB = EPS // CHB
CHD = 512
NCHD = EPW // CHD
DW = 16
RPS = NP // NS
RPA = AR // NS

_MESH = plsc.VectorSubcoreMesh(core_axis_name="c", subcore_axis_name="s",
                               num_cores=NC, num_subcores=NS)
_UNTILED = pltpu.CompilerParams(use_tc_tiling_on_sc=False)



_NSEM = 4


@functools.partial(
    pl.kernel,
    out_type=jax.ShapeDtypeStruct((NC, NP, DW), jnp.float32),
    mesh=_MESH,
    compiler_params=_UNTILED,
    scratch_types=[
        pltpu.VMEM((EPW,), jnp.int32),
        pltpu.VMEM((CHD, DW), jnp.float32),
        pltpu.VMEM_SHARED((NP, DW), jnp.float32),
    ] + [pltpu.SemaphoreType.DMA] * _NSEM,
)
def _sc_degree(dst_hbm, zero_hbm, ones_hbm, out_hbm, idx_v, ones_v, acc, *sems):
    cid = lax.axis_index("c")
    sid = lax.axis_index("s")
    wid = sid * NC + cid
    pltpu.sync_copy(zero_hbm, acc.at[pl.ds(sid * RPS, RPS)])
    pltpu.sync_copy(ones_hbm, ones_v)
    pltpu.sync_copy(dst_hbm.at[wid], idx_v)
    plsc.subcore_barrier()

    def body(g, carry):
        for b in range(_NSEM):
            j = g * _NSEM + b

            @pl.when(g > 0)
            def _():
                pltpu.make_async_copy(ones_v, acc.at[pl.ds(0, CHD)],
                                      sems[b]).wait()

            pltpu.async_copy(ones_v, acc.at[idx_v.at[pl.ds(j * CHD, CHD)]],
                             sems[b], add=True)
        return carry

    lax.fori_loop(0, NCHD // _NSEM, body, 0)
    for b in range(_NSEM):
        pltpu.make_async_copy(ones_v, acc.at[pl.ds(0, CHD)], sems[b]).wait()
    plsc.subcore_barrier()
    pltpu.sync_copy(acc.at[pl.ds(sid * RPS, RPS)],
                    out_hbm.at[cid, pl.ds(sid * RPS, RPS)])


_NBUF = 5


@functools.partial(
    pl.kernel,
    out_type=jax.ShapeDtypeStruct((NC, NP, W), jnp.float32),
    mesh=_MESH,
    compiler_params=_UNTILED,
    scratch_types=[
        pltpu.VMEM((NCHB, CHB), jnp.int32),
        pltpu.VMEM((NCHB, CHB), jnp.int32),
        pltpu.VMEM((_NBUF, CHB, W), jnp.float32),
        pltpu.VMEM_SHARED((AR, W), jnp.float32),
    ] + [pltpu.SemaphoreType.DMA] * (2 * _NBUF),
)
def _sc_scatter(table_hbm, src_hbm, dst_hbm, zero_hbm, out_hbm,
                idx_s, idx_d, rows_v, acc, *sems):
    gsem = sems[:_NBUF]
    ssem = sems[_NBUF:]
    cid = lax.axis_index("c")
    sid = lax.axis_index("s")
    pltpu.sync_copy(zero_hbm.at[pl.ds(0, RPA)], acc.at[pl.ds(sid * RPA, RPA)])
    pltpu.sync_copy(src_hbm.at[sid], idx_s)
    pltpu.sync_copy(dst_hbm.at[sid], idx_d)
    plsc.subcore_barrier()

    def gather(j, b):
        pltpu.async_copy(table_hbm.at[cid].at[idx_s.at[j]],
                         rows_v.at[b], gsem[b])

    def scatter(j, b):
        pltpu.async_copy(rows_v.at[b], acc.at[idx_d.at[j]],
                         ssem[b], add=True)

    def wait_scatter(b):
        pltpu.make_async_copy(rows_v.at[b], acc.at[pl.ds(0, CHB)],
                              ssem[b]).wait()

    def wait_gather(b):
        pltpu.make_async_copy(zero_hbm.at[pl.ds(0, CHB)], rows_v.at[b],
                              gsem[b]).wait()

    for b in range(3):
        gather(b, b)

    def body(g, carry):
        for b in range(_NBUF):
            j = g * _NBUF + b
            bn = (b + 3) % _NBUF

            @pl.when(j >= 2)
            def _():
                wait_scatter(bn)

            @pl.when(j < NCHB - 3)
            def _():
                gather(j + 3, bn)

            wait_gather(b)
            scatter(j, b)
        return carry

    lax.fori_loop(0, NCHB // _NBUF, body, 0)
    for j in (NCHB - 2, NCHB - 1):
        wait_scatter(j % _NBUF)
    plsc.subcore_barrier()
    pltpu.sync_copy(acc.at[pl.ds(sid * RPA, RPA)],
                    out_hbm.at[cid, pl.ds(sid * RPA, RPA)])



_BLK = 1280


def _prep_body(x_ref, w_ref, d0_ref, d1_ref, t_ref, dinv_ref):
    dp = d0_ref[...] + d1_ref[...]
    deg = 1.0 + jnp.sum(dp, axis=1, keepdims=True) * (1.0 / DW)
    dinv = lax.rsqrt(deg)
    xw = jnp.dot(x_ref[...], w_ref[...], preferred_element_type=jnp.float32)
    t_ref[...] = dinv * xw
    dinv_ref[...] = dinv


def _tc_prep(x, w1, d0, d1):
    return pl.pallas_call(
        _prep_body,
        grid=(NP // _BLK,),
        in_specs=[
            pl.BlockSpec((_BLK, D), lambda i: (i, 0)),
            pl.BlockSpec((D, D), lambda i: (0, 0)),
            pl.BlockSpec((_BLK, DW), lambda i: (i, 0)),
            pl.BlockSpec((_BLK, DW), lambda i: (i, 0)),
        ],
        out_specs=[
            pl.BlockSpec((_BLK, D), lambda i: (i, 0)),
            pl.BlockSpec((_BLK, 1), lambda i: (i, 0)),
        ],
        out_shape=[
            jax.ShapeDtypeStruct((NP, D), jnp.float32),
            jax.ShapeDtypeStruct((NP, 1), jnp.float32),
        ],
    )(x, w1, d0, d1)


def _mid_body(pa_ref, pb_ref, t_ref, dinv_ref, b_ref, w_ref, out_ref):
    s = jnp.concatenate([pa_ref[0], pb_ref[0]], axis=-1)
    dinv = dinv_ref[...]
    h = dinv * (s + t_ref[...]) + b_ref[...]
    h = jnp.maximum(h, 0.0)
    hw = jnp.dot(h, w_ref[...], preferred_element_type=jnp.float32)
    out_ref[...] = dinv * hw


def _tc_mid(p, t1, dinv, b1, w2):
    half = lambda k: pl.BlockSpec((1, _BLK, W), lambda i, k=k: (k, i, 0))
    return pl.pallas_call(
        _mid_body,
        grid=(NP // _BLK,),
        in_specs=[
            half(0), half(1),
            pl.BlockSpec((_BLK, D), lambda i: (i, 0)),
            pl.BlockSpec((_BLK, 1), lambda i: (i, 0)),
            pl.BlockSpec((1, D), lambda i: (0, 0)),
            pl.BlockSpec((D, D), lambda i: (0, 0)),
        ],
        out_specs=pl.BlockSpec((_BLK, D), lambda i: (i, 0)),
        out_shape=jax.ShapeDtypeStruct((NP, D), jnp.float32),
    )(p, p, t1, dinv, b1, w2)


def _out_body(qa_ref, qb_ref, t_ref, dinv_ref, b_ref, out_ref):
    s = jnp.concatenate([qa_ref[0], qb_ref[0]], axis=-1)
    out_ref[...] = dinv_ref[...] * (s + t_ref[...]) + b_ref[...]


def _tc_out(q, t2, dinv, b2):
    half = lambda k: pl.BlockSpec((1, _BLK, W), lambda i, k=k: (k, i, 0))
    return pl.pallas_call(
        _out_body,
        grid=(NP // _BLK,),
        in_specs=[
            half(0), half(1),
            pl.BlockSpec((_BLK, D), lambda i: (i, 0)),
            pl.BlockSpec((_BLK, 1), lambda i: (i, 0)),
            pl.BlockSpec((1, D), lambda i: (0, 0)),
        ],
        out_specs=pl.BlockSpec((_BLK, D), lambda i: (i, 0)),
        out_shape=jax.ShapeDtypeStruct((NP, D), jnp.float32),
    )(q, q, t2, dinv, b2)



def kernel(x, edge_index, W1, b1, W2, b2):
    ei = edge_index.astype(jnp.int32)
    padw = EPW * NW - E
    dstw = jnp.concatenate([ei[1], jnp.full((padw,), N, jnp.int32)]
                           ).reshape(NW, EPW)
    pads = EPS * NS - E
    srcs = jnp.concatenate([ei[0], jnp.zeros((pads,), jnp.int32)]
                           ).reshape(NS, NCHB, CHB)
    dsts = jnp.concatenate([ei[1], jnp.full((pads,), N, jnp.int32)]
                           ).reshape(NS, NCHB, CHB)
    x_p = jnp.pad(x, ((0, NP - N), (0, 0)))
    zero_w = jnp.zeros((RPS, W), jnp.float32)
    zero_deg = jnp.zeros((RPS, DW), jnp.float32)
    ones_deg = jnp.ones((CHD, DW), jnp.float32)

    degp = _sc_degree(dstw, zero_deg, ones_deg)
    t1, dinv = _tc_prep(x_p, W1, degp[0], degp[1])
    t1s = jnp.stack([t1[:, :W], t1[:, W:]])
    p = _sc_scatter(t1s, srcs, dsts, zero_w)
    t2 = _tc_mid(p, t1, dinv, b1.reshape(1, D), W2)
    t2s = jnp.stack([t2[:, :W], t2[:, W:]])
    q = _sc_scatter(t2s, srcs, dsts, zero_w)
    out = _tc_out(q, t2, dinv, b2.reshape(1, D))
    return out[:N]

# --- scband reference (transcript-rebuilt; emitter-appended) ---
"""Pipeline reference for scband-traffic-gnn-17875653885965 (READ-ONLY COPY).

The authoritative reference and input builder live on the scoring server;
editing this copy changes nothing except your own understanding.
"""

import jax, jax.numpy as jnp
import numpy as np

N_NODES = 10000
N_EDGES = 320000
D_IN = 128
D_HID = 128
D_OUT = 128


def setup_inputs(seed: int = 0) -> dict:
    key = jax.random.key(seed)
    k_x, k_e, k_w1, k_b1, k_w2, k_b2 = jax.random.split(key, 6)
    x = jax.random.normal(k_x, (N_NODES, D_IN), dtype=jnp.float32)
    edge_index = jax.random.randint(k_e, (2, N_EDGES), 0, N_NODES, dtype=jnp.int64)
    # GCNConv weights (glorot-like init) and biases
    W1 = jax.random.normal(k_w1, (D_IN, D_HID), dtype=jnp.float32) * (1.0 / np.sqrt(D_IN))
    b1 = jnp.zeros((D_HID,), dtype=jnp.float32)
    W2 = jax.random.normal(k_w2, (D_HID, D_OUT), dtype=jnp.float32) * (1.0 / np.sqrt(D_HID))
    b2 = jnp.zeros((D_OUT,), dtype=jnp.float32)
    return {"x": x, "edge_index": edge_index, "W1": W1, "b1": b1, "W2": W2, "b2": b2}


def _gcn_conv(x, edge_index, W, b):
    # Faithful GCNConv: x' = D^{-1/2} (A + I) D^{-1/2} X W + b
    n = x.shape[0]
    loop = jnp.arange(n, dtype=edge_index.dtype)
    src = jnp.concatenate([edge_index[0], loop])
    dst = jnp.concatenate([edge_index[1], loop])
    # degree of A + I counted on destination nodes
    deg = jnp.zeros((n,), dtype=jnp.float32).at[dst].add(1.0)
    deg_inv_sqrt = jnp.where(deg > 0, 1.0 / jnp.sqrt(deg), 0.0)
    norm = deg_inv_sqrt[src] * deg_inv_sqrt[dst]
    xw = x @ W
    msgs = jnp.take(xw, src, axis=0) * norm[:, None]
    out = jnp.zeros((n, W.shape[1]), dtype=x.dtype).at[dst].add(msgs)
    return out + b


def reference(x, edge_index, W1, b1, W2, b2):
    h = _gcn_conv(x, edge_index, W1, b1)
    h = jax.nn.relu(h)
    out = _gcn_conv(h, edge_index, W2, b2)
    return out

if __name__ == "__main__":
    import jax
    _d = setup_inputs()
    print(jax.jit(kernel)(*tuple(_d.values())))

</pallas_src>

<mosaic_0001>
#map = affine_map<(d0, d1) -> (0, 0)>
#map1 = affine_map<(d0, d1) -> (0, 0, 0)>
module attributes {stable_mosaic.version = 14 : i64} {
  func.func @_sc_degree(%arg0: i32, %arg1: i32, %arg2: memref<32x10240xi32, #tpu.memory_space<hbm>>, %arg3: memref<640x16xf32, #tpu.memory_space<hbm>>, %arg4: memref<512x16xf32, #tpu.memory_space<hbm>>, %arg5: memref<2x10240x16xf32, #tpu.memory_space<hbm>>, %arg6: memref<10240xi32, #tpu.memory_space<vmem>>, %arg7: memref<512x16xf32, #tpu.memory_space<vmem>>, %arg8: memref<10240x16xf32, #tpu.memory_space<vmem_shared>>, %arg9: memref<!tpu.dma_semaphore, #tpu.memory_space<semaphore_mem>>, %arg10: memref<!tpu.dma_semaphore, #tpu.memory_space<semaphore_mem>>, %arg11: memref<!tpu.dma_semaphore, #tpu.memory_space<semaphore_mem>>, %arg12: memref<!tpu.dma_semaphore, #tpu.memory_space<semaphore_mem>>) attributes {dimension_semantics = [#tpu.dimension_semantics<core_parallel>, #tpu.dimension_semantics<subcore_parallel>], iteration_bounds = array<i64: 2, 16>, scalar_prefetch = 0 : i64, scratch_operands = 7 : i64, tpu.core_type = #tpu.core_type<sc_vector_subcore>, window_params = [{transform_indices = #map}, {transform_indices = #map}, {transform_indices = #map}, {transform_indices = #map1}]} {
    %mul3A = arith.constant 2 : i32
    %mul3A_0 = arith.muli %arg1, %mul3A : i32
    %add3A = arith.addi %mul3A_0, %arg0 : i32
    %mul3A_1 = arith.constant 640 : i32
    %mul3A_2 = arith.muli %arg1, %mul3A_1 : i32
    "tpu.region"() ({
      %run_scoped3A = tpu.sem_alloc : memref<!tpu.dma_semaphore, #tpu.memory_space<semaphore_mem>>
      %dma_start3A = arith.constant 0 : i32
      %dma_start3A_36 = tpu.memref_slice %arg8[%mul3A_2, %dma_start3A] : memref<10240x16xf32, #tpu.memory_space<vmem_shared>> -> memref<640x16xf32, #tpu.memory_space<vmem_shared>>
      tpu.enqueue_dma source(%arg3 : memref<640x16xf32, #tpu.memory_space<hbm>>) target(%dma_start3A_36 : memref<640x16xf32, #tpu.memory_space<vmem_shared>>) target_semaphore(%run_scoped3A : memref<!tpu.dma_semaphore, #tpu.memory_space<semaphore_mem>>)
      %dma_wait3A_37 = arith.constant 0 : i32
      %dma_wait3A_38 = tpu.memref_slice %arg8[%mul3A_2, %dma_wait3A_37] : memref<10240x16xf32, #tpu.memory_space<vmem_shared>> -> memref<640x16xf32, #tpu.memory_space<vmem_shared>>
      tpu.wait_dma2 semaphore(%run_scoped3A : memref<!tpu.dma_semaphore, #tpu.memory_space<semaphore_mem>>) src(%arg3 : memref<640x16xf32, #tpu.memory_space<hbm>>) dst(%dma_wait3A_38 : memref<640x16xf32, #tpu.memory_space<vmem_shared>>)
      tpu.yield
    }) : () -> ()
    "tpu.region"() ({
      %run_scoped3A = tpu.sem_alloc : memref<!tpu.dma_semaphore, #tpu.memory_space<semaphore_mem>>
      tpu.enqueue_dma source(%arg4 : memref<512x16xf32, #tpu.memory_space<hbm>>) target(%arg7 : memref<512x16xf32, #tpu.memory_space<vmem>>) target_semaphore(%run_scoped3A : memref<!tpu.dma_semaphore, #tpu.memory_space<semaphore_mem>>)
      tpu.wait_dma2 semaphore(%run_scoped3A : memref<!tpu.dma_semaphore, #tpu.memory_space<semaphore_mem>>) src(%arg4 : memref<512x16xf32, #tpu.memory_space<hbm>>) dst(%arg7 : memref<512x16xf32, #tpu.memory_space<vmem>>)
      tpu.yield
    }) : () -> ()
    "tpu.region"() ({
      %run_scoped3A = tpu.sem_alloc : memref<!tpu.dma_semaphore, #tpu.memory_space<semaphore_mem>>
      %dma_start3A = arith.constant 0 : i32
      %dma_start3A_36 = tpu.memref_slice %arg2[%add3A, %dma_start3A] : memref<32x10240xi32, #tpu.memory_space<hbm>> -> memref<1x10240xi32, #tpu.memory_space<hbm>>
      %dma_start3A_37 = tpu.memref_squeeze %dma_start3A_36 : memref<1x10240xi32, #tpu.memory_space<hbm>> -> memref<10240xi32, #tpu.memory_space<hbm>>
      %dma_start3A_38 = arith.constant 0 : i32
      %dma_start3A_39 = tpu.memref_slice %arg2[%add3A, %dma_start3A_38] : memref<32x10240xi32, #tpu.memory_space<hbm>> -> memref<1x10240xi32, #tpu.memory_space<hbm>>
      %dma_start3A_40 = tpu.memref_squeeze %dma_start3A_39 : memref<1x10240xi32, #tpu.memory_space<hbm>> -> memref<10240xi32, #tpu.memory_space<hbm>>
      tpu.enqueue_dma source(%dma_start3A_40 : memref<10240xi32, #tpu.memory_space<hbm>>) target(%arg6 : memref<10240xi32, #tpu.memory_space<vmem>>) target_semaphore(%run_scoped3A : memref<!tpu.dma_semaphore, #tpu.memory_space<semaphore_mem>>)
      %dma_wait3A_41 = arith.constant 0 : i32
      %dma_wait3A_42 = tpu.memref_slice %arg2[%add3A, %dma_wait3A_41] : memref<32x10240xi32, #tpu.memory_space<hbm>> -> memref<1x10240xi32, #tpu.memory_space<hbm>>
      %dma_wait3A_43 = tpu.memref_squeeze %dma_wait3A_42 : memref<1x10240xi32, #tpu.memory_space<hbm>> -> memref<10240xi32, #tpu.memory_space<hbm>>
      %dma_wait3A_44 = arith.constant 0 : i32
      %dma_wait3A_45 = tpu.memref_slice %arg2[%add3A, %dma_wait3A_44] : memref<32x10240xi32, #tpu.memory_space<hbm>> -> memref<1x10240xi32, #tpu.memory_space<hbm>>
      %dma_wait3A_46 = tpu.memref_squeeze %dma_wait3A_45 : memref<1x10240xi32, #tpu.memory_space<hbm>> -> memref<10240xi32, #tpu.memory_space<hbm>>
      tpu.wait_dma2 semaphore(%run_scoped3A : memref<!tpu.dma_semaphore, #tpu.memory_space<semaphore_mem>>) src(%dma_wait3A_46 : memref<10240xi32, #tpu.memory_space<hbm>>) dst(%arg6 : memref<10240xi32, #tpu.memory_space<vmem>>)
      tpu.yield
    }) : () -> ()
    %barrier3A = arith.constant 0 : index
    tpu.barrier barrier_id(%barrier3A)
    %scan3A = arith.constant 0 : i32
    %scan3A_3 = arith.constant 0 : i32
    %scan3A_4 = arith.constant 5 : i32
    %scan3A_5 = arith.addi %scan3A_3, %scan3A_4 : i32
    %scan3A_6 = arith.constant 1 : i32
    scf.for %scan3A_36 = %scan3A_3 to %scan3A_5 step %scan3A_6  : i32 {
      %mul3A_37 = arith.constant 4 : i32
      %mul3A_38 = arith.muli %scan3A_36, %mul3A_37 : i32
      %add3A_39 = arith.constant 0 : i32
      %add3A_40 = arith.addi %mul3A_38, %add3A_39 : i32
      %gt3A = arith.constant 0 : i32
      %gt3A_41 = arith.cmpi sgt, %scan3A_36, %gt3A : i32
      %convert_element_type3A = arith.extui %gt3A_41 : i1 to i32
      %cond3A = arith.constant 0 : i32
      %cond3A_42 = arith.cmpi ne, %convert_element_type3A, %cond3A : i32
      scf.if %cond3A_42 {
        %dma_wait3A_93 = arith.constant 0 : i32
        %dma_wait3A_94 = arith.constant 0 : i32
        %dma_wait3A_95 = tpu.memref_slice %arg8[%dma_wait3A_93, %dma_wait3A_94] : memref<10240x16xf32, #tpu.memory_space<vmem_shared>> -> memref<512x16xf32, #tpu.memory_space<vmem_shared>>
        %dma_wait3A_96 = arith.constant 0 : i32
        %dma_wait3A_97 = arith.constant 0 : i32
        %dma_wait3A_98 = tpu.memref_slice %arg8[%dma_wait3A_96, %dma_wait3A_97] : memref<10240x16xf32, #tpu.memory_space<vmem_shared>> -> memref<512x16xf32, #tpu.memory_space<vmem_shared>>
        tpu.wait_dma2 semaphore(%arg9 : memref<!tpu.dma_semaphore, #tpu.memory_space<semaphore_mem>>) src(%arg7 : memref<512x16xf32, #tpu.memory_space<vmem>>) dst(%dma_wait3A_98 : memref<512x16xf32, #tpu.memory_space<vmem_shared>>)
      } else {
      }
      %mul3A_43 = arith.constant 512 : i32
      %mul3A_44 = arith.muli %add3A_40, %mul3A_43 : i32
      %dma_start3A = tpu.memref_slice %arg6[%mul3A_44] : memref<10240xi32, #tpu.memory_space<vmem>> -> memref<512xi32, #tpu.memory_space<vmem>>
      %dma_start3A_45 = arith.constant 0 : i32
      %dma_start3A_46 = arith.constant 0 : i32
      %dma_start3A_47 = tpu.memref_slice %arg8[%dma_start3A_45, %dma_start3A_46] : memref<10240x16xf32, #tpu.memory_space<vmem_shared>> -> memref<10240x16xf32, #tpu.memory_space<vmem_shared>>
      tpu.enqueue_indirect_dma source(%arg7 : memref<512x16xf32, #tpu.memory_space<vmem>>) target(%dma_start3A_47 : memref<10240x16xf32, #tpu.memory_space<vmem_shared>>) offsets(%dma_start3A : memref<512xi32, #tpu.memory_space<vmem>>) semaphore(%arg9 : memref<!tpu.dma_semaphore, #tpu.memory_space<semaphore_mem>>) {add = true}
      %mul3A_48 = arith.constant 4 : i32
      %mul3A_49 = arith.muli %scan3A_36, %mul3A_48 : i32
      %add3A_50 = arith.constant 1 : i32
      %add3A_51 = arith.addi %mul3A_49, %add3A_50 : i32
      %gt3A_52 = arith.constant 0 : i32
      %gt3A_53 = arith.cmpi sgt, %scan3A_36, %gt3A_52 : i32
      %convert_element_type3A_54 = arith.extui %gt3A_53 : i1 to i32
      %cond3A_55 = arith.constant 0 : i32
      %cond3A_56 = arith.cmpi ne, %convert_element_type3A_54, %cond3A_55 : i32
      scf.if %cond3A_56 {
        %dma_wait3A_93 = arith.constant 0 : i32
        %dma_wait3A_94 = arith.constant 0 : i32
        %dma_wait3A_95 = tpu.memref_slice %arg8[%dma_wait3A_93, %dma_wait3A_94] : memref<10240x16xf32, #tpu.memory_space<vmem_shared>> -> memref<512x16xf32, #tpu.memory_space<vmem_shared>>
        %dma_wait3A_96 = arith.constant 0 : i32
        %dma_wait3A_97 = arith.constant 0 : i32
        %dma_wait3A_98 = tpu.memref_slice %arg8[%dma_wait3A_96, %dma_wait3A_97] : memref<10240x16xf32, #tpu.memory_space<vmem_shared>> -> memref<512x16xf32, #tpu.memory_space<vmem_shared>>
        tpu.wait_dma2 semaphore(%arg10 : memref<!tpu.dma_semaphore, #tpu.memory_space<semaphore_mem>>) src(%arg7 : memref<512x16xf32, #tpu.memory_space<vmem>>) dst(%dma_wait3A_98 : memref<512x16xf32, #tpu.memory_space<vmem_shared>>)
      } else {
      }
      %mul3A_57 = arith.constant 512 : i32
      %mul3A_58 = arith.muli %add3A_51, %mul3A_57 : i32
      %dma_start3A_59 = tpu.memref_slice %arg6[%mul3A_58] : memref<10240xi32, #tpu.memory_space<vmem>> -> memref<512xi32, #tpu.memory_space<vmem>>
      %dma_start3A_60 = arith.constant 0 : i32
      %dma_start3A_61 = arith.constant 0 : i32
      %dma_start3A_62 = tpu.memref_slice %arg8[%dma_start3A_60, %dma_start3A_61] : memref<10240x16xf32, #tpu.memory_space<vmem_shared>> -> memref<10240x16xf32, #tpu.memory_space<vmem_shared>>
      tpu.enqueue_indirect_dma source(%arg7 : memref<512x16xf32, #tpu.memory_space<vmem>>) target(%dma_start3A_62 : memref<10240x16xf32, #tpu.memory_space<vmem_shared>>) offsets(%dma_start3A_59 : memref<512xi32, #tpu.memory_space<vmem>>) semaphore(%arg10 : memref<!tpu.dma_semaphore, #tpu.memory_space<semaphore_mem>>) {add = true}
      %mul3A_63 = arith.constant 4 : i32
      %mul3A_64 = arith.muli %scan3A_36, %mul3A_63 : i32
      %add3A_65 = arith.constant 2 : i32
      %add3A_66 = arith.addi %mul3A_64, %add3A_65 : i32
      %gt3A_67 = arith.constant 0 : i32
      %gt3A_68 = arith.cmpi sgt, %scan3A_36, %gt3A_67 : i32
      %convert_element_type3A_69 = arith.extui %gt3A_68 : i1 to i32
      %cond3A_70 = arith.constant 0 : i32
      %cond3A_71 = arith.cmpi ne, %convert_element_type3A_69, %cond3A_70 : i32
      scf.if %cond3A_71 {
        %dma_wait3A_93 = arith.constant 0 : i32
        %dma_wait3A_94 = arith.constant 0 : i32
        %dma_wait3A_95 = tpu.memref_slice %arg8[%dma_wait3A_93, %dma_wait3A_94] : memref<10240x16xf32, #tpu.memory_space<vmem_shared>> -> memref<512x16xf32, #tpu.memory_space<vmem_shared>>
        %dma_wait3A_96 = arith.constant 0 : i32
        %dma_wait3A_97 = arith.constant 0 : i32
        %dma_wait3A_98 = tpu.memref_slice %arg8[%dma_wait3A_96, %dma_wait3A_97] : memref<10240x16xf32, #tpu.memory_space<vmem_shared>> -> memref<512x16xf32, #tpu.memory_space<vmem_shared>>
        tpu.wait_dma2 semaphore(%arg11 : memref<!tpu.dma_semaphore, #tpu.memory_space<semaphore_mem>>) src(%arg7 : memref<512x16xf32, #tpu.memory_space<vmem>>) dst(%dma_wait3A_98 : memref<512x16xf32, #tpu.memory_space<vmem_shared>>)
      } else {
      }
      %mul3A_72 = arith.constant 512 : i32
      %mul3A_73 = arith.muli %add3A_66, %mul3A_72 : i32
      %dma_start3A_74 = tpu.memref_slice %arg6[%mul3A_73] : memref<10240xi32, #tpu.memory_space<vmem>> -> memref<512xi32, #tpu.memory_space<vmem>>
      %dma_start3A_75 = arith.constant 0 : i32
      %dma_start3A_76 = arith.constant 0 : i32
      %dma_start3A_77 = tpu.memref_slice %arg8[%dma_start3A_75, %dma_start3A_76] : memref<10240x16xf32, #tpu.memory_space<vmem_shared>> -> memref<10240x16xf32, #tpu.memory_space<vmem_shared>>
      tpu.enqueue_indirect_dma source(%arg7 : memref<512x16xf32, #tpu.memory_space<vmem>>) target(%dma_start3A_77 : memref<10240x16xf32, #tpu.memory_space<vmem_shared>>) offsets(%dma_start3A_74 : memref<512xi32, #tpu.memory_space<vmem>>) semaphore(%arg11 : memref<!tpu.dma_semaphore, #tpu.memory_space<semaphore_mem>>) {add = true}
      %mul3A_78 = arith.constant 4 : i32
      %mul3A_79 = arith.muli %scan3A_36, %mul3A_78 : i32
      %add3A_80 = arith.constant 3 : i32
      %add3A_81 = arith.addi %mul3A_79, %add3A_80 : i32
      %gt3A_82 = arith.constant 0 : i32
      %gt3A_83 = arith.cmpi sgt, %scan3A_36, %gt3A_82 : i32
      %convert_element_type3A_84 = arith.extui %gt3A_83 : i1 to i32
      %cond3A_85 = arith.constant 0 : i32
      %cond3A_86 = arith.cmpi ne, %convert_element_type3A_84, %cond3A_85 : i32
      scf.if %cond3A_86 {
        %dma_wait3A_93 = arith.constant 0 : i32
        %dma_wait3A_94 = arith.constant 0 : i32
        %dma_wait3A_95 = tpu.memref_slice %arg8[%dma_wait3A_93, %dma_wait3A_94] : memref<10240x16xf32, #tpu.memory_space<vmem_shared>> -> memref<512x16xf32, #tpu.memory_space<vmem_shared>>
        %dma_wait3A_96 = arith.constant 0 : i32
        %dma_wait3A_97 = arith.constant 0 : i32
        %dma_wait3A_98 = tpu.memref_slice %arg8[%dma_wait3A_96, %dma_wait3A_97] : memref<10240x16xf32, #tpu.memory_space<vmem_shared>> -> memref<512x16xf32, #tpu.memory_space<vmem_shared>>
        tpu.wait_dma2 semaphore(%arg12 : memref<!tpu.dma_semaphore, #tpu.memory_space<semaphore_mem>>) src(%arg7 : memref<512x16xf32, #tpu.memory_space<vmem>>) dst(%dma_wait3A_98 : memref<512x16xf32, #tpu.memory_space<vmem_shared>>)
      } else {
      }
      %mul3A_87 = arith.constant 512 : i32
      %mul3A_88 = arith.muli %add3A_81, %mul3A_87 : i32
      %dma_start3A_89 = tpu.memref_slice %arg6[%mul3A_88] : memref<10240xi32, #tpu.memory_space<vmem>> -> memref<512xi32, #tpu.memory_space<vmem>>
      %dma_start3A_90 = arith.constant 0 : i32
      %dma_start3A_91 = arith.constant 0 : i32
      %dma_start3A_92 = tpu.memref_slice %arg8[%dma_start3A_90, %dma_start3A_91] : memref<10240x16xf32, #tpu.memory_space<vmem_shared>> -> memref<10240x16xf32, #tpu.memory_space<vmem_shared>>
      tpu.enqueue_indirect_dma source(%arg7 : memref<512x16xf32, #tpu.memory_space<vmem>>) target(%dma_start3A_92 : memref<10240x16xf32, #tpu.memory_space<vmem_shared>>) offsets(%dma_start3A_89 : memref<512xi32, #tpu.memory_space<vmem>>) semaphore(%arg12 : memref<!tpu.dma_semaphore, #tpu.memory_space<semaphore_mem>>) {add = true}
    }
    %scan3A_7 = arith.constant 5 : i32
    %dma_wait3A = arith.constant 0 : i32
    %dma_wait3A_8 = arith.constant 0 : i32
    %dma_wait3A_9 = tpu.memref_slice %arg8[%dma_wait3A, %dma_wait3A_8] : memref<10240x16xf32, #tpu.memory_space<vmem_shared>> -> memref<512x16xf32, #tpu.memory_space<vmem_shared>>
    %dma_wait3A_10 = arith.constant 0 : i32
    %dma_wait3A_11 = arith.constant 0 : i32
    %dma_wait3A_12 = tpu.memref_slice %arg8[%dma_wait3A_10, %dma_wait3A_11] : memref<10240x16xf32, #tpu.memory_space<vmem_shared>> -> memref<512x16xf32, #tpu.memory_space<vmem_shared>>
    tpu.wait_dma2 semaphore(%arg9 : memref<!tpu.dma_semaphore, #tpu.memory_space<semaphore_mem>>) src(%arg7 : memref<512x16xf32, #tpu.memory_space<vmem>>) dst(%dma_wait3A_12 : memref<512x16xf32, #tpu.memory_space<vmem_shared>>)
    %dma_wait3A_13 = arith.constant 0 : i32
    %dma_wait3A_14 = arith.constant 0 : i32
    %dma_wait3A_15 = tpu.memref_slice %arg8[%dma_wait3A_13, %dma_wait3A_14] : memref<10240x16xf32, #tpu.memory_space<vmem_shared>> -> memref<512x16xf32, #tpu.memory_space<vmem_shared>>
    %dma_wait3A_16 = arith.constant 0 : i32
    %dma_wait3A_17 = arith.constant 0 : i32
    %dma_wait3A_18 = tpu.memref_slice %arg8[%dma_wait3A_16, %dma_wait3A_17] : memref<10240x16xf32, #tpu.memory_space<vmem_shared>> -> memref<512x16xf32, #tpu.memory_space<vmem_shared>>
    tpu.wait_dma2 semaphore(%arg10 : memref<!tpu.dma_semaphore, #tpu.memory_space<semaphore_mem>>) src(%arg7 : memref<512x16xf32, #tpu.memory_space<vmem>>) dst(%dma_wait3A_18 : memref<512x16xf32, #tpu.memory_space<vmem_shared>>)
    %dma_wait3A_19 = arith.constant 0 : i32
    %dma_wait3A_20 = arith.constant 0 : i32
    %dma_wait3A_21 = tpu.memref_slice %arg8[%dma_wait3A_19, %dma_wait3A_20] : memref<10240x16xf32, #tpu.memory_space<vmem_shared>> -> memref<512x16xf32, #tpu.memory_space<vmem_shared>>
    %dma_wait3A_22 = arith.constant 0 : i32
    %dma_wait3A_23 = arith.constant 0 : i32
    %dma_wait3A_24 = tpu.memref_slice %arg8[%dma_wait3A_22, %dma_wait3A_23] : memref<10240x16xf32, #tpu.memory_space<vmem_shared>> -> memref<512x16xf32, #tpu.memory_space<vmem_shared>>
    tpu.wait_dma2 semaphore(%arg11 : memref<!tpu.dma_semaphore, #tpu.memory_space<semaphore_mem>>) src(%arg7 : memref<512x16xf32, #tpu.memory_space<vmem>>) dst(%dma_wait3A_24 : memref<512x16xf32, #tpu.memory_space<vmem_shared>>)
    %dma_wait3A_25 = arith.constant 0 : i32
    %dma_wait3A_26 = arith.constant 0 : i32
    %dma_wait3A_27 = tpu.memref_slice %arg8[%dma_wait3A_25, %dma_wait3A_26] : memref<10240x16xf32, #tpu.memory_space<vmem_shared>> -> memref<512x16xf32, #tpu.memory_space<vmem_shared>>
    %dma_wait3A_28 = arith.constant 0 : i32
    %dma_wait3A_29 = arith.constant 0 : i32
    %dma_wait3A_30 = tpu.memref_slice %arg8[%dma_wait3A_28, %dma_wait3A_29] : memref<10240x16xf32, #tpu.memory_space<vmem_shared>> -> memref<512x16xf32, #tpu.memory_space<vmem_shared>>
    tpu.wait_dma2 semaphore(%arg12 : memref<!tpu.dma_semaphore, #tpu.memory_space<semaphore_mem>>) src(%arg7 : memref<512x16xf32, #tpu.memory_space<vmem>>) dst(%dma_wait3A_30 : memref<512x16xf32, #tpu.memory_space<vmem_shared>>)
    %barrier3A_31 = arith.constant 0 : index
    tpu.barrier barrier_id(%barrier3A_31)
    %mul3A_32 = arith.constant 640 : i32
    %mul3A_33 = arith.muli %arg1, %mul3A_32 : i32
    %mul3A_34 = arith.constant 640 : i32
    %mul3A_35 = arith.muli %arg1, %mul3A_34 : i32
    "tpu.region"() ({
      %run_scoped3A = tpu.sem_alloc : memref<!tpu.dma_semaphore, #tpu.memory_space<semaphore_mem>>
      %dma_start3A = arith.constant 0 : i32
      %dma_start3A_36 = tpu.memref_slice %arg5[%arg0, %mul3A_35, %dma_start3A] : memref<2x10240x16xf32, #tpu.memory_space<hbm>> -> memref<1x640x16xf32, #tpu.memory_space<hbm>>
      %dma_start3A_37 = tpu.memref_squeeze %dma_start3A_36 : memref<1x640x16xf32, #tpu.memory_space<hbm>> -> memref<640x16xf32, #tpu.memory_space<hbm>>
      %dma_start3A_38 = arith.constant 0 : i32
      %dma_start3A_39 = tpu.memref_slice %arg8[%mul3A_33, %dma_start3A_38] : memref<10240x16xf32, #tpu.memory_space<vmem_shared>> -> memref<640x16xf32, #tpu.memory_space<vmem_shared>>
      tpu.enqueue_dma source(%dma_start3A_39 : memref<640x16xf32, #tpu.memory_space<vmem_shared>>) target(%dma_start3A_37 : memref<640x16xf32, #tpu.memory_space<hbm>>) target_semaphore(%run_scoped3A : memref<!tpu.dma_semaphore, #tpu.memory_space<semaphore_mem>>)
      %dma_wait3A_40 = arith.constant 0 : i32
      %dma_wait3A_41 = tpu.memref_slice %arg5[%arg0, %mul3A_35, %dma_wait3A_40] : memref<2x10240x16xf32, #tpu.memory_space<hbm>> -> memref<1x640x16xf32, #tpu.memory_space<hbm>>
      %dma_wait3A_42 = tpu.memref_squeeze %dma_wait3A_41 : memref<1x640x16xf32, #tpu.memory_space<hbm>> -> memref<640x16xf32, #tpu.memory_space<hbm>>
      %dma_wait3A_43 = arith.constant 0 : i32
      %dma_wait3A_44 = tpu.memref_slice %arg8[%mul3A_33, %dma_wait3A_43] : memref<10240x16xf32, #tpu.memory_space<vmem_shared>> -> memref<640x16xf32, #tpu.memory_space<vmem_shared>>
      tpu.wait_dma2 semaphore(%run_scoped3A : memref<!tpu.dma_semaphore, #tpu.memory_space<semaphore_mem>>) src(%dma_wait3A_44 : memref<640x16xf32, #tpu.memory_space<vmem_shared>>) dst(%dma_wait3A_42 : memref<640x16xf32, #tpu.memory_space<hbm>>)
      tpu.yield
    }) : () -> ()
    return
  }
}

#map = affine_map<(d0, d1) -> (0, 0, 0)>
#map1 = affine_map<(d0, d1) -> (0, 0)>
module attributes {stable_mosaic.version = 14 : i64} {
  func.func @_sc_scatter(%arg0: i32, %arg1: i32, %arg2: memref<2x10240x64xf32, #tpu.memory_space<hbm>>, %arg3: memref<16x160x128xi32, #tpu.memory_space<hbm>>, %arg4: memref<16x160x128xi32, #tpu.memory_space<hbm>>, %arg5: memref<640x64xf32, #tpu.memory_space<hbm>>, %arg6: memref<2x10240x64xf32, #tpu.memory_space<hbm>>, %arg7: memref<160x128xi32, #tpu.memory_space<vmem>>, %arg8: memref<160x128xi32, #tpu.memory_space<vmem>>, %arg9: memref<5x128x64xf32, #tpu.memory_space<vmem>>, %arg10: memref<10240x64xf32, #tpu.memory_space<vmem_shared>>, %arg11: memref<!tpu.dma_semaphore, #tpu.memory_space<semaphore_mem>>, %arg12: memref<!tpu.dma_semaphore, #tpu.memory_space<semaphore_mem>>, %arg13: memref<!tpu.dma_semaphore, #tpu.memory_space<semaphore_mem>>, %arg14: memref<!tpu.dma_semaphore, #tpu.memory_space<semaphore_mem>>, %arg15: memref<!tpu.dma_semaphore, #tpu.memory_space<semaphore_mem>>, %arg16: memref<!tpu.dma_semaphore, #tpu.memory_space<semaphore_mem>>, %arg17: memref<!tpu.dma_semaphore, #tpu.memory_space<semaphore_mem>>, %arg18: memref<!tpu.dma_semaphore, #tpu.memory_space<semaphore_mem>>, %arg19: memref<!tpu.dma_semaphore, #tpu.memory_space<semaphore_mem>>, %arg20: memref<!tpu.dma_semaphore, #tpu.memory_space<semaphore_mem>>) attributes {dimension_semantics = [#tpu.dimension_semantics<core_parallel>, #tpu.dimension_semantics<subcore_parallel>], iteration_bounds = array<i64: 2, 16>, scalar_prefetch = 0 : i64, scratch_operands = 14 : i64, tpu.core_type = #tpu.core_type<sc_vector_subcore>, window_params = [{transform_indices = #map}, {transform_indices = #map}, {transform_indices = #map}, {transform_indices = #map1}, {transform_indices = #map}]} {
    %mul3A = arith.constant 640 : i32
    %mul3A_0 = arith.muli %arg1, %mul3A : i32
    "tpu.region"() ({
      %run_scoped3A = tpu.sem_alloc : memref<!tpu.dma_semaphore, #tpu.memory_space<semaphore_mem>>
      %dma_start3A_87 = arith.constant 0 : i32
      %dma_start3A_88 = tpu.memref_slice %arg10[%mul3A_0, %dma_start3A_87] : memref<10240x64xf32, #tpu.memory_space<vmem_shared>> -> memref<640x64xf32, #tpu.memory_space<vmem_shared>>
      %dma_start3A_89 = arith.constant 0 : i32
      %dma_start3A_90 = arith.constant 0 : i32
      %dma_start3A_91 = tpu.memref_slice %arg5[%dma_start3A_89, %dma_start3A_90] : memref<640x64xf32, #tpu.memory_space<hbm>> -> memref<640x64xf32, #tpu.memory_space<hbm>>
      tpu.enqueue_dma source(%dma_start3A_91 : memref<640x64xf32, #tpu.memory_space<hbm>>) target(%dma_start3A_88 : memref<640x64xf32, #tpu.memory_space<vmem_shared>>) target_semaphore(%run_scoped3A : memref<!tpu.dma_semaphore, #tpu.memory_space<semaphore_mem>>)
      %dma_wait3A_92 = arith.constant 0 : i32
      %dma_wait3A_93 = tpu.memref_slice %arg10[%mul3A_0, %dma_wait3A_92] : memref<10240x64xf32, #tpu.memory_space<vmem_shared>> -> memref<640x64xf32, #tpu.memory_space<vmem_shared>>
      %dma_wait3A_94 = arith.constant 0 : i32
      %dma_wait3A_95 = arith.constant 0 : i32
      %dma_wait3A_96 = tpu.memref_slice %arg5[%dma_wait3A_94, %dma_wait3A_95] : memref<640x64xf32, #tpu.memory_space<hbm>> -> memref<640x64xf32, #tpu.memory_space<hbm>>
      tpu.wait_dma2 semaphore(%run_scoped3A : memref<!tpu.dma_semaphore, #tpu.memory_space<semaphore_mem>>) src(%dma_wait3A_96 : memref<640x64xf32, #tpu.memory_space<hbm>>) dst(%dma_wait3A_93 : memref<640x64xf32, #tpu.memory_space<vmem_shared>>)
      tpu.yield
    }) : () -> ()
    "tpu.region"() ({
      %run_scoped3A = tpu.sem_alloc : memref<!tpu.dma_semaphore, #tpu.memory_space<semaphore_mem>>
      %dma_start3A_87 = arith.constant 0 : i32
      %dma_start3A_88 = arith.constant 0 : i32
      %dma_start3A_89 = tpu.memref_slice %arg3[%arg1, %dma_start3A_87, %dma_start3A_88] : memref<16x160x128xi32, #tpu.memory_space<hbm>> -> memref<1x160x128xi32, #tpu.memory_space<hbm>>
      %dma_start3A_90 = tpu.memref_squeeze %dma_start3A_89 : memref<1x160x128xi32, #tpu.memory_space<hbm>> -> memref<160x128xi32, #tpu.memory_space<hbm>>
      %dma_start3A_91 = arith.constant 0 : i32
      %dma_start3A_92 = arith.constant 0 : i32
      %dma_start3A_93 = tpu.memref_slice %arg3[%arg1, %dma_start3A_91, %dma_start3A_92] : memref<16x160x128xi32, #tpu.memory_space<hbm>> -> memref<1x160x128xi32, #tpu.memory_space<hbm>>
      %dma_start3A_94 = tpu.memref_squeeze %dma_start3A_93 : memref<1x160x128xi32, #tpu.memory_space<hbm>> -> memref<160x128xi32, #tpu.memory_space<hbm>>
      tpu.enqueue_dma source(%dma_start3A_94 : memref<160x128xi32, #tpu.memory_space<hbm>>) target(%arg7 : memref<160x128xi32, #tpu.memory_space<vmem>>) target_semaphore(%run_scoped3A : memref<!tpu.dma_semaphore, #tpu.memory_space<semaphore_mem>>)
      %dma_wait3A_95 = arith.constant 0 : i32
      %dma_wait3A_96 = arith.constant 0 : i32
      %dma_wait3A_97 = tpu.memref_slice %arg3[%arg1, %dma_wait3A_95, %dma_wait3A_96] : memref<16x160x128xi32, #tpu.memory_space<hbm>> -> memref<1x160x128xi32, #tpu.memory_space<hbm>>
      %dma_wait3A_98 = tpu.memref_squeeze %dma_wait3A_97 : memref<1x160x128xi32, #tpu.memory_space<hbm>> -> memref<160x128xi32, #tpu.memory_space<hbm>>
      %dma_wait3A_99 = arith.constant 0 : i32
      %dma_wait3A_100 = arith.constant 0 : i32
      %dma_wait3A_101 = tpu.memref_slice %arg3[%arg1, %dma_wait3A_99, %dma_wait3A_100] : memref<16x160x128xi32, #tpu.memory_space<hbm>> -> memref<1x160x128xi32, #tpu.memory_space<hbm>>
      %dma_wait3A_102 = tpu.memref_squeeze %dma_wait3A_101 : memref<1x160x128xi32, #tpu.memory_space<hbm>> -> memref<160x128xi32, #tpu.memory_space<hbm>>
      tpu.wait_dma2 semaphore(%run_scoped3A : memref<!tpu.dma_semaphore, #tpu.memory_space<semaphore_mem>>) src(%dma_wait3A_102 : memref<160x128xi32, #tpu.memory_space<hbm>>) dst(%arg7 : memref<160x128xi32, #tpu.memory_space<vmem>>)
      tpu.yield
    }) : () -> ()
    "tpu.region"() ({
      %run_scoped3A = tpu.sem_alloc : memref<!tpu.dma_semaphore, #tpu.memory_space<semaphore_mem>>
      %dma_start3A_87 = arith.constant 0 : i32
      %dma_start3A_88 = arith.constant 0 : i32
      %dma_start3A_89 = tpu.memref_slice %arg4[%arg1, %dma_start3A_87, %dma_start3A_88] : memref<16x160x128xi32, #tpu.memory_space<hbm>> -> memref<1x160x128xi32, #tpu.memory_space<hbm>>
      %dma_start3A_90 = tpu.memref_squeeze %dma_start3A_89 : memref<1x160x128xi32, #tpu.memory_space<hbm>> -> memref<160x128xi32, #tpu.memory_space<hbm>>
      %dma_start3A_91 = arith.constant 0 : i32
      %dma_start3A_92 = arith.constant 0 : i32
      %dma_start3A_93 = tpu.memref_slice %arg4[%arg1, %dma_start3A_91, %dma_start3A_92] : memref<16x160x128xi32, #tpu.memory_space<hbm>> -> memref<1x160x128xi32, #tpu.memory_space<hbm>>
      %dma_start3A_94 = tpu.memref_squeeze %dma_start3A_93 : memref<1x160x128xi32, #tpu.memory_space<hbm>> -> memref<160x128xi32, #tpu.memory_space<hbm>>
      tpu.enqueue_dma source(%dma_start3A_94 : memref<160x128xi32, #tpu.memory_space<hbm>>) target(%arg8 : memref<160x128xi32, #tpu.memory_space<vmem>>) target_semaphore(%run_scoped3A : memref<!tpu.dma_semaphore, #tpu.memory_space<semaphore_mem>>)
      %dma_wait3A_95 = arith.constant 0 : i32
      %dma_wait3A_96 = arith.constant 0 : i32
      %dma_wait3A_97 = tpu.memref_slice %arg4[%arg1, %dma_wait3A_95, %dma_wait3A_96] : memref<16x160x128xi32, #tpu.memory_space<hbm>> -> memref<1x160x128xi32, #tpu.memory_space<hbm>>
      %dma_wait3A_98 = tpu.memref_squeeze %dma_wait3A_97 : memref<1x160x128xi32, #tpu.memory_space<hbm>> -> memref<160x128xi32, #tpu.memory_space<hbm>>
      %dma_wait3A_99 = arith.constant 0 : i32
      %dma_wait3A_100 = arith.constant 0 : i32
      %dma_wait3A_101 = tpu.memref_slice %arg4[%arg1, %dma_wait3A_99, %dma_wait3A_100] : memref<16x160x128xi32, #tpu.memory_space<hbm>> -> memref<1x160x128xi32, #tpu.memory_space<hbm>>
      %dma_wait3A_102 = tpu.memref_squeeze %dma_wait3A_101 : memref<1x160x128xi32, #tpu.memory_space<hbm>> -> memref<160x128xi32, #tpu.memory_space<hbm>>
      tpu.wait_dma2 semaphore(%run_scoped3A : memref<!tpu.dma_semaphore, #tpu.memory_space<semaphore_mem>>) src(%dma_wait3A_102 : memref<160x128xi32, #tpu.memory_space<hbm>>) dst(%arg8 : memref<160x128xi32, #tpu.memory_space<vmem>>)
      tpu.yield
    }) : () -> ()
    %barrier3A = arith.constant 0 : index
    tpu.barrier barrier_id(%barrier3A)
    %dma_start3A = arith.constant 0 : i32
    %dma_start3A_1 = arith.constant 0 : i32
    %dma_start3A_2 = arith.constant 0 : i32
    %dma_start3A_3 = arith.constant 0 : i32
    %dma_start3A_4 = tpu.memref_slice %arg9[%dma_start3A_1, %dma_start3A_2, %dma_start3A_3] : memref<5x128x64xf32, #tpu.memory_space<vmem>> -> memref<1x128x64xf32, #tpu.memory_space<vmem>>
    %dma_start3A_5 = tpu.memref_squeeze %dma_start3A_4 : memref<1x128x64xf32, #tpu.memory_space<vmem>> -> memref<128x64xf32, #tpu.memory_space<vmem>>
    %dma_start3A_6 = arith.constant 0 : i32
    %dma_start3A_7 = tpu.memref_slice %arg7[%dma_start3A, %dma_start3A_6] : memref<160x128xi32, #tpu.memory_space<vmem>> -> memref<1x128xi32, #tpu.memory_space<vmem>>
    %dma_start3A_8 = tpu.memref_squeeze %dma_start3A_7 : memref<1x128xi32, #tpu.memory_space<vmem>> -> memref<128xi32, #tpu.memory_space<vmem>>
    %dma_start3A_9 = arith.constant 0 : i32
    %dma_start3A_10 = arith.constant 0 : i32
    %dma_start3A_11 = tpu.memref_slice %arg2[%arg0, %dma_start3A_9, %dma_start3A_10] : memref<2x10240x64xf32, #tpu.memory_space<hbm>> -> memref<1x10240x64xf32, #tpu.memory_space<hbm>>
    %dma_start3A_12 = tpu.memref_squeeze %dma_start3A_11 : memref<1x10240x64xf32, #tpu.memory_space<hbm>> -> memref<10240x64xf32, #tpu.memory_space<hbm>>
    %dma_start3A_13 = arith.constant 0 : i32
    %dma_start3A_14 = arith.constant 0 : i32
    %dma_start3A_15 = tpu.memref_slice %dma_start3A_12[%dma_start3A_13, %dma_start3A_14] : memref<10240x64xf32, #tpu.memory_space<hbm>> -> memref<10240x64xf32, #tpu.memory_space<hbm>>
    tpu.enqueue_indirect_dma source(%dma_start3A_15 : memref<10240x64xf32, #tpu.memory_space<hbm>>) target(%dma_start3A_5 : memref<128x64xf32, #tpu.memory_space<vmem>>) offsets(%dma_start3A_8 : memref<128xi32, #tpu.memory_space<vmem>>) semaphore(%arg11 : memref<!tpu.dma_semaphore, #tpu.memory_space<semaphore_mem>>)
    %dma_start3A_16 = arith.constant 1 : i32
    %dma_start3A_17 = arith.constant 1 : i32
    %dma_start3A_18 = arith.constant 0 : i32
    %dma_start3A_19 = arith.constant 0 : i32
    %dma_start3A_20 = tpu.memref_slice %arg9[%dma_start3A_17, %dma_start3A_18, %dma_start3A_19] : memref<5x128x64xf32, #tpu.memory_space<vmem>> -> memref<1x128x64xf32, #tpu.memory_space<vmem>>
    %dma_start3A_21 = tpu.memref_squeeze %dma_start3A_20 : memref<1x128x64xf32, #tpu.memory_space<vmem>> -> memref<128x64xf32, #tpu.memory_space<vmem>>
    %dma_start3A_22 = arith.constant 0 : i32
    %dma_start3A_23 = tpu.memref_slice %arg7[%dma_start3A_16, %dma_start3A_22] : memref<160x128xi32, #tpu.memory_space<vmem>> -> memref<1x128xi32, #tpu.memory_space<vmem>>
    %dma_start3A_24 = tpu.memref_squeeze %dma_start3A_23 : memref<1x128xi32, #tpu.memory_space<vmem>> -> memref<128xi32, #tpu.memory_space<vmem>>
    %dma_start3A_25 = arith.constant 0 : i32
    %dma_start3A_26 = arith.constant 0 : i32
    %dma_start3A_27 = tpu.memref_slice %arg2[%arg0, %dma_start3A_25, %dma_start3A_26] : memref<2x10240x64xf32, #tpu.memory_space<hbm>> -> memref<1x10240x64xf32, #tpu.memory_space<hbm>>
    %dma_start3A_28 = tpu.memref_squeeze %dma_start3A_27 : memref<1x10240x64xf32, #tpu.memory_space<hbm>> -> memref<10240x64xf32, #tpu.memory_space<hbm>>
    %dma_start3A_29 = arith.constant 0 : i32
    %dma_start3A_30 = arith.constant 0 : i32
    %dma_start3A_31 = tpu.memref_slice %dma_start3A_28[%dma_start3A_29, %dma_start3A_30] : memref<10240x64xf32, #tpu.memory_space<hbm>> -> memref<10240x64xf32, #tpu.memory_space<hbm>>
    tpu.enqueue_indirect_dma source(%dma_start3A_31 : memref<10240x64xf32, #tpu.memory_space<hbm>>) target(%dma_start3A_21 : memref<128x64xf32, #tpu.memory_space<vmem>>) offsets(%dma_start3A_24 : memref<128xi32, #tpu.memory_space<vmem>>) semaphore(%arg12 : memref<!tpu.dma_semaphore, #tpu.memory_space<semaphore_mem>>)
    %dma_start3A_32 = arith.constant 2 : i32
    %dma_start3A_33 = arith.constant 2 : i32
    %dma_start3A_34 = arith.constant 0 : i32
    %dma_start3A_35 = arith.constant 0 : i32
    %dma_start3A_36 = tpu.memref_slice %arg9[%dma_start3A_33, %dma_start3A_34, %dma_start3A_35] : memref<5x128x64xf32, #tpu.memory_space<vmem>> -> memref<1x128x64xf32, #tpu.memory_space<vmem>>
    %dma_start3A_37 = tpu.memref_squeeze %dma_start3A_36 : memref<1x128x64xf32, #tpu.memory_space<vmem>> -> memref<128x64xf32, #tpu.memory_space<vmem>>
    %dma_start3A_38 = arith.constant 0 : i32
    %dma_start3A_39 = tpu.memref_slice %arg7[%dma_start3A_32, %dma_start3A_38] : memref<160x128xi32, #tpu.memory_space<vmem>> -> memref<1x128xi32, #tpu.memory_space<vmem>>
    %dma_start3A_40 = tpu.memref_squeeze %dma_start3A_39 : memref<1x128xi32, #tpu.memory_space<vmem>> -> memref<128xi32, #tpu.memory_space<vmem>>
    %dma_start3A_41 = arith.constant 0 : i32
    %dma_start3A_42 = arith.constant 0 : i32
    %dma_start3A_43 = tpu.memref_slice %arg2[%arg0, %dma_start3A_41, %dma_start3A_42] : memref<2x10240x64xf32, #tpu.memory_space<hbm>> -> memref<1x10240x64xf32, #tpu.memory_space<hbm>>
    %dma_start3A_44 = tpu.memref_squeeze %dma_start3A_43 : memref<1x10240x64xf32, #tpu.memory_space<hbm>> -> memref<10240x64xf32, #tpu.memory_space<hbm>>
    %dma_start3A_45 = arith.constant 0 : i32
    %dma_start3A_46 = arith.constant 0 : i32
    %dma_start3A_47 = tpu.memref_slice %dma_start3A_44[%dma_start3A_45, %dma_start3A_46] : memref<10240x64xf32, #tpu.memory_space<hbm>> -> memref<10240x64xf32, #tpu.memory_space<hbm>>
    tpu.enqueue_indirect_dma source(%dma_start3A_47 : memref<10240x64xf32, #tpu.memory_space<hbm>>) target(%dma_start3A_37 : memref<128x64xf32, #tpu.memory_space<vmem>>) offsets(%dma_start3A_40 : memref<128xi32, #tpu.memory_space<vmem>>) semaphore(%arg13 : memref<!tpu.dma_semaphore, #tpu.memory_space<semaphore_mem>>)
    %scan3A = arith.constant 0 : i32
    %scan3A_48 = arith.constant 0 : i32
    %scan3A_49 = arith.constant 32 : i32
    %scan3A_50 = arith.addi %scan3A_48, %scan3A_49 : i32
    %scan3A_51 = arith.constant 1 : i32
    scf.for %scan3A_87 = %scan3A_48 to %scan3A_50 step %scan3A_51  : i32 {
      %mul3A_88 = arith.constant 5 : i32
      %mul3A_89 = arith.muli %scan3A_87, %mul3A_88 : i32
      %add3A = arith.constant 0 : i32
      %add3A_90 = arith.addi %mul3A_89, %add3A : i32
      %ge3A = arith.constant 2 : i32
      %ge3A_91 = arith.cmpi sge, %add3A_90, %ge3A : i32
      %convert_element_type3A = arith.extui %ge3A_91 : i1 to i32
      %cond3A = arith.constant 0 : i32
      %cond3A_92 = arith.cmpi ne, %convert_element_type3A, %cond3A : i32
      scf.if %cond3A_92 {
        %dma_wait3A_283 = arith.constant 3 : i32
        %dma_wait3A_284 = arith.constant 0 : i32
        %dma_wait3A_285 = arith.constant 0 : i32
        %dma_wait3A_286 = tpu.memref_slice %arg9[%dma_wait3A_283, %dma_wait3A_284, %dma_wait3A_285] : memref<5x128x64xf32, #tpu.memory_space<vmem>> -> memref<1x128x64xf32, #tpu.memory_space<vmem>>
        %dma_wait3A_287 = tpu.memref_squeeze %dma_wait3A_286 : memref<1x128x64xf32, #tpu.memory_space<vmem>> -> memref<128x64xf32, #tpu.memory_space<vmem>>
        %dma_wait3A_288 = arith.constant 0 : i32
        %dma_wait3A_289 = arith.constant 0 : i32
        %dma_wait3A_290 = tpu.memref_slice %arg10[%dma_wait3A_288, %dma_wait3A_289] : memref<10240x64xf32, #tpu.memory_space<vmem_shared>> -> memref<128x64xf32, #tpu.memory_space<vmem_shared>>
        %dma_wait3A_291 = arith.constant 0 : i32
        %dma_wait3A_292 = arith.constant 0 : i32
        %dma_wait3A_293 = tpu.memref_slice %arg10[%dma_wait3A_291, %dma_wait3A_292] : memref<10240x64xf32, #tpu.memory_space<vmem_shared>> -> memref<128x64xf32, #tpu.memory_space<vmem_shared>>
        %dma_wait3A_294 = arith.constant 0 : i32
        %dma_wait3A_295 = arith.constant 0 : i32
        %dma_wait3A_296 = tpu.memref_slice %arg9[%dma_wait3A_283, %dma_wait3A_294, %dma_wait3A_295] : memref<5x128x64xf32, #tpu.memory_space<vmem>> -> memref<1x128x64xf32, #tpu.memory_space<vmem>>
        %dma_wait3A_297 = tpu.memref_squeeze %dma_wait3A_296 : memref<1x128x64xf32, #tpu.memory_space<vmem>> -> memref<128x64xf32, #tpu.memory_space<vmem>>
        tpu.wait_dma2 semaphore(%arg19 : memref<!tpu.dma_semaphore, #tpu.memory_space<semaphore_mem>>) src(%dma_wait3A_297 : memref<128x64xf32, #tpu.memory_space<vmem>>) dst(%dma_wait3A_293 : memref<128x64xf32, #tpu.memory_space<vmem_shared>>)
      } else {
      }
      %lt3A = arith.constant 157 : i32
      %lt3A_93 = arith.cmpi slt, %add3A_90, %lt3A : i32
      %convert_element_type3A_94 = arith.extui %lt3A_93 : i1 to i32
      %cond3A_95 = arith.constant 0 : i32
      %cond3A_96 = arith.cmpi ne, %convert_element_type3A_94, %cond3A_95 : i32
      scf.if %cond3A_96 {
        %add3A_283 = arith.constant 3 : i32
        %add3A_284 = arith.addi %add3A_90, %add3A_283 : i32
        %dma_start3A_285 = arith.constant 3 : i32
        %dma_start3A_286 = arith.constant 0 : i32
        %dma_start3A_287 = arith.constant 0 : i32
        %dma_start3A_288 = tpu.memref_slice %arg9[%dma_start3A_285, %dma_start3A_286, %dma_start3A_287] : memref<5x128x64xf32, #tpu.memory_space<vmem>> -> memref<1x128x64xf32, #tpu.memory_space<vmem>>
        %dma_start3A_289 = tpu.memref_squeeze %dma_start3A_288 : memref<1x128x64xf32, #tpu.memory_space<vmem>> -> memref<128x64xf32, #tpu.memory_space<vmem>>
        %dma_start3A_290 = arith.constant 0 : i32
        %dma_start3A_291 = tpu.memref_slice %arg7[%add3A_284, %dma_start3A_290] : memref<160x128xi32, #tpu.memory_space<vmem>> -> memref<1x128xi32, #tpu.memory_space<vmem>>
        %dma_start3A_292 = tpu.memref_squeeze %dma_start3A_291 : memref<1x128xi32, #tpu.memory_space<vmem>> -> memref<128xi32, #tpu.memory_space<vmem>>
        %dma_start3A_293 = arith.constant 0 : i32
        %dma_start3A_294 = arith.constant 0 : i32
        %dma_start3A_295 = tpu.memref_slice %arg2[%arg0, %dma_start3A_293, %dma_start3A_294] : memref<2x10240x64xf32, #tpu.memory_space<hbm>> -> memref<1x10240x64xf32, #tpu.memory_space<hbm>>
        %dma_start3A_296 = tpu.memref_squeeze %dma_start3A_295 : memref<1x10240x64xf32, #tpu.memory_space<hbm>> -> memref<10240x64xf32, #tpu.memory_space<hbm>>
        %dma_start3A_297 = arith.constant 0 : i32
        %dma_start3A_298 = arith.constant 0 : i32
        %dma_start3A_299 = tpu.memref_slice %dma_start3A_296[%dma_start3A_297, %dma_start3A_298] : memref<10240x64xf32, #tpu.memory_space<hbm>> -> memref<10240x64xf32, #tpu.memory_space<hbm>>
        tpu.enqueue_indirect_dma source(%dma_start3A_299 : memref<10240x64xf32, #tpu.memory_space<hbm>>) target(%dma_start3A_289 : memref<128x64xf32, #tpu.memory_space<vmem>>) offsets(%dma_start3A_292 : memref<128xi32, #tpu.memory_space<vmem>>) semaphore(%arg14 : memref<!tpu.dma_semaphore, #tpu.memory_space<semaphore_mem>>)
      } else {
      }
      %dma_wait3A_97 = arith.constant 0 : i32
      %dma_wait3A_98 = arith.constant 0 : i32
      %dma_wait3A_99 = arith.constant 0 : i32
      %dma_wait3A_100 = tpu.memref_slice %arg9[%dma_wait3A_97, %dma_wait3A_98, %dma_wait3A_99] : memref<5x128x64xf32, #tpu.memory_space<vmem>> -> memref<1x128x64xf32, #tpu.memory_space<vmem>>
      %dma_wait3A_101 = tpu.memref_squeeze %dma_wait3A_100 : memref<1x128x64xf32, #tpu.memory_space<vmem>> -> memref<128x64xf32, #tpu.memory_space<vmem>>
      %dma_wait3A_102 = arith.constant 0 : i32
      %dma_wait3A_103 = arith.constant 0 : i32
      %dma_wait3A_104 = tpu.memref_slice %arg5[%dma_wait3A_102, %dma_wait3A_103] : memref<640x64xf32, #tpu.memory_space<hbm>> -> memref<128x64xf32, #tpu.memory_space<hbm>>
      %dma_wait3A_105 = arith.constant 0 : i32
      %dma_wait3A_106 = arith.constant 0 : i32
      %dma_wait3A_107 = tpu.memref_slice %arg9[%dma_wait3A_97, %dma_wait3A_105, %dma_wait3A_106] : memref<5x128x64xf32, #tpu.memory_space<vmem>> -> memref<1x128x64xf32, #tpu.memory_space<vmem>>
      %dma_wait3A_108 = tpu.memref_squeeze %dma_wait3A_107 : memref<1x128x64xf32, #tpu.memory_space<vmem>> -> memref<128x64xf32, #tpu.memory_space<vmem>>
      %dma_wait3A_109 = arith.constant 0 : i32
      %dma_wait3A_110 = arith.constant 0 : i32
      %dma_wait3A_111 = tpu.memref_slice %arg5[%dma_wait3A_109, %dma_wait3A_110] : memref<640x64xf32, #tpu.memory_space<hbm>> -> memref<128x64xf32, #tpu.memory_space<hbm>>
      tpu.wait_dma2 semaphore(%arg11 : memref<!tpu.dma_semaphore, #tpu.memory_space<semaphore_mem>>) src(%dma_wait3A_111 : memref<128x64xf32, #tpu.memory_space<hbm>>) dst(%dma_wait3A_108 : memref<128x64xf32, #tpu.memory_space<vmem>>)
      %dma_start3A_112 = arith.constant 0 : i32
      %dma_start3A_113 = arith.constant 0 : i32
      %dma_start3A_114 = arith.constant 0 : i32
      %dma_start3A_115 = tpu.memref_slice %arg9[%dma_start3A_112, %dma_start3A_113, %dma_start3A_114] : memref<5x128x64xf32, #tpu.memory_space<vmem>> -> memref<1x128x64xf32, #tpu.memory_space<vmem>>
      %dma_start3A_116 = tpu.memref_squeeze %dma_start3A_115 : memref<1x128x64xf32, #tpu.memory_space<vmem>> -> memref<128x64xf32, #tpu.memory_space<vmem>>
      %dma_start3A_117 = arith.constant 0 : i32
      %dma_start3A_118 = tpu.memref_slice %arg8[%add3A_90, %dma_start3A_117] : memref<160x128xi32, #tpu.memory_space<vmem>> -> memref<1x128xi32, #tpu.memory_space<vmem>>
      %dma_start3A_119 = tpu.memref_squeeze %dma_start3A_118 : memref<1x128xi32, #tpu.memory_space<vmem>> -> memref<128xi32, #tpu.memory_space<vmem>>
      %dma_start3A_120 = arith.constant 0 : i32
      %dma_start3A_121 = arith.constant 0 : i32
      %dma_start3A_122 = tpu.memref_slice %arg10[%dma_start3A_120, %dma_start3A_121] : memref<10240x64xf32, #tpu.memory_space<vmem_shared>> -> memref<10240x64xf32, #tpu.memory_space<vmem_shared>>
      tpu.enqueue_indirect_dma source(%dma_start3A_116 : memref<128x64xf32, #tpu.memory_space<vmem>>) target(%dma_start3A_122 : memref<10240x64xf32, #tpu.memory_space<vmem_shared>>) offsets(%dma_start3A_119 : memref<128xi32, #tpu.memory_space<vmem>>) semaphore(%arg16 : memref<!tpu.dma_semaphore, #tpu.memory_space<semaphore_mem>>) {add = true}
      %mul3A_123 = arith.constant 5 : i32
      %mul3A_124 = arith.muli %scan3A_87, %mul3A_123 : i32
      %add3A_125 = arith.constant 1 : i32
      %add3A_126 = arith.addi %mul3A_124, %add3A_125 : i32
      %ge3A_127 = arith.constant 2 : i32
      %ge3A_128 = arith.cmpi sge, %add3A_126, %ge3A_127 : i32
      %convert_element_type3A_129 = arith.extui %ge3A_128 : i1 to i32
      %cond3A_130 = arith.constant 0 : i32
      %cond3A_131 = arith.cmpi ne, %convert_element_type3A_129, %cond3A_130 : i32
      scf.if %cond3A_131 {
        %dma_wait3A_283 = arith.constant 4 : i32
        %dma_wait3A_284 = arith.constant 0 : i32
        %dma_wait3A_285 = arith.constant 0 : i32
        %dma_wait3A_286 = tpu.memref_slice %arg9[%dma_wait3A_283, %dma_wait3A_284, %dma_wait3A_285] : memref<5x128x64xf32, #tpu.memory_space<vmem>> -> memref<1x128x64xf32, #tpu.memory_space<vmem>>
        %dma_wait3A_287 = tpu.memref_squeeze %dma_wait3A_286 : memref<1x128x64xf32, #tpu.memory_space<vmem>> -> memref<128x64xf32, #tpu.memory_space<vmem>>
        %dma_wait3A_288 = arith.constant 0 : i32
        %dma_wait3A_289 = arith.constant 0 : i32
        %dma_wait3A_290 = tpu.memref_slice %arg10[%dma_wait3A_288, %dma_wait3A_289] : memref<10240x64xf32, #tpu.memory_space<vmem_shared>> -> memref<128x64xf32, #tpu.memory_space<vmem_shared>>
        %dma_wait3A_291 = arith.constant 0 : i32
        %dma_wait3A_292 = arith.constant 0 : i32
        %dma_wait3A_293 = tpu.memref_slice %arg10[%dma_wait3A_291, %dma_wait3A_292] : memref<10240x64xf32, #tpu.memory_space<vmem_shared>> -> memref<128x64xf32, #tpu.memory_space<vmem_shared>>
        %dma_wait3A_294 = arith.constant 0 : i32
        %dma_wait3A_295 = arith.constant 0 : i32
        %dma_wait3A_296 = tpu.memref_slice %arg9[%dma_wait3A_283, %dma_wait3A_294, %dma_wait3A_295] : memref<5x128x64xf32, #tpu.memory_space<vmem>> -> memref<1x128x64xf32, #tpu.memory_space<vmem>>
        %dma_wait3A_297 = tpu.memref_squeeze %dma_wait3A_296 : memref<1x128x64xf32, #tpu.memory_space<vmem>> -> memref<128x64xf32, #tpu.memory_space<vmem>>
        tpu.wait_dma2 semaphore(%arg20 : memref<!tpu.dma_semaphore, #tpu.memory_space<semaphore_mem>>) src(%dma_wait3A_297 : memref<128x64xf32, #tpu.memory_space<vmem>>) dst(%dma_wait3A_293 : memref<128x64xf32, #tpu.memory_space<vmem_shared>>)
      } else {
      }
      %lt3A_132 = arith.constant 157 : i32
      %lt3A_133 = arith.cmpi slt, %add3A_126, %lt3A_132 : i32
      %convert_element_type3A_134 = arith.extui %lt3A_133 : i1 to i32
      %cond3A_135 = arith.constant 0 : i32
      %cond3A_136 = arith.cmpi ne, %convert_element_type3A_134, %cond3A_135 : i32
      scf.if %cond3A_136 {
        %add3A_283 = arith.constant 3 : i32
        %add3A_284 = arith.addi %add3A_126, %add3A_283 : i32
        %dma_start3A_285 = arith.constant 4 : i32
        %dma_start3A_286 = arith.constant 0 : i32
        %dma_start3A_287 = arith.constant 0 : i32
        %dma_start3A_288 = tpu.memref_slice %arg9[%dma_start3A_285, %dma_start3A_286, %dma_start3A_287] : memref<5x128x64xf32, #tpu.memory_space<vmem>> -> memref<1x128x64xf32, #tpu.memory_space<vmem>>
        %dma_start3A_289 = tpu.memref_squeeze %dma_start3A_288 : memref<1x128x64xf32, #tpu.memory_space<vmem>> -> memref<128x64xf32, #tpu.memory_space<vmem>>
        %dma_start3A_290 = arith.constant 0 : i32
        %dma_start3A_291 = tpu.memref_slice %arg7[%add3A_284, %dma_start3A_290] : memref<160x128xi32, #tpu.memory_space<vmem>> -> memref<1x128xi32, #tpu.memory_space<vmem>>
        %dma_start3A_292 = tpu.memref_squeeze %dma_start3A_291 : memref<1x128xi32, #tpu.memory_space<vmem>> -> memref<128xi32, #tpu.memory_space<vmem>>
        %dma_start3A_293 = arith.constant 0 : i32
        %dma_start3A_294 = arith.constant 0 : i32
        %dma_start3A_295 = tpu.memref_slice %arg2[%arg0, %dma_start3A_293, %dma_start3A_294] : memref<2x10240x64xf32, #tpu.memory_space<hbm>> -> memref<1x10240x64xf32, #tpu.memory_space<hbm>>
        %dma_start3A_296 = tpu.memref_squeeze %dma_start3A_295 : memref<1x10240x64xf32, #tpu.memory_space<hbm>> -> memref<10240x64xf32, #tpu.memory_space<hbm>>
        %dma_start3A_297 = arith.constant 0 : i32
        %dma_start3A_298 = arith.constant 0 : i32
        %dma_start3A_299 = tpu.memref_slice %dma_start3A_296[%dma_start3A_297, %dma_start3A_298] : memref<10240x64xf32, #tpu.memory_space<hbm>> -> memref<10240x64xf32, #tpu.memory_space<hbm>>
        tpu.enqueue_indirect_dma source(%dma_start3A_299 : memref<10240x64xf32, #tpu.memory_space<hbm>>) target(%dma_start3A_289 : memref<128x64xf32, #tpu.memory_space<vmem>>) offsets(%dma_start3A_292 : memref<128xi32, #tpu.memory_space<vmem>>) semaphore(%arg15 : memref<!tpu.dma_semaphore, #tpu.memory_space<semaphore_mem>>)
      } else {
      }
      %dma_wait3A_137 = arith.constant 1 : i32
      %dma_wait3A_138 = arith.constant 0 : i32
      %dma_wait3A_139 = arith.constant 0 : i32
      %dma_wait3A_140 = tpu.memref_slice %arg9[%dma_wait3A_137, %dma_wait3A_138, %dma_wait3A_139] : memref<5x128x64xf32, #tpu.memory_space<vmem>> -> memref<1x128x64xf32, #tpu.memory_space<vmem>>
      %dma_wait3A_141 = tpu.memref_squeeze %dma_wait3A_140 : memref<1x128x64xf32, #tpu.memory_space<vmem>> -> memref<128x64xf32, #tpu.memory_space<vmem>>
      %dma_wait3A_142 = arith.constant 0 : i32
      %dma_wait3A_143 = arith.constant 0 : i32
      %dma_wait3A_144 = tpu.memref_slice %arg5[%dma_wait3A_142, %dma_wait3A_143] : memref<640x64xf32, #tpu.memory_space<hbm>> -> memref<128x64xf32, #tpu.memory_space<hbm>>
      %dma_wait3A_145 = arith.constant 0 : i32
      %dma_wait3A_146 = arith.constant 0 : i32
      %dma_wait3A_147 = tpu.memref_slice %arg9[%dma_wait3A_137, %dma_wait3A_145, %dma_wait3A_146] : memref<5x128x64xf32, #tpu.memory_space<vmem>> -> memref<1x128x64xf32, #tpu.memory_space<vmem>>
      %dma_wait3A_148 = tpu.memref_squeeze %dma_wait3A_147 : memref<1x128x64xf32, #tpu.memory_space<vmem>> -> memref<128x64xf32, #tpu.memory_space<vmem>>
      %dma_wait3A_149 = arith.constant 0 : i32
      %dma_wait3A_150 = arith.constant 0 : i32
      %dma_wait3A_151 = tpu.memref_slice %arg5[%dma_wait3A_149, %dma_wait3A_150] : memref<640x64xf32, #tpu.memory_space<hbm>> -> memref<128x64xf32, #tpu.memory_space<hbm>>
      tpu.wait_dma2 semaphore(%arg12 : memref<!tpu.dma_semaphore, #tpu.memory_space<semaphore_mem>>) src(%dma_wait3A_151 : memref<128x64xf32, #tpu.memory_space<hbm>>) dst(%dma_wait3A_148 : memref<128x64xf32, #tpu.memory_space<vmem>>)
      %dma_start3A_152 = arith.constant 1 : i32
      %dma_start3A_153 = arith.constant 0 : i32
      %dma_start3A_154 = arith.constant 0 : i32
      %dma_start3A_155 = tpu.memref_slice %arg9[%dma_start3A_152, %dma_start3A_153, %dma_start3A_154] : memref<5x128x64xf32, #tpu.memory_space<vmem>> -> memref<1x128x64xf32, #tpu.memory_space<vmem>>
      %dma_start3A_156 = tpu.memref_squeeze %dma_start3A_155 : memref<1x128x64xf32, #tpu.memory_space<vmem>> -> memref<128x64xf32, #tpu.memory_space<vmem>>
      %dma_start3A_157 = arith.constant 0 : i32
      %dma_start3A_158 = tpu.memref_slice %arg8[%add3A_126, %dma_start3A_157] : memref<160x128xi32, #tpu.memory_space<vmem>> -> memref<1x128xi32, #tpu.memory_space<vmem>>
      %dma_start3A_159 = tpu.memref_squeeze %dma_start3A_158 : memref<1x128xi32, #tpu.memory_space<vmem>> -> memref<128xi32, #tpu.memory_space<vmem>>
      %dma_start3A_160 = arith.constant 0 : i32
      %dma_start3A_161 = arith.constant 0 : i32
      %dma_start3A_162 = tpu.memref_slice %arg10[%dma_start3A_160, %dma_start3A_161] : memref<10240x64xf32, #tpu.memory_space<vmem_shared>> -> memref<10240x64xf32, #tpu.memory_space<vmem_shared>>
      tpu.enqueue_indirect_dma source(%dma_start3A_156 : memref<128x64xf32, #tpu.memory_space<vmem>>) target(%dma_start3A_162 : memref<10240x64xf32, #tpu.memory_space<vmem_shared>>) offsets(%dma_start3A_159 : memref<128xi32, #tpu.memory_space<vmem>>) semaphore(%arg17 : memref<!tpu.dma_semaphore, #tpu.memory_space<semaphore_mem>>) {add = true}
      %mul3A_163 = arith.constant 5 : i32
      %mul3A_164 = arith.muli %scan3A_87, %mul3A_163 : i32
      %add3A_165 = arith.constant 2 : i32
      %add3A_166 = arith.addi %mul3A_164, %add3A_165 : i32
      %ge3A_167 = arith.constant 2 : i32
      %ge3A_168 = arith.cmpi sge, %add3A_166, %ge3A_167 : i32
      %convert_element_type3A_169 = arith.extui %ge3A_168 : i1 to i32
      %cond3A_170 = arith.constant 0 : i32
      %cond3A_171 = arith.cmpi ne, %convert_element_type3A_169, %cond3A_170 : i32
      scf.if %cond3A_171 {
        %dma_wait3A_283 = arith.constant 0 : i32
        %dma_wait3A_284 = arith.constant 0 : i32
        %dma_wait3A_285 = arith.constant 0 : i32
        %dma_wait3A_286 = tpu.memref_slice %arg9[%dma_wait3A_283, %dma_wait3A_284, %dma_wait3A_285] : memref<5x128x64xf32, #tpu.memory_space<vmem>> -> memref<1x128x64xf32, #tpu.memory_space<vmem>>
        %dma_wait3A_287 = tpu.memref_squeeze %dma_wait3A_286 : memref<1x128x64xf32, #tpu.memory_space<vmem>> -> memref<128x64xf32, #tpu.memory_space<vmem>>
        %dma_wait3A_288 = arith.constant 0 : i32
        %dma_wait3A_289 = arith.constant 0 : i32
        %dma_wait3A_290 = tpu.memref_slice %arg10[%dma_wait3A_288, %dma_wait3A_289] : memref<10240x64xf32, #tpu.memory_space<vmem_shared>> -> memref<128x64xf32, #tpu.memory_space<vmem_shared>>
        %dma_wait3A_291 = arith.constant 0 : i32
        %dma_wait3A_292 = arith.constant 0 : i32
        %dma_wait3A_293 = tpu.memref_slice %arg10[%dma_wait3A_291, %dma_wait3A_292] : memref<10240x64xf32, #tpu.memory_space<vmem_shared>> -> memref<128x64xf32, #tpu.memory_space<vmem_shared>>
        %dma_wait3A_294 = arith.constant 0 : i32
        %dma_wait3A_295 = arith.constant 0 : i32
        %dma_wait3A_296 = tpu.memref_slice %arg9[%dma_wait3A_283, %dma_wait3A_294, %dma_wait3A_295] : memref<5x128x64xf32, #tpu.memory_space<vmem>> -> memref<1x128x64xf32, #tpu.memory_space<vmem>>
        %dma_wait3A_297 = tpu.memref_squeeze %dma_wait3A_296 : memref<1x128x64xf32, #tpu.memory_space<vmem>> -> memref<128x64xf32, #tpu.memory_space<vmem>>
        tpu.wait_dma2 semaphore(%arg16 : memref<!tpu.dma_semaphore, #tpu.memory_space<semaphore_mem>>) src(%dma_wait3A_297 : memref<128x64xf32, #tpu.memory_space<vmem>>) dst(%dma_wait3A_293 : memref<128x64xf32, #tpu.memory_space<vmem_shared>>)
      } else {
      }
      %lt3A_172 = arith.constant 157 : i32
      %lt3A_173 = arith.cmpi slt, %add3A_166, %lt3A_172 : i32
      %convert_element_type3A_174 = arith.extui %lt3A_173 : i1 to i32
      %cond3A_175 = arith.constant 0 : i32
      %cond3A_176 = arith.cmpi ne, %convert_element_type3A_174, %cond3A_175 : i32
      scf.if %cond3A_176 {
        %add3A_283 = arith.constant 3 : i32
        %add3A_284 = arith.addi %add3A_166, %add3A_283 : i32
        %dma_start3A_285 = arith.constant 0 : i32
        %dma_start3A_286 = arith.constant 0 : i32
        %dma_start3A_287 = arith.constant 0 : i32
        %dma_start3A_288 = tpu.memref_slice %arg9[%dma_start3A_285, %dma_start3A_286, %dma_start3A_287] : memref<5x128x64xf32, #tpu.memory_space<vmem>> -> memref<1x128x64xf32, #tpu.memory_space<vmem>>
        %dma_start3A_289 = tpu.memref_squeeze %dma_start3A_288 : memref<1x128x64xf32, #tpu.memory_space<vmem>> -> memref<128x64xf32, #tpu.memory_space<vmem>>
        %dma_start3A_290 = arith.constant 0 : i32
        %dma_start3A_291 = tpu.memref_slice %arg7[%add3A_284, %dma_start3A_290] : memref<160x128xi32, #tpu.memory_space<vmem>> -> memref<1x128xi32, #tpu.memory_space<vmem>>
        %dma_start3A_292 = tpu.memref_squeeze %dma_start3A_291 : memref<1x128xi32, #tpu.memory_space<vmem>> -> memref<128xi32, #tpu.memory_space<vmem>>
        %dma_start3A_293 = arith.constant 0 : i32
        %dma_start3A_294 = arith.constant 0 : i32
        %dma_start3A_295 = tpu.memref_slice %arg2[%arg0, %dma_start3A_293, %dma_start3A_294] : memref<2x10240x64xf32, #tpu.memory_space<hbm>> -> memref<1x10240x64xf32, #tpu.memory_space<hbm>>
        %dma_start3A_296 = tpu.memref_squeeze %dma_start3A_295 : memref<1x10240x64xf32, #tpu.memory_space<hbm>> -> memref<10240x64xf32, #tpu.memory_space<hbm>>
        %dma_start3A_297 = arith.constant 0 : i32
        %dma_start3A_298 = arith.constant 0 : i32
        %dma_start3A_299 = tpu.memref_slice %dma_start3A_296[%dma_start3A_297, %dma_start3A_298] : memref<10240x64xf32, #tpu.memory_space<hbm>> -> memref<10240x64xf32, #tpu.memory_space<hbm>>
        tpu.enqueue_indirect_dma source(%dma_start3A_299 : memref<10240x64xf32, #tpu.memory_space<hbm>>) target(%dma_start3A_289 : memref<128x64xf32, #tpu.memory_space<vmem>>) offsets(%dma_start3A_292 : memref<128xi32, #tpu.memory_space<vmem>>) semaphore(%arg11 : memref<!tpu.dma_semaphore, #tpu.memory_space<semaphore_mem>>)
      } else {
      }
      %dma_wait3A_177 = arith.constant 2 : i32
      %dma_wait3A_178 = arith.constant 0 : i32
      %dma_wait3A_179 = arith.constant 0 : i32
      %dma_wait3A_180 = tpu.memref_slice %arg9[%dma_wait3A_177, %dma_wait3A_178, %dma_wait3A_179] : memref<5x128x64xf32, #tpu.memory_space<vmem>> -> memref<1x128x64xf32, #tpu.memory_space<vmem>>
      %dma_wait3A_181 = tpu.memref_squeeze %dma_wait3A_180 : memref<1x128x64xf32, #tpu.memory_space<vmem>> -> memref<128x64xf32, #tpu.memory_space<vmem>>
      %dma_wait3A_182 = arith.constant 0 : i32
      %dma_wait3A_183 = arith.constant 0 : i32
      %dma_wait3A_184 = tpu.memref_slice %arg5[%dma_wait3A_182, %dma_wait3A_183] : memref<640x64xf32, #tpu.memory_space<hbm>> -> memref<128x64xf32, #tpu.memory_space<hbm>>
      %dma_wait3A_185 = arith.constant 0 : i32
      %dma_wait3A_186 = arith.constant 0 : i32
      %dma_wait3A_187 = tpu.memref_slice %arg9[%dma_wait3A_177, %dma_wait3A_185, %dma_wait3A_186] : memref<5x128x64xf32, #tpu.memory_space<vmem>> -> memref<1x128x64xf32, #tpu.memory_space<vmem>>
      %dma_wait3A_188 = tpu.memref_squeeze %dma_wait3A_187 : memref<1x128x64xf32, #tpu.memory_space<vmem>> -> memref<128x64xf32, #tpu.memory_space<vmem>>
      %dma_wait3A_189 = arith.constant 0 : i32
      %dma_wait3A_190 = arith.constant 0 : i32
      %dma_wait3A_191 = tpu.memref_slice %arg5[%dma_wait3A_189, %dma_wait3A_190] : memref<640x64xf32, #tpu.memory_space<hbm>> -> memref<128x64xf32, #tpu.memory_space<hbm>>
      tpu.wait_dma2 semaphore(%arg13 : memref<!tpu.dma_semaphore, #tpu.memory_space<semaphore_mem>>) src(%dma_wait3A_191 : memref<128x64xf32, #tpu.memory_space<hbm>>) dst(%dma_wait3A_188 : memref<128x64xf32, #tpu.memory_space<vmem>>)
      %dma_start3A_192 = arith.constant 2 : i32
      %dma_start3A_193 = arith.constant 0 : i32
      %dma_start3A_194 = arith.constant 0 : i32
      %dma_start3A_195 = tpu.memref_slice %arg9[%dma_start3A_192, %dma_start3A_193, %dma_start3A_194] : memref<5x128x64xf32, #tpu.memory_space<vmem>> -> memref<1x128x64xf32, #tpu.memory_space<vmem>>
      %dma_start3A_196 = tpu.memref_squeeze %dma_start3A_195 : memref<1x128x64xf32, #tpu.memory_space<vmem>> -> memref<128x64xf32, #tpu.memory_space<vmem>>
      %dma_start3A_197 = arith.constant 0 : i32
      %dma_start3A_198 = tpu.memref_slice %arg8[%add3A_166, %dma_start3A_197] : memref<160x128xi32, #tpu.memory_space<vmem>> -> memref<1x128xi32, #tpu.memory_space<vmem>>
      %dma_start3A_199 = tpu.memref_squeeze %dma_start3A_198 : memref<1x128xi32, #tpu.memory_space<vmem>> -> memref<128xi32, #tpu.memory_space<vmem>>
      %dma_start3A_200 = arith.constant 0 : i32
      %dma_start3A_201 = arith.constant 0 : i32
      %dma_start3A_202 = tpu.memref_slice %arg10[%dma_start3A_200, %dma_start3A_201] : memref<10240x64xf32, #tpu.memory_space<vmem_shared>> -> memref<10240x64xf32, #tpu.memory_space<vmem_shared>>
      tpu.enqueue_indirect_dma source(%dma_start3A_196 : memref<128x64xf32, #tpu.memory_space<vmem>>) target(%dma_start3A_202 : memref<10240x64xf32, #tpu.memory_space<vmem_shared>>) offsets(%dma_start3A_199 : memref<128xi32, #tpu.memory_space<vmem>>) semaphore(%arg18 : memref<!tpu.dma_semaphore, #tpu.memory_space<semaphore_mem>>) {add = true}
      %mul3A_203 = arith.constant 5 : i32
      %mul3A_204 = arith.muli %scan3A_87, %mul3A_203 : i32
      %add3A_205 = arith.constant 3 : i32
      %add3A_206 = arith.addi %mul3A_204, %add3A_205 : i32
      %ge3A_207 = arith.constant 2 : i32
      %ge3A_208 = arith.cmpi sge, %add3A_206, %ge3A_207 : i32
      %convert_element_type3A_209 = arith.extui %ge3A_208 : i1 to i32
      %cond3A_210 = arith.constant 0 : i32
      %cond3A_211 = arith.cmpi ne, %convert_element_type3A_209, %cond3A_210 : i32
      scf.if %cond3A_211 {
        %dma_wait3A_283 = arith.constant 1 : i32
        %dma_wait3A_284 = arith.constant 0 : i32
        %dma_wait3A_285 = arith.constant 0 : i32
        %dma_wait3A_286 = tpu.memref_slice %arg9[%dma_wait3A_283, %dma_wait3A_284, %dma_wait3A_285] : memref<5x128x64xf32, #tpu.memory_space<vmem>> -> memref<1x128x64xf32, #tpu.memory_space<vmem>>
        %dma_wait3A_287 = tpu.memref_squeeze %dma_wait3A_286 : memref<1x128x64xf32, #tpu.memory_space<vmem>> -> memref<128x64xf32, #tpu.memory_space<vmem>>
        %dma_wait3A_288 = arith.constant 0 : i32
        %dma_wait3A_289 = arith.constant 0 : i32
        %dma_wait3A_290 = tpu.memref_slice %arg10[%dma_wait3A_288, %dma_wait3A_289] : memref<10240x64xf32, #tpu.memory_space<vmem_shared>> -> memref<128x64xf32, #tpu.memory_space<vmem_shared>>
        %dma_wait3A_291 = arith.constant 0 : i32
        %dma_wait3A_292 = arith.constant 0 : i32
        %dma_wait3A_293 = tpu.memref_slice %arg10[%dma_wait3A_291, %dma_wait3A_292] : memref<10240x64xf32, #tpu.memory_space<vmem_shared>> -> memref<128x64xf32, #tpu.memory_space<vmem_shared>>
        %dma_wait3A_294 = arith.constant 0 : i32
        %dma_wait3A_295 = arith.constant 0 : i32
        %dma_wait3A_296 = tpu.memref_slice %arg9[%dma_wait3A_283, %dma_wait3A_294, %dma_wait3A_295] : memref<5x128x64xf32, #tpu.memory_space<vmem>> -> memref<1x128x64xf32, #tpu.memory_space<vmem>>
        %dma_wait3A_297 = tpu.memref_squeeze %dma_wait3A_296 : memref<1x128x64xf32, #tpu.memory_space<vmem>> -> memref<128x64xf32, #tpu.memory_space<vmem>>
        tpu.wait_dma2 semaphore(%arg17 : memref<!tpu.dma_semaphore, #tpu.memory_space<semaphore_mem>>) src(%dma_wait3A_297 : memref<128x64xf32, #tpu.memory_space<vmem>>) dst(%dma_wait3A_293 : memref<128x64xf32, #tpu.memory_space<vmem_shared>>)
      } else {
      }
      %lt3A_212 = arith.constant 157 : i32
      %lt3A_213 = arith.cmpi slt, %add3A_206, %lt3A_212 : i32
      %convert_element_type3A_214 = arith.extui %lt3A_213 : i1 to i32
      %cond3A_215 = arith.constant 0 : i32
      %cond3A_216 = arith.cmpi ne, %convert_element_type3A_214, %cond3A_215 : i32
      scf.if %cond3A_216 {
        %add3A_283 = arith.constant 3 : i32
        %add3A_284 = arith.addi %add3A_206, %add3A_283 : i32
        %dma_start3A_285 = arith.constant 1 : i32
        %dma_start3A_286 = arith.constant 0 : i32
        %dma_start3A_287 = arith.constant 0 : i32
        %dma_start3A_288 = tpu.memref_slice %arg9[%dma_start3A_285, %dma_start3A_286, %dma_start3A_287] : memref<5x128x64xf32, #tpu.memory_space<vmem>> -> memref<1x128x64xf32, #tpu.memory_space<vmem>>
        %dma_start3A_289 = tpu.memref_squeeze %dma_start3A_288 : memref<1x128x64xf32, #tpu.memory_space<vmem>> -> memref<128x64xf32, #tpu.memory_space<vmem>>
        %dma_start3A_290 = arith.constant 0 : i32
        %dma_start3A_291 = tpu.memref_slice %arg7[%add3A_284, %dma_start3A_290] : memref<160x128xi32, #tpu.memory_space<vmem>> -> memref<1x128xi32, #tpu.memory_space<vmem>>
        %dma_start3A_292 = tpu.memref_squeeze %dma_start3A_291 : memref<1x128xi32, #tpu.memory_space<vmem>> -> memref<128xi32, #tpu.memory_space<vmem>>
        %dma_start3A_293 = arith.constant 0 : i32
        %dma_start3A_294 = arith.constant 0 : i32
        %dma_start3A_295 = tpu.memref_slice %arg2[%arg0, %dma_start3A_293, %dma_start3A_294] : memref<2x10240x64xf32, #tpu.memory_space<hbm>> -> memref<1x10240x64xf32, #tpu.memory_space<hbm>>
        %dma_start3A_296 = tpu.memref_squeeze %dma_start3A_295 : memref<1x10240x64xf32, #tpu.memory_space<hbm>> -> memref<10240x64xf32, #tpu.memory_space<hbm>>
        %dma_start3A_297 = arith.constant 0 : i32
        %dma_start3A_298 = arith.constant 0 : i32
        %dma_start3A_299 = tpu.memref_slice %dma_start3A_296[%dma_start3A_297, %dma_start3A_298] : memref<10240x64xf32, #tpu.memory_space<hbm>> -> memref<10240x64xf32, #tpu.memory_space<hbm>>
        tpu.enqueue_indirect_dma source(%dma_start3A_299 : memref<10240x64xf32, #tpu.memory_space<hbm>>) target(%dma_start3A_289 : memref<128x64xf32, #tpu.memory_space<vmem>>) offsets(%dma_start3A_292 : memref<128xi32, #tpu.memory_space<vmem>>) semaphore(%arg12 : memref<!tpu.dma_semaphore, #tpu.memory_space<semaphore_mem>>)
      } else {
      }
      %dma_wait3A_217 = arith.constant 3 : i32
      %dma_wait3A_218 = arith.constant 0 : i32
      %dma_wait3A_219 = arith.constant 0 : i32
      %dma_wait3A_220 = tpu.memref_slice %arg9[%dma_wait3A_217, %dma_wait3A_218, %dma_wait3A_219] : memref<5x128x64xf32, #tpu.memory_space<vmem>> -> memref<1x128x64xf32, #tpu.memory_space<vmem>>
      %dma_wait3A_221 = tpu.memref_squeeze %dma_wait3A_220 : memref<1x128x64xf32, #tpu.memory_space<vmem>> -> memref<128x64xf32, #tpu.memory_space<vmem>>
      %dma_wait3A_222 = arith.constant 0 : i32
      %dma_wait3A_223 = arith.constant 0 : i32
      %dma_wait3A_224 = tpu.memref_slice %arg5[%dma_wait3A_222, %dma_wait3A_223] : memref<640x64xf32, #tpu.memory_space<hbm>> -> memref<128x64xf32, #tpu.memory_space<hbm>>
      %dma_wait3A_225 = arith.constant 0 : i32
      %dma_wait3A_226 = arith.constant 0 : i32
      %dma_wait3A_227 = tpu.memref_slice %arg9[%dma_wait3A_217, %dma_wait3A_225, %dma_wait3A_226] : memref<5x128x64xf32, #tpu.memory_space<vmem>> -> memref<1x128x64xf32, #tpu.memory_space<vmem>>
      %dma_wait3A_228 = tpu.memref_squeeze %dma_wait3A_227 : memref<1x128x64xf32, #tpu.memory_space<vmem>> -> memref<128x64xf32, #tpu.memory_space<vmem>>
      %dma_wait3A_229 = arith.constant 0 : i32
      %dma_wait3A_230 = arith.constant 0 : i32
      %dma_wait3A_231 = tpu.memref_slice %arg5[%dma_wait3A_229, %dma_wait3A_230] : memref<640x64xf32, #tpu.memory_space<hbm>> -> memref<128x64xf32, #tpu.memory_space<hbm>>
      tpu.wait_dma2 semaphore(%arg14 : memref<!tpu.dma_semaphore, #tpu.memory_space<semaphore_mem>>) src(%dma_wait3A_231 : memref<128x64xf32, #tpu.memory_space<hbm>>) dst(%dma_wait3A_228 : memref<128x64xf32, #tpu.memory_space<vmem>>)
      %dma_start3A_232 = arith.constant 3 : i32
      %dma_start3A_233 = arith.constant 0 : i32
      %dma_start3A_234 = arith.constant 0 : i32
      %dma_start3A_235 = tpu.memref_slice %arg9[%dma_start3A_232, %dma_start3A_233, %dma_start3A_234] : memref<5x128x64xf32, #tpu.memory_space<vmem>> -> memref<1x128x64xf32, #tpu.memory_space<vmem>>
      %dma_start3A_236 = tpu.memref_squeeze %dma_start3A_235 : memref<1x128x64xf32, #tpu.memory_space<vmem>> -> memref<128x64xf32, #tpu.memory_space<vmem>>
      %dma_start3A_237 = arith.constant 0 : i32
      %dma_start3A_238 = tpu.memref_slice %arg8[%add3A_206, %dma_start3A_237] : memref<160x128xi32, #tpu.memory_space<vmem>> -> memref<1x128xi32, #tpu.memory_space<vmem>>
      %dma_start3A_239 = tpu.memref_squeeze %dma_start3A_238 : memref<1x128xi32, #tpu.memory_space<vmem>> -> memref<128xi32, #tpu.memory_space<vmem>>
      %dma_start3A_240 = arith.constant 0 : i32
      %dma_start3A_241 = arith.constant 0 : i32
      %dma_start3A_242 = tpu.memref_slice %arg10[%dma_start3A_240, %dma_start3A_241] : memref<10240x64xf32, #tpu.memory_space<vmem_shared>> -> memref<10240x64xf32, #tpu.memory_space<vmem_shared>>
      tpu.enqueue_indirect_dma source(%dma_start3A_236 : memref<128x64xf32, #tpu.memory_space<vmem>>) target(%dma_start3A_242 : memref<10240x64xf32, #tpu.memory_space<vmem_shared>>) offsets(%dma_start3A_239 : memref<128xi32, #tpu.memory_space<vmem>>) semaphore(%arg19 : memref<!tpu.dma_semaphore, #tpu.memory_space<semaphore_mem>>) {add = true}
      %mul3A_243 = arith.constant 5 : i32
      %mul3A_244 = arith.muli %scan3A_87, %mul3A_243 : i32
      %add3A_245 = arith.constant 4 : i32
      %add3A_246 = arith.addi %mul3A_244, %add3A_245 : i32
      %ge3A_247 = arith.constant 2 : i32
      %ge3A_248 = arith.cmpi sge, %add3A_246, %ge3A_247 : i32
      %convert_element_type3A_249 = arith.extui %ge3A_248 : i1 to i32
      %cond3A_250 = arith.constant 0 : i32
      %cond3A_251 = arith.cmpi ne, %convert_element_type3A_249, %cond3A_250 : i32
      scf.if %cond3A_251 {
        %dma_wait3A_283 = arith.constant 2 : i32
        %dma_wait3A_284 = arith.constant 0 : i32
        %dma_wait3A_285 = arith.constant 0 : i32
        %dma_wait3A_286 = tpu.memref_slice %arg9[%dma_wait3A_283, %dma_wait3A_284, %dma_wait3A_285] : memref<5x128x64xf32, #tpu.memory_space<vmem>> -> memref<1x128x64xf32, #tpu.memory_space<vmem>>
        %dma_wait3A_287 = tpu.memref_squeeze %dma_wait3A_286 : memref<1x128x64xf32, #tpu.memory_space<vmem>> -> memref<128x64xf32, #tpu.memory_space<vmem>>
        %dma_wait3A_288 = arith.constant 0 : i32
        %dma_wait3A_289 = arith.constant 0 : i32
        %dma_wait3A_290 = tpu.memref_slice %arg10[%dma_wait3A_288, %dma_wait3A_289] : memref<10240x64xf32, #tpu.memory_space<vmem_shared>> -> memref<128x64xf32, #tpu.memory_space<vmem_shared>>
        %dma_wait3A_291 = arith.constant 0 : i32
        %dma_wait3A_292 = arith.constant 0 : i32
        %dma_wait3A_293 = tpu.memref_slice %arg10[%dma_wait3A_291, %dma_wait3A_292] : memref<10240x64xf32, #tpu.memory_space<vmem_shared>> -> memref<128x64xf32, #tpu.memory_space<vmem_shared>>
        %dma_wait3A_294 = arith.constant 0 : i32
        %dma_wait3A_295 = arith.constant 0 : i32
        %dma_wait3A_296 = tpu.memref_slice %arg9[%dma_wait3A_283, %dma_wait3A_294, %dma_wait3A_295] : memref<5x128x64xf32, #tpu.memory_space<vmem>> -> memref<1x128x64xf32, #tpu.memory_space<vmem>>
        %dma_wait3A_297 = tpu.memref_squeeze %dma_wait3A_296 : memref<1x128x64xf32, #tpu.memory_space<vmem>> -> memref<128x64xf32, #tpu.memory_space<vmem>>
        tpu.wait_dma2 semaphore(%arg18 : memref<!tpu.dma_semaphore, #tpu.memory_space<semaphore_mem>>) src(%dma_wait3A_297 : memref<128x64xf32, #tpu.memory_space<vmem>>) dst(%dma_wait3A_293 : memref<128x64xf32, #tpu.memory_space<vmem_shared>>)
      } else {
      }
      %lt3A_252 = arith.constant 157 : i32
      %lt3A_253 = arith.cmpi slt, %add3A_246, %lt3A_252 : i32
      %convert_element_type3A_254 = arith.extui %lt3A_253 : i1 to i32
      %cond3A_255 = arith.constant 0 : i32
      %cond3A_256 = arith.cmpi ne, %convert_element_type3A_254, %cond3A_255 : i32
      scf.if %cond3A_256 {
        %add3A_283 = arith.constant 3 : i32
        %add3A_284 = arith.addi %add3A_246, %add3A_283 : i32
        %dma_start3A_285 = arith.constant 2 : i32
        %dma_start3A_286 = arith.constant 0 : i32
        %dma_start3A_287 = arith.constant 0 : i32
        %dma_start3A_288 = tpu.memref_slice %arg9[%dma_start3A_285, %dma_start3A_286, %dma_start3A_287] : memref<5x128x64xf32, #tpu.memory_space<vmem>> -> memref<1x128x64xf32, #tpu.memory_space<vmem>>
        %dma_start3A_289 = tpu.memref_squeeze %dma_start3A_288 : memref<1x128x64xf32, #tpu.memory_space<vmem>> -> memref<128x64xf32, #tpu.memory_space<vmem>>
        %dma_start3A_290 = arith.constant 0 : i32
        %dma_start3A_291 = tpu.memref_slice %arg7[%add3A_284, %dma_start3A_290] : memref<160x128xi32, #tpu.memory_space<vmem>> -> memref<1x128xi32, #tpu.memory_space<vmem>>
        %dma_start3A_292 = tpu.memref_squeeze %dma_start3A_291 : memref<1x128xi32, #tpu.memory_space<vmem>> -> memref<128xi32, #tpu.memory_space<vmem>>
        %dma_start3A_293 = arith.constant 0 : i32
        %dma_start3A_294 = arith.constant 0 : i32
        %dma_start3A_295 = tpu.memref_slice %arg2[%arg0, %dma_start3A_293, %dma_start3A_294] : memref<2x10240x64xf32, #tpu.memory_space<hbm>> -> memref<1x10240x64xf32, #tpu.memory_space<hbm>>
        %dma_start3A_296 = tpu.memref_squeeze %dma_start3A_295 : memref<1x10240x64xf32, #tpu.memory_space<hbm>> -> memref<10240x64xf32, #tpu.memory_space<hbm>>
        %dma_start3A_297 = arith.constant 0 : i32
        %dma_start3A_298 = arith.constant 0 : i32
        %dma_start3A_299 = tpu.memref_slice %dma_start3A_296[%dma_start3A_297, %dma_start3A_298] : memref<10240x64xf32, #tpu.memory_space<hbm>> -> memref<10240x64xf32, #tpu.memory_space<hbm>>
        tpu.enqueue_indirect_dma source(%dma_start3A_299 : memref<10240x64xf32, #tpu.memory_space<hbm>>) target(%dma_start3A_289 : memref<128x64xf32, #tpu.memory_space<vmem>>) offsets(%dma_start3A_292 : memref<128xi32, #tpu.memory_space<vmem>>) semaphore(%arg13 : memref<!tpu.dma_semaphore, #tpu.memory_space<semaphore_mem>>)
      } else {
      }
      %dma_wait3A_257 = arith.constant 4 : i32
      %dma_wait3A_258 = arith.constant 0 : i32
      %dma_wait3A_259 = arith.constant 0 : i32
      %dma_wait3A_260 = tpu.memref_slice %arg9[%dma_wait3A_257, %dma_wait3A_258, %dma_wait3A_259] : memref<5x128x64xf32, #tpu.memory_space<vmem>> -> memref<1x128x64xf32, #tpu.memory_space<vmem>>
      %dma_wait3A_261 = tpu.memref_squeeze %dma_wait3A_260 : memref<1x128x64xf32, #tpu.memory_space<vmem>> -> memref<128x64xf32, #tpu.memory_space<vmem>>
      %dma_wait3A_262 = arith.constant 0 : i32
      %dma_wait3A_263 = arith.constant 0 : i32
      %dma_wait3A_264 = tpu.memref_slice %arg5[%dma_wait3A_262, %dma_wait3A_263] : memref<640x64xf32, #tpu.memory_space<hbm>> -> memref<128x64xf32, #tpu.memory_space<hbm>>
      %dma_wait3A_265 = arith.constant 0 : i32
      %dma_wait3A_266 = arith.constant 0 : i32
      %dma_wait3A_267 = tpu.memref_slice %arg9[%dma_wait3A_257, %dma_wait3A_265, %dma_wait3A_266] : memref<5x128x64xf32, #tpu.memory_space<vmem>> -> memref<1x128x64xf32, #tpu.memory_space<vmem>>
      %dma_wait3A_268 = tpu.memref_squeeze %dma_wait3A_267 : memref<1x128x64xf32, #tpu.memory_space<vmem>> -> memref<128x64xf32, #tpu.memory_space<vmem>>
      %dma_wait3A_269 = arith.constant 0 : i32
      %dma_wait3A_270 = arith.constant 0 : i32
      %dma_wait3A_271 = tpu.memref_slice %arg5[%dma_wait3A_269, %dma_wait3A_270] : memref<640x64xf32, #tpu.memory_space<hbm>> -> memref<128x64xf32, #tpu.memory_space<hbm>>
      tpu.wait_dma2 semaphore(%arg15 : memref<!tpu.dma_semaphore, #tpu.memory_space<semaphore_mem>>) src(%dma_wait3A_271 : memref<128x64xf32, #tpu.memory_space<hbm>>) dst(%dma_wait3A_268 : memref<128x64xf32, #tpu.memory_space<vmem>>)
      %dma_start3A_272 = arith.constant 4 : i32
      %dma_start3A_273 = arith.constant 0 : i32
      %dma_start3A_274 = arith.constant 0 : i32
      %dma_start3A_275 = tpu.memref_slice %arg9[%dma_start3A_272, %dma_start3A_273, %dma_start3A_274] : memref<5x128x64xf32, #tpu.memory_space<vmem>> -> memref<1x128x64xf32, #tpu.memory_space<vmem>>
      %dma_start3A_276 = tpu.memref_squeeze %dma_start3A_275 : memref<1x128x64xf32, #tpu.memory_space<vmem>> -> memref<128x64xf32, #tpu.memory_space<vmem>>
      %dma_start3A_277 = arith.constant 0 : i32
      %dma_start3A_278 = tpu.memref_slice %arg8[%add3A_246, %dma_start3A_277] : memref<160x128xi32, #tpu.memory_space<vmem>> -> memref<1x128xi32, #tpu.memory_space<vmem>>
      %dma_start3A_279 = tpu.memref_squeeze %dma_start3A_278 : memref<1x128xi32, #tpu.memory_space<vmem>> -> memref<128xi32, #tpu.memory_space<vmem>>
      %dma_start3A_280 = arith.constant 0 : i32
      %dma_start3A_281 = arith.constant 0 : i32
      %dma_start3A_282 = tpu.memref_slice %arg10[%dma_start3A_280, %dma_start3A_281] : memref<10240x64xf32, #tpu.memory_space<vmem_shared>> -> memref<10240x64xf32, #tpu.memory_space<vmem_shared>>
      tpu.enqueue_indirect_dma source(%dma_start3A_276 : memref<128x64xf32, #tpu.memory_space<vmem>>) target(%dma_start3A_282 : memref<10240x64xf32, #tpu.memory_space<vmem_shared>>) offsets(%dma_start3A_279 : memref<128xi32, #tpu.memory_space<vmem>>) semaphore(%arg20 : memref<!tpu.dma_semaphore, #tpu.memory_space<semaphore_mem>>) {add = true}
    }
    %scan3A_52 = arith.constant 32 : i32
    %dma_wait3A = arith.constant 3 : i32
    %dma_wait3A_53 = arith.constant 0 : i32
    %dma_wait3A_54 = arith.constant 0 : i32
    %dma_wait3A_55 = tpu.memref_slice %arg9[%dma_wait3A, %dma_wait3A_53, %dma_wait3A_54] : memref<5x128x64xf32, #tpu.memory_space<vmem>> -> memref<1x128x64xf32, #tpu.memory_space<vmem>>
    %dma_wait3A_56 = tpu.memref_squeeze %dma_wait3A_55 : memref<1x128x64xf32, #tpu.memory_space<vmem>> -> memref<128x64xf32, #tpu.memory_space<vmem>>
    %dma_wait3A_57 = arith.constant 0 : i32
    %dma_wait3A_58 = arith.constant 0 : i32
    %dma_wait3A_59 = tpu.memref_slice %arg10[%dma_wait3A_57, %dma_wait3A_58] : memref<10240x64xf32, #tpu.memory_space<vmem_shared>> -> memref<128x64xf32, #tpu.memory_space<vmem_shared>>
    %dma_wait3A_60 = arith.constant 0 : i32
    %dma_wait3A_61 = arith.constant 0 : i32
    %dma_wait3A_62 = tpu.memref_slice %arg10[%dma_wait3A_60, %dma_wait3A_61] : memref<10240x64xf32, #tpu.memory_space<vmem_shared>> -> memref<128x64xf32, #tpu.memory_space<vmem_shared>>
    %dma_wait3A_63 = arith.constant 0 : i32
    %dma_wait3A_64 = arith.constant 0 : i32
    %dma_wait3A_65 = tpu.memref_slice %arg9[%dma_wait3A, %dma_wait3A_63, %dma_wait3A_64] : memref<5x128x64xf32, #tpu.memory_space<vmem>> -> memref<1x128x64xf32, #tpu.memory_space<vmem>>
    %dma_wait3A_66 = tpu.memref_squeeze %dma_wait3A_65 : memref<1x128x64xf32, #tpu.memory_space<vmem>> -> memref<128x64xf32, #tpu.memory_space<vmem>>
    tpu.wait_dma2 semaphore(%arg19 : memref<!tpu.dma_semaphore, #tpu.memory_space<semaphore_mem>>) src(%dma_wait3A_66 : memref<128x64xf32, #tpu.memory_space<vmem>>) dst(%dma_wait3A_62 : memref<128x64xf32, #tpu.memory_space<vmem_shared>>)
    %dma_wait3A_67 = arith.constant 4 : i32
    %dma_wait3A_68 = arith.constant 0 : i32
    %dma_wait3A_69 = arith.constant 0 : i32
    %dma_wait3A_70 = tpu.memref_slice %arg9[%dma_wait3A_67, %dma_wait3A_68, %dma_wait3A_69] : memref<5x128x64xf32, #tpu.memory_space<vmem>> -> memref<1x128x64xf32, #tpu.memory_space<vmem>>
    %dma_wait3A_71 = tpu.memref_squeeze %dma_wait3A_70 : memref<1x128x64xf32, #tpu.memory_space<vmem>> -> memref<128x64xf32, #tpu.memory_space<vmem>>
    %dma_wait3A_72 = arith.constant 0 : i32
    %dma_wait3A_73 = arith.constant 0 : i32
    %dma_wait3A_74 = tpu.memref_slice %arg10[%dma_wait3A_72, %dma_wait3A_73] : memref<10240x64xf32, #tpu.memory_space<vmem_shared>> -> memref<128x64xf32, #tpu.memory_space<vmem_shared>>
    %dma_wait3A_75 = arith.constant 0 : i32
    %dma_wait3A_76 = arith.constant 0 : i32
    %dma_wait3A_77 = tpu.memref_slice %arg10[%dma_wait3A_75, %dma_wait3A_76] : memref<10240x64xf32, #tpu.memory_space<vmem_shared>> -> memref<128x64xf32, #tpu.memory_space<vmem_shared>>
    %dma_wait3A_78 = arith.constant 0 : i32
    %dma_wait3A_79 = arith.constant 0 : i32
    %dma_wait3A_80 = tpu.memref_slice %arg9[%dma_wait3A_67, %dma_wait3A_78, %dma_wait3A_79] : memref<5x128x64xf32, #tpu.memory_space<vmem>> -> memref<1x128x64xf32, #tpu.memory_space<vmem>>
    %dma_wait3A_81 = tpu.memref_squeeze %dma_wait3A_80 : memref<1x128x64xf32, #tpu.memory_space<vmem>> -> memref<128x64xf32, #tpu.memory_space<vmem>>
    tpu.wait_dma2 semaphore(%arg20 : memref<!tpu.dma_semaphore, #tpu.memory_space<semaphore_mem>>) src(%dma_wait3A_81 : memref<128x64xf32, #tpu.memory_space<vmem>>) dst(%dma_wait3A_77 : memref<128x64xf32, #tpu.memory_space<vmem_shared>>)
    %barrier3A_82 = arith.constant 0 : index
    tpu.barrier barrier_id(%barrier3A_82)
    %mul3A_83 = arith.constant 640 : i32
    %mul3A_84 = arith.muli %arg1, %mul3A_83 : i32
    %mul3A_85 = arith.constant 640 : i32
    %mul3A_86 = arith.muli %arg1, %mul3A_85 : i32
    "tpu.region"() ({
      %run_scoped3A = tpu.sem_alloc : memref<!tpu.dma_semaphore, #tpu.memory_space<semaphore_mem>>
      %dma_start3A_87 = arith.constant 0 : i32
      %dma_start3A_88 = tpu.memref_slice %arg6[%arg0, %mul3A_86, %dma_start3A_87] : memref<2x10240x64xf32, #tpu.memory_space<hbm>> -> memref<1x640x64xf32, #tpu.memory_space<hbm>>
      %dma_start3A_89 = tpu.memref_squeeze %dma_start3A_88 : memref<1x640x64xf32, #tpu.memory_space<hbm>> -> memref<640x64xf32, #tpu.memory_space<hbm>>
      %dma_start3A_90 = arith.constant 0 : i32
      %dma_start3A_91 = tpu.memref_slice %arg10[%mul3A_84, %dma_start3A_90] : memref<10240x64xf32, #tpu.memory_space<vmem_shared>> -> memref<640x64xf32, #tpu.memory_space<vmem_shared>>
      tpu.enqueue_dma source(%dma_start3A_91 : memref<640x64xf32, #tpu.memory_space<vmem_shared>>) target(%dma_start3A_89 : memref<640x64xf32, #tpu.memory_space<hbm>>) target_semaphore(%run_scoped3A : memref<!tpu.dma_semaphore, #tpu.memory_space<semaphore_mem>>)
      %dma_wait3A_92 = arith.constant 0 : i32
      %dma_wait3A_93 = tpu.memref_slice %arg6[%arg0, %mul3A_86, %dma_wait3A_92] : memref<2x10240x64xf32, #tpu.memory_space<hbm>> -> memref<1x640x64xf32, #tpu.memory_space<hbm>>
      %dma_wait3A_94 = tpu.memref_squeeze %dma_wait3A_93 : memref<1x640x64xf32, #tpu.memory_space<hbm>> -> memref<640x64xf32, #tpu.memory_space<hbm>>
      %dma_wait3A_95 = arith.constant 0 : i32
      %dma_wait3A_96 = tpu.memref_slice %arg10[%mul3A_84, %dma_wait3A_95] : memref<10240x64xf32, #tpu.memory_space<vmem_shared>> -> memref<640x64xf32, #tpu.memory_space<vmem_shared>>
      tpu.wait_dma2 semaphore(%run_scoped3A : memref<!tpu.dma_semaphore, #tpu.memory_space<semaphore_mem>>) src(%dma_wait3A_96 : memref<640x64xf32, #tpu.memory_space<vmem_shared>>) dst(%dma_wait3A_94 : memref<640x64xf32, #tpu.memory_space<hbm>>)
      tpu.yield
    }) : () -> ()
    return
  }
}

#map = affine_map<(d0, d1) -> (0, 0, 0)>
#map1 = affine_map<(d0, d1) -> (0, 0)>
module attributes {stable_mosaic.version = 14 : i64} {
  func.func @_sc_scatter(%arg0: i32, %arg1: i32, %arg2: memref<2x10240x64xf32, #tpu.memory_space<hbm>>, %arg3: memref<16x160x128xi32, #tpu.memory_space<hbm>>, %arg4: memref<16x160x128xi32, #tpu.memory_space<hbm>>, %arg5: memref<640x64xf32, #tpu.memory_space<hbm>>, %arg6: memref<2x10240x64xf32, #tpu.memory_space<hbm>>, %arg7: memref<160x128xi32, #tpu.memory_space<vmem>>, %arg8: memref<160x128xi32, #tpu.memory_space<vmem>>, %arg9: memref<5x128x64xf32, #tpu.memory_space<vmem>>, %arg10: memref<10240x64xf32, #tpu.memory_space<vmem_shared>>, %arg11: memref<!tpu.dma_semaphore, #tpu.memory_space<semaphore_mem>>, %arg12: memref<!tpu.dma_semaphore, #tpu.memory_space<semaphore_mem>>, %arg13: memref<!tpu.dma_semaphore, #tpu.memory_space<semaphore_mem>>, %arg14: memref<!tpu.dma_semaphore, #tpu.memory_space<semaphore_mem>>, %arg15: memref<!tpu.dma_semaphore, #tpu.memory_space<semaphore_mem>>, %arg16: memref<!tpu.dma_semaphore, #tpu.memory_space<semaphore_mem>>, %arg17: memref<!tpu.dma_semaphore, #tpu.memory_space<semaphore_mem>>, %arg18: memref<!tpu.dma_semaphore, #tpu.memory_space<semaphore_mem>>, %arg19: memref<!tpu.dma_semaphore, #tpu.memory_space<semaphore_mem>>, %arg20: memref<!tpu.dma_semaphore, #tpu.memory_space<semaphore_mem>>) attributes {dimension_semantics = [#tpu.dimension_semantics<core_parallel>, #tpu.dimension_semantics<subcore_parallel>], iteration_bounds = array<i64: 2, 16>, scalar_prefetch = 0 : i64, scratch_operands = 14 : i64, tpu.core_type = #tpu.core_type<sc_vector_subcore>, window_params = [{transform_indices = #map}, {transform_indices = #map}, {transform_indices = #map}, {transform_indices = #map1}, {transform_indices = #map}]} {
    %mul3A = arith.constant 640 : i32
    %mul3A_0 = arith.muli %arg1, %mul3A : i32
    "tpu.region"() ({
      %run_scoped3A = tpu.sem_alloc : memref<!tpu.dma_semaphore, #tpu.memory_space<semaphore_mem>>
      %dma_start3A_87 = arith.constant 0 : i32
      %dma_start3A_88 = tpu.memref_slice %arg10[%mul3A_0, %dma_start3A_87] : memref<10240x64xf32, #tpu.memory_space<vmem_shared>> -> memref<640x64xf32, #tpu.memory_space<vmem_shared>>
      %dma_start3A_89 = arith.constant 0 : i32
      %dma_start3A_90 = arith.constant 0 : i32
      %dma_start3A_91 = tpu.memref_slice %arg5[%dma_start3A_89, %dma_start3A_90] : memref<640x64xf32, #tpu.memory_space<hbm>> -> memref<640x64xf32, #tpu.memory_space<hbm>>
      tpu.enqueue_dma source(%dma_start3A_91 : memref<640x64xf32, #tpu.memory_space<hbm>>) target(%dma_start3A_88 : memref<640x64xf32, #tpu.memory_space<vmem_shared>>) target_semaphore(%run_scoped3A : memref<!tpu.dma_semaphore, #tpu.memory_space<semaphore_mem>>)
      %dma_wait3A_92 = arith.constant 0 : i32
      %dma_wait3A_93 = tpu.memref_slice %arg10[%mul3A_0, %dma_wait3A_92] : memref<10240x64xf32, #tpu.memory_space<vmem_shared>> -> memref<640x64xf32, #tpu.memory_space<vmem_shared>>
      %dma_wait3A_94 = arith.constant 0 : i32
      %dma_wait3A_95 = arith.constant 0 : i32
      %dma_wait3A_96 = tpu.memref_slice %arg5[%dma_wait3A_94, %dma_wait3A_95] : memref<640x64xf32, #tpu.memory_space<hbm>> -> memref<640x64xf32, #tpu.memory_space<hbm>>
      tpu.wait_dma2 semaphore(%run_scoped3A : memref<!tpu.dma_semaphore, #tpu.memory_space<semaphore_mem>>) src(%dma_wait3A_96 : memref<640x64xf32, #tpu.memory_space<hbm>>) dst(%dma_wait3A_93 : memref<640x64xf32, #tpu.memory_space<vmem_shared>>)
      tpu.yield
    }) : () -> ()
    "tpu.region"() ({
      %run_scoped3A = tpu.sem_alloc : memref<!tpu.dma_semaphore, #tpu.memory_space<semaphore_mem>>
      %dma_start3A_87 = arith.constant 0 : i32
      %dma_start3A_88 = arith.constant 0 : i32
      %dma_start3A_89 = tpu.memref_slice %arg3[%arg1, %dma_start3A_87, %dma_start3A_88] : memref<16x160x128xi32, #tpu.memory_space<hbm>> -> memref<1x160x128xi32, #tpu.memory_space<hbm>>
      %dma_start3A_90 = tpu.memref_squeeze %dma_start3A_89 : memref<1x160x128xi32, #tpu.memory_space<hbm>> -> memref<160x128xi32, #tpu.memory_space<hbm>>
      %dma_start3A_91 = arith.constant 0 : i32
      %dma_start3A_92 = arith.constant 0 : i32
      %dma_start3A_93 = tpu.memref_slice %arg3[%arg1, %dma_start3A_91, %dma_start3A_92] : memref<16x160x128xi32, #tpu.memory_space<hbm>> -> memref<1x160x128xi32, #tpu.memory_space<hbm>>
      %dma_start3A_94 = tpu.memref_squeeze %dma_start3A_93 : memref<1x160x128xi32, #tpu.memory_space<hbm>> -> memref<160x128xi32, #tpu.memory_space<hbm>>
      tpu.enqueue_dma source(%dma_start3A_94 : memref<160x128xi32, #tpu.memory_space<hbm>>) target(%arg7 : memref<160x128xi32, #tpu.memory_space<vmem>>) target_semaphore(%run_scoped3A : memref<!tpu.dma_semaphore, #tpu.memory_space<semaphore_mem>>)
      %dma_wait3A_95 = arith.constant 0 : i32
      %dma_wait3A_96 = arith.constant 0 : i32
      %dma_wait3A_97 = tpu.memref_slice %arg3[%arg1, %dma_wait3A_95, %dma_wait3A_96] : memref<16x160x128xi32, #tpu.memory_space<hbm>> -> memref<1x160x128xi32, #tpu.memory_space<hbm>>
      %dma_wait3A_98 = tpu.memref_squeeze %dma_wait3A_97 : memref<1x160x128xi32, #tpu.memory_space<hbm>> -> memref<160x128xi32, #tpu.memory_space<hbm>>
      %dma_wait3A_99 = arith.constant 0 : i32
      %dma_wait3A_100 = arith.constant 0 : i32
      %dma_wait3A_101 = tpu.memref_slice %arg3[%arg1, %dma_wait3A_99, %dma_wait3A_100] : memref<16x160x128xi32, #tpu.memory_space<hbm>> -> memref<1x160x128xi32, #tpu.memory_space<hbm>>
      %dma_wait3A_102 = tpu.memref_squeeze %dma_wait3A_101 : memref<1x160x128xi32, #tpu.memory_space<hbm>> -> memref<160x128xi32, #tpu.memory_space<hbm>>
      tpu.wait_dma2 semaphore(%run_scoped3A : memref<!tpu.dma_semaphore, #tpu.memory_space<semaphore_mem>>) src(%dma_wait3A_102 : memref<160x128xi32, #tpu.memory_space<hbm>>) dst(%arg7 : memref<160x128xi32, #tpu.memory_space<vmem>>)
      tpu.yield
    }) : () -> ()
    "tpu.region"() ({
      %run_scoped3A = tpu.sem_alloc : memref<!tpu.dma_semaphore, #tpu.memory_space<semaphore_mem>>
      %dma_start3A_87 = arith.constant 0 : i32
      %dma_start3A_88 = arith.constant 0 : i32
      %dma_start3A_89 = tpu.memref_slice %arg4[%arg1, %dma_start3A_87, %dma_start3A_88] : memref<16x160x128xi32, #tpu.memory_space<hbm>> -> memref<1x160x128xi32, #tpu.memory_space<hbm>>
      %dma_start3A_90 = tpu.memref_squeeze %dma_start3A_89 : memref<1x160x128xi32, #tpu.memory_space<hbm>> -> memref<160x128xi32, #tpu.memory_space<hbm>>
      %dma_start3A_91 = arith.constant 0 : i32
      %dma_start3A_92 = arith.constant 0 : i32
      %dma_start3A_93 = tpu.memref_slice %arg4[%arg1, %dma_start3A_91, %dma_start3A_92] : memref<16x160x128xi32, #tpu.memory_space<hbm>> -> memref<1x160x128xi32, #tpu.memory_space<hbm>>
      %dma_start3A_94 = tpu.memref_squeeze %dma_start3A_93 : memref<1x160x128xi32, #tpu.memory_space<hbm>> -> memref<160x128xi32, #tpu.memory_space<hbm>>
      tpu.enqueue_dma source(%dma_start3A_94 : memref<160x128xi32, #tpu.memory_space<hbm>>) target(%arg8 : memref<160x128xi32, #tpu.memory_space<vmem>>) target_semaphore(%run_scoped3A : memref<!tpu.dma_semaphore, #tpu.memory_space<semaphore_mem>>)
      %dma_wait3A_95 = arith.constant 0 : i32
      %dma_wait3A_96 = arith.constant 0 : i32
      %dma_wait3A_97 = tpu.memref_slice %arg4[%arg1, %dma_wait3A_95, %dma_wait3A_96] : memref<16x160x128xi32, #tpu.memory_space<hbm>> -> memref<1x160x128xi32, #tpu.memory_space<hbm>>
      %dma_wait3A_98 = tpu.memref_squeeze %dma_wait3A_97 : memref<1x160x128xi32, #tpu.memory_space<hbm>> -> memref<160x128xi32, #tpu.memory_space<hbm>>
      %dma_wait3A_99 = arith.constant 0 : i32
      %dma_wait3A_100 = arith.constant 0 : i32
      %dma_wait3A_101 = tpu.memref_slice %arg4[%arg1, %dma_wait3A_99, %dma_wait3A_100] : memref<16x160x128xi32, #tpu.memory_space<hbm>> -> memref<1x160x128xi32, #tpu.memory_space<hbm>>
      %dma_wait3A_102 = tpu.memref_squeeze %dma_wait3A_101 : memref<1x160x128xi32, #tpu.memory_space<hbm>> -> memref<160x128xi32, #tpu.memory_space<hbm>>
      tpu.wait_dma2 semaphore(%run_scoped3A : memref<!tpu.dma_semaphore, #tpu.memory_space<semaphore_mem>>) src(%dma_wait3A_102 : memref<160x128xi32, #tpu.memory_space<hbm>>) dst(%arg8 : memref<160x128xi32, #tpu.memory_space<vmem>>)
      tpu.yield
    }) : () -> ()
    %barrier3A = arith.constant 0 : index
    tpu.barrier barrier_id(%barrier3A)
    %dma_start3A = arith.constant 0 : i32
    %dma_start3A_1 = arith.constant 0 : i32
    %dma_start3A_2 = arith.constant 0 : i32
    %dma_start3A_3 = arith.constant 0 : i32
    %dma_start3A_4 = tpu.memref_slice %arg9[%dma_start3A_1, %dma_start3A_2, %dma_start3A_3] : memref<5x128x64xf32, #tpu.memory_space<vmem>> -> memref<1x128x64xf32, #tpu.memory_space<vmem>>
    %dma_start3A_5 = tpu.memref_squeeze %dma_start3A_4 : memref<1x128x64xf32, #tpu.memory_space<vmem>> -> memref<128x64xf32, #tpu.memory_space<vmem>>
    %dma_start3A_6 = arith.constant 0 : i32
    %dma_start3A_7 = tpu.memref_slice %arg7[%dma_start3A, %dma_start3A_6] : memref<160x128xi32, #tpu.memory_space<vmem>> -> memref<1x128xi32, #tpu.memory_space<vmem>>
    %dma_start3A_8 = tpu.memref_squeeze %dma_start3A_7 : memref<1x128xi32, #tpu.memory_space<vmem>> -> memref<128xi32, #tpu.memory_space<vmem>>
    %dma_start3A_9 = arith.constant 0 : i32
    %dma_start3A_10 = arith.constant 0 : i32
    %dma_start3A_11 = tpu.memref_slice %arg2[%arg0, %dma_start3A_9, %dma_start3A_10] : memref<2x10240x64xf32, #tpu.memory_space<hbm>> -> memref<1x10240x64xf32, #tpu.memory_space<hbm>>
    %dma_start3A_12 = tpu.memref_squeeze %dma_start3A_11 : memref<1x10240x64xf32, #tpu.memory_space<hbm>> -> memref<10240x64xf32, #tpu.memory_space<hbm>>
    %dma_start3A_13 = arith.constant 0 : i32
    %dma_start3A_14 = arith.constant 0 : i32
    %dma_start3A_15 = tpu.memref_slice %dma_start3A_12[%dma_start3A_13, %dma_start3A_14] : memref<10240x64xf32, #tpu.memory_space<hbm>> -> memref<10240x64xf32, #tpu.memory_space<hbm>>
    tpu.enqueue_indirect_dma source(%dma_start3A_15 : memref<10240x64xf32, #tpu.memory_space<hbm>>) target(%dma_start3A_5 : memref<128x64xf32, #tpu.memory_space<vmem>>) offsets(%dma_start3A_8 : memref<128xi32, #tpu.memory_space<vmem>>) semaphore(%arg11 : memref<!tpu.dma_semaphore, #tpu.memory_space<semaphore_mem>>)
    %dma_start3A_16 = arith.constant 1 : i32
    %dma_start3A_17 = arith.constant 1 : i32
    %dma_start3A_18 = arith.constant 0 : i32
    %dma_start3A_19 = arith.constant 0 : i32
    %dma_start3A_20 = tpu.memref_slice %arg9[%dma_start3A_17, %dma_start3A_18, %dma_start3A_19] : memref<5x128x64xf32, #tpu.memory_space<vmem>> -> memref<1x128x64xf32, #tpu.memory_space<vmem>>
    %dma_start3A_21 = tpu.memref_squeeze %dma_start3A_20 : memref<1x128x64xf32, #tpu.memory_space<vmem>> -> memref<128x64xf32, #tpu.memory_space<vmem>>
    %dma_start3A_22 = arith.constant 0 : i32
    %dma_start3A_23 = tpu.memref_slice %arg7[%dma_start3A_16, %dma_start3A_22] : memref<160x128xi32, #tpu.memory_space<vmem>> -> memref<1x128xi32, #tpu.memory_space<vmem>>
    %dma_start3A_24 = tpu.memref_squeeze %dma_start3A_23 : memref<1x128xi32, #tpu.memory_space<vmem>> -> memref<128xi32, #tpu.memory_space<vmem>>
    %dma_start3A_25 = arith.constant 0 : i32
    %dma_start3A_26 = arith.constant 0 : i32
    %dma_start3A_27 = tpu.memref_slice %arg2[%arg0, %dma_start3A_25, %dma_start3A_26] : memref<2x10240x64xf32, #tpu.memory_space<hbm>> -> memref<1x10240x64xf32, #tpu.memory_space<hbm>>
    %dma_start3A_28 = tpu.memref_squeeze %dma_start3A_27 : memref<1x10240x64xf32, #tpu.memory_space<hbm>> -> memref<10240x64xf32, #tpu.memory_space<hbm>>
    %dma_start3A_29 = arith.constant 0 : i32
    %dma_start3A_30 = arith.constant 0 : i32
    %dma_start3A_31 = tpu.memref_slice %dma_start3A_28[%dma_start3A_29, %dma_start3A_30] : memref<10240x64xf32, #tpu.memory_space<hbm>> -> memref<10240x64xf32, #tpu.memory_space<hbm>>
    tpu.enqueue_indirect_dma source(%dma_start3A_31 : memref<10240x64xf32, #tpu.memory_space<hbm>>) target(%dma_start3A_21 : memref<128x64xf32, #tpu.memory_space<vmem>>) offsets(%dma_start3A_24 : memref<128xi32, #tpu.memory_space<vmem>>) semaphore(%arg12 : memref<!tpu.dma_semaphore, #tpu.memory_space<semaphore_mem>>)
    %dma_start3A_32 = arith.constant 2 : i32
    %dma_start3A_33 = arith.constant 2 : i32
    %dma_start3A_34 = arith.constant 0 : i32
    %dma_start3A_35 = arith.constant 0 : i32
    %dma_start3A_36 = tpu.memref_slice %arg9[%dma_start3A_33, %dma_start3A_34, %dma_start3A_35] : memref<5x128x64xf32, #tpu.memory_space<vmem>> -> memref<1x128x64xf32, #tpu.memory_space<vmem>>
    %dma_start3A_37 = tpu.memref_squeeze %dma_start3A_36 : memref<1x128x64xf32, #tpu.memory_space<vmem>> -> memref<128x64xf32, #tpu.memory_space<vmem>>
    %dma_start3A_38 = arith.constant 0 : i32
    %dma_start3A_39 = tpu.memref_slice %arg7[%dma_start3A_32, %dma_start3A_38] : memref<160x128xi32, #tpu.memory_space<vmem>> -> memref<1x128xi32, #tpu.memory_space<vmem>>
    %dma_start3A_40 = tpu.memref_squeeze %dma_start3A_39 : memref<1x128xi32, #tpu.memory_space<vmem>> -> memref<128xi32, #tpu.memory_space<vmem>>
    %dma_start3A_41 = arith.constant 0 : i32
    %dma_start3A_42 = arith.constant 0 : i32
    %dma_start3A_43 = tpu.memref_slice %arg2[%arg0, %dma_start3A_41, %dma_start3A_42] : memref<2x10240x64xf32, #tpu.memory_space<hbm>> -> memref<1x10240x64xf32, #tpu.memory_space<hbm>>
    %dma_start3A_44 = tpu.memref_squeeze %dma_start3A_43 : memref<1x10240x64xf32, #tpu.memory_space<hbm>> -> memref<10240x64xf32, #tpu.memory_space<hbm>>
    %dma_start3A_45 = arith.constant 0 : i32
    %dma_start3A_46 = arith.constant 0 : i32
    %dma_start3A_47 = tpu.memref_slice %dma_start3A_44[%dma_start3A_45, %dma_start3A_46] : memref<10240x64xf32, #tpu.memory_space<hbm>> -> memref<10240x64xf32, #tpu.memory_space<hbm>>
    tpu.enqueue_indirect_dma source(%dma_start3A_47 : memref<10240x64xf32, #tpu.memory_space<hbm>>) target(%dma_start3A_37 : memref<128x64xf32, #tpu.memory_space<vmem>>) offsets(%dma_start3A_40 : memref<128xi32, #tpu.memory_space<vmem>>) semaphore(%arg13 : memref<!tpu.dma_semaphore, #tpu.memory_space<semaphore_mem>>)
    %scan3A = arith.constant 0 : i32
    %scan3A_48 = arith.constant 0 : i32
    %scan3A_49 = arith.constant 32 : i32
    %scan3A_50 = arith.addi %scan3A_48, %scan3A_49 : i32
    %scan3A_51 = arith.constant 1 : i32
    scf.for %scan3A_87 = %scan3A_48 to %scan3A_50 step %scan3A_51  : i32 {
      %mul3A_88 = arith.constant 5 : i32
      %mul3A_89 = arith.muli %scan3A_87, %mul3A_88 : i32
      %add3A = arith.constant 0 : i32
      %add3A_90 = arith.addi %mul3A_89, %add3A : i32
      %ge3A = arith.constant 2 : i32
      %ge3A_91 = arith.cmpi sge, %add3A_90, %ge3A : i32
      %convert_element_type3A = arith.extui %ge3A_91 : i1 to i32
      %cond3A = arith.constant 0 : i32
      %cond3A_92 = arith.cmpi ne, %convert_element_type3A, %cond3A : i32
      scf.if %cond3A_92 {
        %dma_wait3A_283 = arith.constant 3 : i32
        %dma_wait3A_284 = arith.constant 0 : i32
        %dma_wait3A_285 = arith.constant 0 : i32
        %dma_wait3A_286 = tpu.memref_slice %arg9[%dma_wait3A_283, %dma_wait3A_284, %dma_wait3A_285] : memref<5x128x64xf32, #tpu.memory_space<vmem>> -> memref<1x128x64xf32, #tpu.memory_space<vmem>>
        %dma_wait3A_287 = tpu.memref_squeeze %dma_wait3A_286 : memref<1x128x64xf32, #tpu.memory_space<vmem>> -> memref<128x64xf32, #tpu.memory_space<vmem>>
        %dma_wait3A_288 = arith.constant 0 : i32
        %dma_wait3A_289 = arith.constant 0 : i32
        %dma_wait3A_290 = tpu.memref_slice %arg10[%dma_wait3A_288, %dma_wait3A_289] : memref<10240x64xf32, #tpu.memory_space<vmem_shared>> -> memref<128x64xf32, #tpu.memory_space<vmem_shared>>
        %dma_wait3A_291 = arith.constant 0 : i32
        %dma_wait3A_292 = arith.constant 0 : i32
        %dma_wait3A_293 = tpu.memref_slice %arg10[%dma_wait3A_291, %dma_wait3A_292] : memref<10240x64xf32, #tpu.memory_space<vmem_shared>> -> memref<128x64xf32, #tpu.memory_space<vmem_shared>>
        %dma_wait3A_294 = arith.constant 0 : i32
        %dma_wait3A_295 = arith.constant 0 : i32
        %dma_wait3A_296 = tpu.memref_slice %arg9[%dma_wait3A_283, %dma_wait3A_294, %dma_wait3A_295] : memref<5x128x64xf32, #tpu.memory_space<vmem>> -> memref<1x128x64xf32, #tpu.memory_space<vmem>>
        %dma_wait3A_297 = tpu.memref_squeeze %dma_wait3A_296 : memref<1x128x64xf32, #tpu.memory_space<vmem>> -> memref<128x64xf32, #tpu.memory_space<vmem>>
        tpu.wait_dma2 semaphore(%arg19 : memref<!tpu.dma_semaphore, #tpu.memory_space<semaphore_mem>>) src(%dma_wait3A_297 : memref<128x64xf32, #tpu.memory_space<vmem>>) dst(%dma_wait3A_293 : memref<128x64xf32, #tpu.memory_space<vmem_shared>>)
      } else {
      }
      %lt3A = arith.constant 157 : i32
      %lt3A_93 = arith.cmpi slt, %add3A_90, %lt3A : i32
      %convert_element_type3A_94 = arith.extui %lt3A_93 : i1 to i32
      %cond3A_95 = arith.constant 0 : i32
      %cond3A_96 = arith.cmpi ne, %convert_element_type3A_94, %cond3A_95 : i32
      scf.if %cond3A_96 {
        %add3A_283 = arith.constant 3 : i32
        %add3A_284 = arith.addi %add3A_90, %add3A_283 : i32
        %dma_start3A_285 = arith.constant 3 : i32
        %dma_start3A_286 = arith.constant 0 : i32
        %dma_start3A_287 = arith.constant 0 : i32
        %dma_start3A_288 = tpu.memref_slice %arg9[%dma_start3A_285, %dma_start3A_286, %dma_start3A_287] : memref<5x128x64xf32, #tpu.memory_space<vmem>> -> memref<1x128x64xf32, #tpu.memory_space<vmem>>
        %dma_start3A_289 = tpu.memref_squeeze %dma_start3A_288 : memref<1x128x64xf32, #tpu.memory_space<vmem>> -> memref<128x64xf32, #tpu.memory_space<vmem>>
        %dma_start3A_290 = arith.constant 0 : i32
        %dma_start3A_291 = tpu.memref_slice %arg7[%add3A_284, %dma_start3A_290] : memref<160x128xi32, #tpu.memory_space<vmem>> -> memref<1x128xi32, #tpu.memory_space<vmem>>
        %dma_start3A_292 = tpu.memref_squeeze %dma_start3A_291 : memref<1x128xi32, #tpu.memory_space<vmem>> -> memref<128xi32, #tpu.memory_space<vmem>>
        %dma_start3A_293 = arith.constant 0 : i32
        %dma_start3A_294 = arith.constant 0 : i32
        %dma_start3A_295 = tpu.memref_slice %arg2[%arg0, %dma_start3A_293, %dma_start3A_294] : memref<2x10240x64xf32, #tpu.memory_space<hbm>> -> memref<1x10240x64xf32, #tpu.memory_space<hbm>>
        %dma_start3A_296 = tpu.memref_squeeze %dma_start3A_295 : memref<1x10240x64xf32, #tpu.memory_space<hbm>> -> memref<10240x64xf32, #tpu.memory_space<hbm>>
        %dma_start3A_297 = arith.constant 0 : i32
        %dma_start3A_298 = arith.constant 0 : i32
        %dma_start3A_299 = tpu.memref_slice %dma_start3A_296[%dma_start3A_297, %dma_start3A_298] : memref<10240x64xf32, #tpu.memory_space<hbm>> -> memref<10240x64xf32, #tpu.memory_space<hbm>>
        tpu.enqueue_indirect_dma source(%dma_start3A_299 : memref<10240x64xf32, #tpu.memory_space<hbm>>) target(%dma_start3A_289 : memref<128x64xf32, #tpu.memory_space<vmem>>) offsets(%dma_start3A_292 : memref<128xi32, #tpu.memory_space<vmem>>) semaphore(%arg14 : memref<!tpu.dma_semaphore, #tpu.memory_space<semaphore_mem>>)
      } else {
      }
      %dma_wait3A_97 = arith.constant 0 : i32
      %dma_wait3A_98 = arith.constant 0 : i32
      %dma_wait3A_99 = arith.constant 0 : i32
      %dma_wait3A_100 = tpu.memref_slice %arg9[%dma_wait3A_97, %dma_wait3A_98, %dma_wait3A_99] : memref<5x128x64xf32, #tpu.memory_space<vmem>> -> memref<1x128x64xf32, #tpu.memory_space<vmem>>
      %dma_wait3A_101 = tpu.memref_squeeze %dma_wait3A_100 : memref<1x128x64xf32, #tpu.memory_space<vmem>> -> memref<128x64xf32, #tpu.memory_space<vmem>>
      %dma_wait3A_102 = arith.constant 0 : i32
      %dma_wait3A_103 = arith.constant 0 : i32
      %dma_wait3A_104 = tpu.memref_slice %arg5[%dma_wait3A_102, %dma_wait3A_103] : memref<640x64xf32, #tpu.memory_space<hbm>> -> memref<128x64xf32, #tpu.memory_space<hbm>>
      %dma_wait3A_105 = arith.constant 0 : i32
      %dma_wait3A_106 = arith.constant 0 : i32
      %dma_wait3A_107 = tpu.memref_slice %arg9[%dma_wait3A_97, %dma_wait3A_105, %dma_wait3A_106] : memref<5x128x64xf32, #tpu.memory_space<vmem>> -> memref<1x128x64xf32, #tpu.memory_space<vmem>>
      %dma_wait3A_108 = tpu.memref_squeeze %dma_wait3A_107 : memref<1x128x64xf32, #tpu.memory_space<vmem>> -> memref<128x64xf32, #tpu.memory_space<vmem>>
      %dma_wait3A_109 = arith.constant 0 : i32
      %dma_wait3A_110 = arith.constant 0 : i32
      %dma_wait3A_111 = tpu.memref_slice %arg5[%dma_wait3A_109, %dma_wait3A_110] : memref<640x64xf32, #tpu.memory_space<hbm>> -> memref<128x64xf32, #tpu.memory_space<hbm>>
      tpu.wait_dma2 semaphore(%arg11 : memref<!tpu.dma_semaphore, #tpu.memory_space<semaphore_mem>>) src(%dma_wait3A_111 : memref<128x64xf32, #tpu.memory_space<hbm>>) dst(%dma_wait3A_108 : memref<128x64xf32, #tpu.memory_space<vmem>>)
      %dma_start3A_112 = arith.constant 0 : i32
      %dma_start3A_113 = arith.constant 0 : i32
      %dma_start3A_114 = arith.constant 0 : i32
      %dma_start3A_115 = tpu.memref_slice %arg9[%dma_start3A_112, %dma_start3A_113, %dma_start3A_114] : memref<5x128x64xf32, #tpu.memory_space<vmem>> -> memref<1x128x64xf32, #tpu.memory_space<vmem>>
      %dma_start3A_116 = tpu.memref_squeeze %dma_start3A_115 : memref<1x128x64xf32, #tpu.memory_space<vmem>> -> memref<128x64xf32, #tpu.memory_space<vmem>>
      %dma_start3A_117 = arith.constant 0 : i32
      %dma_start3A_118 = tpu.memref_slice %arg8[%add3A_90, %dma_start3A_117] : memref<160x128xi32, #tpu.memory_space<vmem>> -> memref<1x128xi32, #tpu.memory_space<vmem>>
      %dma_start3A_119 = tpu.memref_squeeze %dma_start3A_118 : memref<1x128xi32, #tpu.memory_space<vmem>> -> memref<128xi32, #tpu.memory_space<vmem>>
      %dma_start3A_120 = arith.constant 0 : i32
      %dma_start3A_121 = arith.constant 0 : i32
      %dma_start3A_122 = tpu.memref_slice %arg10[%dma_start3A_120, %dma_start3A_121] : memref<10240x64xf32, #tpu.memory_space<vmem_shared>> -> memref<10240x64xf32, #tpu.memory_space<vmem_shared>>
      tpu.enqueue_indirect_dma source(%dma_start3A_116 : memref<128x64xf32, #tpu.memory_space<vmem>>) target(%dma_start3A_122 : memref<10240x64xf32, #tpu.memory_space<vmem_shared>>) offsets(%dma_start3A_119 : memref<128xi32, #tpu.memory_space<vmem>>) semaphore(%arg16 : memref<!tpu.dma_semaphore, #tpu.memory_space<semaphore_mem>>) {add = true}
      %mul3A_123 = arith.constant 5 : i32
      %mul3A_124 = arith.muli %scan3A_87, %mul3A_123 : i32
      %add3A_125 = arith.constant 1 : i32
      %add3A_126 = arith.addi %mul3A_124, %add3A_125 : i32
      %ge3A_127 = arith.constant 2 : i32
      %ge3A_128 = arith.cmpi sge, %add3A_126, %ge3A_127 : i32
      %convert_element_type3A_129 = arith.extui %ge3A_128 : i1 to i32
      %cond3A_130 = arith.constant 0 : i32
      %cond3A_131 = arith.cmpi ne, %convert_element_type3A_129, %cond3A_130 : i32
      scf.if %cond3A_131 {
        %dma_wait3A_283 = arith.constant 4 : i32
        %dma_wait3A_284 = arith.constant 0 : i32
        %dma_wait3A_285 = arith.constant 0 : i32
        %dma_wait3A_286 = tpu.memref_slice %arg9[%dma_wait3A_283, %dma_wait3A_284, %dma_wait3A_285] : memref<5x128x64xf32, #tpu.memory_space<vmem>> -> memref<1x128x64xf32, #tpu.memory_space<vmem>>
        %dma_wait3A_287 = tpu.memref_squeeze %dma_wait3A_286 : memref<1x128x64xf32, #tpu.memory_space<vmem>> -> memref<128x64xf32, #tpu.memory_space<vmem>>
        %dma_wait3A_288 = arith.constant 0 : i32
        %dma_wait3A_289 = arith.constant 0 : i32
        %dma_wait3A_290 = tpu.memref_slice %arg10[%dma_wait3A_288, %dma_wait3A_289] : memref<10240x64xf32, #tpu.memory_space<vmem_shared>> -> memref<128x64xf32, #tpu.memory_space<vmem_shared>>
        %dma_wait3A_291 = arith.constant 0 : i32
        %dma_wait3A_292 = arith.constant 0 : i32
        %dma_wait3A_293 = tpu.memref_slice %arg10[%dma_wait3A_291, %dma_wait3A_292] : memref<10240x64xf32, #tpu.memory_space<vmem_shared>> -> memref<128x64xf32, #tpu.memory_space<vmem_shared>>
        %dma_wait3A_294 = arith.constant 0 : i32
        %dma_wait3A_295 = arith.constant 0 : i32
        %dma_wait3A_296 = tpu.memref_slice %arg9[%dma_wait3A_283, %dma_wait3A_294, %dma_wait3A_295] : memref<5x128x64xf32, #tpu.memory_space<vmem>> -> memref<1x128x64xf32, #tpu.memory_space<vmem>>
        %dma_wait3A_297 = tpu.memref_squeeze %dma_wait3A_296 : memref<1x128x64xf32, #tpu.memory_space<vmem>> -> memref<128x64xf32, #tpu.memory_space<vmem>>
        tpu.wait_dma2 semaphore(%arg20 : memref<!tpu.dma_semaphore, #tpu.memory_space<semaphore_mem>>) src(%dma_wait3A_297 : memref<128x64xf32, #tpu.memory_space<vmem>>) dst(%dma_wait3A_293 : memref<128x64xf32, #tpu.memory_space<vmem_shared>>)
      } else {
      }
      %lt3A_132 = arith.constant 157 : i32
      %lt3A_133 = arith.cmpi slt, %add3A_126, %lt3A_132 : i32
      %convert_element_type3A_134 = arith.extui %lt3A_133 : i1 to i32
      %cond3A_135 = arith.constant 0 : i32
      %cond3A_136 = arith.cmpi ne, %convert_element_type3A_134, %cond3A_135 : i32
      scf.if %cond3A_136 {
        %add3A_283 = arith.constant 3 : i32
        %add3A_284 = arith.addi %add3A_126, %add3A_283 : i32
        %dma_start3A_285 = arith.constant 4 : i32
        %dma_start3A_286 = arith.constant 0 : i32
        %dma_start3A_287 = arith.constant 0 : i32
        %dma_start3A_288 = tpu.memref_slice %arg9[%dma_start3A_285, %dma_start3A_286, %dma_start3A_287] : memref<5x128x64xf32, #tpu.memory_space<vmem>> -> memref<1x128x64xf32, #tpu.memory_space<vmem>>
        %dma_start3A_289 = tpu.memref_squeeze %dma_start3A_288 : memref<1x128x64xf32, #tpu.memory_space<vmem>> -> memref<128x64xf32, #tpu.memory_space<vmem>>
        %dma_start3A_290 = arith.constant 0 : i32
        %dma_start3A_291 = tpu.memref_slice %arg7[%add3A_284, %dma_start3A_290] : memref<160x128xi32, #tpu.memory_space<vmem>> -> memref<1x128xi32, #tpu.memory_space<vmem>>
        %dma_start3A_292 = tpu.memref_squeeze %dma_start3A_291 : memref<1x128xi32, #tpu.memory_space<vmem>> -> memref<128xi32, #tpu.memory_space<vmem>>
        %dma_start3A_293 = arith.constant 0 : i32
        %dma_start3A_294 = arith.constant 0 : i32
        %dma_start3A_295 = tpu.memref_slice %arg2[%arg0, %dma_start3A_293, %dma_start3A_294] : memref<2x10240x64xf32, #tpu.memory_space<hbm>> -> memref<1x10240x64xf32, #tpu.memory_space<hbm>>
        %dma_start3A_296 = tpu.memref_squeeze %dma_start3A_295 : memref<1x10240x64xf32, #tpu.memory_space<hbm>> -> memref<10240x64xf32, #tpu.memory_space<hbm>>
        %dma_start3A_297 = arith.constant 0 : i32
        %dma_start3A_298 = arith.constant 0 : i32
        %dma_start3A_299 = tpu.memref_slice %dma_start3A_296[%dma_start3A_297, %dma_start3A_298] : memref<10240x64xf32, #tpu.memory_space<hbm>> -> memref<10240x64xf32, #tpu.memory_space<hbm>>
        tpu.enqueue_indirect_dma source(%dma_start3A_299 : memref<10240x64xf32, #tpu.memory_space<hbm>>) target(%dma_start3A_289 : memref<128x64xf32, #tpu.memory_space<vmem>>) offsets(%dma_start3A_292 : memref<128xi32, #tpu.memory_space<vmem>>) semaphore(%arg15 : memref<!tpu.dma_semaphore, #tpu.memory_space<semaphore_mem>>)
      } else {
      }
      %dma_wait3A_137 = arith.constant 1 : i32
      %dma_wait3A_138 = arith.constant 0 : i32
      %dma_wait3A_139 = arith.constant 0 : i32
      %dma_wait3A_140 = tpu.memref_slice %arg9[%dma_wait3A_137, %dma_wait3A_138, %dma_wait3A_139] : memref<5x128x64xf32, #tpu.memory_space<vmem>> -> memref<1x128x64xf32, #tpu.memory_space<vmem>>
      %dma_wait3A_141 = tpu.memref_squeeze %dma_wait3A_140 : memref<1x128x64xf32, #tpu.memory_space<vmem>> -> memref<128x64xf32, #tpu.memory_space<vmem>>
      %dma_wait3A_142 = arith.constant 0 : i32
      %dma_wait3A_143 = arith.constant 0 : i32
      %dma_wait3A_144 = tpu.memref_slice %arg5[%dma_wait3A_142, %dma_wait3A_143] : memref<640x64xf32, #tpu.memory_space<hbm>> -> memref<128x64xf32, #tpu.memory_space<hbm>>
      %dma_wait3A_145 = arith.constant 0 : i32
      %dma_wait3A_146 = arith.constant 0 : i32
      %dma_wait3A_147 = tpu.memref_slice %arg9[%dma_wait3A_137, %dma_wait3A_145, %dma_wait3A_146] : memref<5x128x64xf32, #tpu.memory_space<vmem>> -> memref<1x128x64xf32, #tpu.memory_space<vmem>>
      %dma_wait3A_148 = tpu.memref_squeeze %dma_wait3A_147 : memref<1x128x64xf32, #tpu.memory_space<vmem>> -> memref<128x64xf32, #tpu.memory_space<vmem>>
      %dma_wait3A_149 = arith.constant 0 : i32
      %dma_wait3A_150 = arith.constant 0 : i32
      %dma_wait3A_151 = tpu.memref_slice %arg5[%dma_wait3A_149, %dma_wait3A_150] : memref<640x64xf32, #tpu.memory_space<hbm>> -> memref<128x64xf32, #tpu.memory_space<hbm>>
      tpu.wait_dma2 semaphore(%arg12 : memref<!tpu.dma_semaphore, #tpu.memory_space<semaphore_mem>>) src(%dma_wait3A_151 : memref<128x64xf32, #tpu.memory_space<hbm>>) dst(%dma_wait3A_148 : memref<128x64xf32, #tpu.memory_space<vmem>>)
      %dma_start3A_152 = arith.constant 1 : i32
      %dma_start3A_153 = arith.constant 0 : i32
      %dma_start3A_154 = arith.constant 0 : i32
      %dma_start3A_155 = tpu.memref_slice %arg9[%dma_start3A_152, %dma_start3A_153, %dma_start3A_154] : memref<5x128x64xf32, #tpu.memory_space<vmem>> -> memref<1x128x64xf32, #tpu.memory_space<vmem>>
      %dma_start3A_156 = tpu.memref_squeeze %dma_start3A_155 : memref<1x128x64xf32, #tpu.memory_space<vmem>> -> memref<128x64xf32, #tpu.memory_space<vmem>>
      %dma_start3A_157 = arith.constant 0 : i32
      %dma_start3A_158 = tpu.memref_slice %arg8[%add3A_126, %dma_start3A_157] : memref<160x128xi32, #tpu.memory_space<vmem>> -> memref<1x128xi32, #tpu.memory_space<vmem>>
      %dma_start3A_159 = tpu.memref_squeeze %dma_start3A_158 : memref<1x128xi32, #tpu.memory_space<vmem>> -> memref<128xi32, #tpu.memory_space<vmem>>
      %dma_start3A_160 = arith.constant 0 : i32
      %dma_start3A_161 = arith.constant 0 : i32
      %dma_start3A_162 = tpu.memref_slice %arg10[%dma_start3A_160, %dma_start3A_161] : memref<10240x64xf32, #tpu.memory_space<vmem_shared>> -> memref<10240x64xf32, #tpu.memory_space<vmem_shared>>
      tpu.enqueue_indirect_dma source(%dma_start3A_156 : memref<128x64xf32, #tpu.memory_space<vmem>>) target(%dma_start3A_162 : memref<10240x64xf32, #tpu.memory_space<vmem_shared>>) offsets(%dma_start3A_159 : memref<128xi32, #tpu.memory_space<vmem>>) semaphore(%arg17 : memref<!tpu.dma_semaphore, #tpu.memory_space<semaphore_mem>>) {add = true}
      %mul3A_163 = arith.constant 5 : i32
      %mul3A_164 = arith.muli %scan3A_87, %mul3A_163 : i32
      %add3A_165 = arith.constant 2 : i32
      %add3A_166 = arith.addi %mul3A_164, %add3A_165 : i32
      %ge3A_167 = arith.constant 2 : i32
      %ge3A_168 = arith.cmpi sge, %add3A_166, %ge3A_167 : i32
      %convert_element_type3A_169 = arith.extui %ge3A_168 : i1 to i32
      %cond3A_170 = arith.constant 0 : i32
      %cond3A_171 = arith.cmpi ne, %convert_element_type3A_169, %cond3A_170 : i32
      scf.if %cond3A_171 {
        %dma_wait3A_283 = arith.constant 0 : i32
        %dma_wait3A_284 = arith.constant 0 : i32
        %dma_wait3A_285 = arith.constant 0 : i32
        %dma_wait3A_286 = tpu.memref_slice %arg9[%dma_wait3A_283, %dma_wait3A_284, %dma_wait3A_285] : memref<5x128x64xf32, #tpu.memory_space<vmem>> -> memref<1x128x64xf32, #tpu.memory_space<vmem>>
        %dma_wait3A_287 = tpu.memref_squeeze %dma_wait3A_286 : memref<1x128x64xf32, #tpu.memory_space<vmem>> -> memref<128x64xf32, #tpu.memory_space<vmem>>
        %dma_wait3A_288 = arith.constant 0 : i32
        %dma_wait3A_289 = arith.constant 0 : i32
        %dma_wait3A_290 = tpu.memref_slice %arg10[%dma_wait3A_288, %dma_wait3A_289] : memref<10240x64xf32, #tpu.memory_space<vmem_shared>> -> memref<128x64xf32, #tpu.memory_space<vmem_shared>>
        %dma_wait3A_291 = arith.constant 0 : i32
        %dma_wait3A_292 = arith.constant 0 : i32
        %dma_wait3A_293 = tpu.memref_slice %arg10[%dma_wait3A_291, %dma_wait3A_292] : memref<10240x64xf32, #tpu.memory_space<vmem_shared>> -> memref<128x64xf32, #tpu.memory_space<vmem_shared>>
        %dma_wait3A_294 = arith.constant 0 : i32
        %dma_wait3A_295 = arith.constant 0 : i32
        %dma_wait3A_296 = tpu.memref_slice %arg9[%dma_wait3A_283, %dma_wait3A_294, %dma_wait3A_295] : memref<5x128x64xf32, #tpu.memory_space<vmem>> -> memref<1x128x64xf32, #tpu.memory_space<vmem>>
        %dma_wait3A_297 = tpu.memref_squeeze %dma_wait3A_296 : memref<1x128x64xf32, #tpu.memory_space<vmem>> -> memref<128x64xf32, #tpu.memory_space<vmem>>
        tpu.wait_dma2 semaphore(%arg16 : memref<!tpu.dma_semaphore, #tpu.memory_space<semaphore_mem>>) src(%dma_wait3A_297 : memref<128x64xf32, #tpu.memory_space<vmem>>) dst(%dma_wait3A_293 : memref<128x64xf32, #tpu.memory_space<vmem_shared>>)
      } else {
      }
      %lt3A_172 = arith.constant 157 : i32
      %lt3A_173 = arith.cmpi slt, %add3A_166, %lt3A_172 : i32
      %convert_element_type3A_174 = arith.extui %lt3A_173 : i1 to i32
      %cond3A_175 = arith.constant 0 : i32
      %cond3A_176 = arith.cmpi ne, %convert_element_type3A_174, %cond3A_175 : i32
      scf.if %cond3A_176 {
        %add3A_283 = arith.constant 3 : i32
        %add3A_284 = arith.addi %add3A_166, %add3A_283 : i32
        %dma_start3A_285 = arith.constant 0 : i32
        %dma_start3A_286 = arith.constant 0 : i32
        %dma_start3A_287 = arith.constant 0 : i32
        %dma_start3A_288 = tpu.memref_slice %arg9[%dma_start3A_285, %dma_start3A_286, %dma_start3A_287] : memref<5x128x64xf32, #tpu.memory_space<vmem>> -> memref<1x128x64xf32, #tpu.memory_space<vmem>>
        %dma_start3A_289 = tpu.memref_squeeze %dma_start3A_288 : memref<1x128x64xf32, #tpu.memory_space<vmem>> -> memref<128x64xf32, #tpu.memory_space<vmem>>
        %dma_start3A_290 = arith.constant 0 : i32
        %dma_start3A_291 = tpu.memref_slice %arg7[%add3A_284, %dma_start3A_290] : memref<160x128xi32, #tpu.memory_space<vmem>> -> memref<1x128xi32, #tpu.memory_space<vmem>>
        %dma_start3A_292 = tpu.memref_squeeze %dma_start3A_291 : memref<1x128xi32, #tpu.memory_space<vmem>> -> memref<128xi32, #tpu.memory_space<vmem>>
        %dma_start3A_293 = arith.constant 0 : i32
        %dma_start3A_294 = arith.constant 0 : i32
        %dma_start3A_295 = tpu.memref_slice %arg2[%arg0, %dma_start3A_293, %dma_start3A_294] : memref<2x10240x64xf32, #tpu.memory_space<hbm>> -> memref<1x10240x64xf32, #tpu.memory_space<hbm>>
        %dma_start3A_296 = tpu.memref_squeeze %dma_start3A_295 : memref<1x10240x64xf32, #tpu.memory_space<hbm>> -> memref<10240x64xf32, #tpu.memory_space<hbm>>
        %dma_start3A_297 = arith.constant 0 : i32
        %dma_start3A_298 = arith.constant 0 : i32
        %dma_start3A_299 = tpu.memref_slice %dma_start3A_296[%dma_start3A_297, %dma_start3A_298] : memref<10240x64xf32, #tpu.memory_space<hbm>> -> memref<10240x64xf32, #tpu.memory_space<hbm>>
        tpu.enqueue_indirect_dma source(%dma_start3A_299 : memref<10240x64xf32, #tpu.memory_space<hbm>>) target(%dma_start3A_289 : memref<128x64xf32, #tpu.memory_space<vmem>>) offsets(%dma_start3A_292 : memref<128xi32, #tpu.memory_space<vmem>>) semaphore(%arg11 : memref<!tpu.dma_semaphore, #tpu.memory_space<semaphore_mem>>)
      } else {
      }
      %dma_wait3A_177 = arith.constant 2 : i32
      %dma_wait3A_178 = arith.constant 0 : i32
      %dma_wait3A_179 = arith.constant 0 : i32
      %dma_wait3A_180 = tpu.memref_slice %arg9[%dma_wait3A_177, %dma_wait3A_178, %dma_wait3A_179] : memref<5x128x64xf32, #tpu.memory_space<vmem>> -> memref<1x128x64xf32, #tpu.memory_space<vmem>>
      %dma_wait3A_181 = tpu.memref_squeeze %dma_wait3A_180 : memref<1x128x64xf32, #tpu.memory_space<vmem>> -> memref<128x64xf32, #tpu.memory_space<vmem>>
      %dma_wait3A_182 = arith.constant 0 : i32
      %dma_wait3A_183 = arith.constant 0 : i32
      %dma_wait3A_184 = tpu.memref_slice %arg5[%dma_wait3A_182, %dma_wait3A_183] : memref<640x64xf32, #tpu.memory_space<hbm>> -> memref<128x64xf32, #tpu.memory_space<hbm>>
      %dma_wait3A_185 = arith.constant 0 : i32
      %dma_wait3A_186 = arith.constant 0 : i32
      %dma_wait3A_187 = tpu.memref_slice %arg9[%dma_wait3A_177, %dma_wait3A_185, %dma_wait3A_186] : memref<5x128x64xf32, #tpu.memory_space<vmem>> -> memref<1x128x64xf32, #tpu.memory_space<vmem>>
      %dma_wait3A_188 = tpu.memref_squeeze %dma_wait3A_187 : memref<1x128x64xf32, #tpu.memory_space<vmem>> -> memref<128x64xf32, #tpu.memory_space<vmem>>
      %dma_wait3A_189 = arith.constant 0 : i32
      %dma_wait3A_190 = arith.constant 0 : i32
      %dma_wait3A_191 = tpu.memref_slice %arg5[%dma_wait3A_189, %dma_wait3A_190] : memref<640x64xf32, #tpu.memory_space<hbm>> -> memref<128x64xf32, #tpu.memory_space<hbm>>
      tpu.wait_dma2 semaphore(%arg13 : memref<!tpu.dma_semaphore, #tpu.memory_space<semaphore_mem>>) src(%dma_wait3A_191 : memref<128x64xf32, #tpu.memory_space<hbm>>) dst(%dma_wait3A_188 : memref<128x64xf32, #tpu.memory_space<vmem>>)
      %dma_start3A_192 = arith.constant 2 : i32
      %dma_start3A_193 = arith.constant 0 : i32
      %dma_start3A_194 = arith.constant 0 : i32
      %dma_start3A_195 = tpu.memref_slice %arg9[%dma_start3A_192, %dma_start3A_193, %dma_start3A_194] : memref<5x128x64xf32, #tpu.memory_space<vmem>> -> memref<1x128x64xf32, #tpu.memory_space<vmem>>
      %dma_start3A_196 = tpu.memref_squeeze %dma_start3A_195 : memref<1x128x64xf32, #tpu.memory_space<vmem>> -> memref<128x64xf32, #tpu.memory_space<vmem>>
      %dma_start3A_197 = arith.constant 0 : i32
      %dma_start3A_198 = tpu.memref_slice %arg8[%add3A_166, %dma_start3A_197] : memref<160x128xi32, #tpu.memory_space<vmem>> -> memref<1x128xi32, #tpu.memory_space<vmem>>
      %dma_start3A_199 = tpu.memref_squeeze %dma_start3A_198 : memref<1x128xi32, #tpu.memory_space<vmem>> -> memref<128xi32, #tpu.memory_space<vmem>>
      %dma_start3A_200 = arith.constant 0 : i32
      %dma_start3A_201 = arith.constant 0 : i32
      %dma_start3A_202 = tpu.memref_slice %arg10[%dma_start3A_200, %dma_start3A_201] : memref<10240x64xf32, #tpu.memory_space<vmem_shared>> -> memref<10240x64xf32, #tpu.memory_space<vmem_shared>>
      tpu.enqueue_indirect_dma source(%dma_start3A_196 : memref<128x64xf32, #tpu.memory_space<vmem>>) target(%dma_start3A_202 : memref<10240x64xf32, #tpu.memory_space<vmem_shared>>) offsets(%dma_start3A_199 : memref<128xi32, #tpu.memory_space<vmem>>) semaphore(%arg18 : memref<!tpu.dma_semaphore, #tpu.memory_space<semaphore_mem>>) {add = true}
      %mul3A_203 = arith.constant 5 : i32
      %mul3A_204 = arith.muli %scan3A_87, %mul3A_203 : i32
      %add3A_205 = arith.constant 3 : i32
      %add3A_206 = arith.addi %mul3A_204, %add3A_205 : i32
      %ge3A_207 = arith.constant 2 : i32
      %ge3A_208 = arith.cmpi sge, %add3A_206, %ge3A_207 : i32
      %convert_element_type3A_209 = arith.extui %ge3A_208 : i1 to i32
      %cond3A_210 = arith.constant 0 : i32
      %cond3A_211 = arith.cmpi ne, %convert_element_type3A_209, %cond3A_210 : i32
      scf.if %cond3A_211 {
        %dma_wait3A_283 = arith.constant 1 : i32
        %dma_wait3A_284 = arith.constant 0 : i32
        %dma_wait3A_285 = arith.constant 0 : i32
        %dma_wait3A_286 = tpu.memref_slice %arg9[%dma_wait3A_283, %dma_wait3A_284, %dma_wait3A_285] : memref<5x128x64xf32, #tpu.memory_space<vmem>> -> memref<1x128x64xf32, #tpu.memory_space<vmem>>
        %dma_wait3A_287 = tpu.memref_squeeze %dma_wait3A_286 : memref<1x128x64xf32, #tpu.memory_space<vmem>> -> memref<128x64xf32, #tpu.memory_space<vmem>>
        %dma_wait3A_288 = arith.constant 0 : i32
        %dma_wait3A_289 = arith.constant 0 : i32
        %dma_wait3A_290 = tpu.memref_slice %arg10[%dma_wait3A_288, %dma_wait3A_289] : memref<10240x64xf32, #tpu.memory_space<vmem_shared>> -> memref<128x64xf32, #tpu.memory_space<vmem_shared>>
        %dma_wait3A_291 = arith.constant 0 : i32
        %dma_wait3A_292 = arith.constant 0 : i32
        %dma_wait3A_293 = tpu.memref_slice %arg10[%dma_wait3A_291, %dma_wait3A_292] : memref<10240x64xf32, #tpu.memory_space<vmem_shared>> -> memref<128x64xf32, #tpu.memory_space<vmem_shared>>
        %dma_wait3A_294 = arith.constant 0 : i32
        %dma_wait3A_295 = arith.constant 0 : i32
        %dma_wait3A_296 = tpu.memref_slice %arg9[%dma_wait3A_283, %dma_wait3A_294, %dma_wait3A_295] : memref<5x128x64xf32, #tpu.memory_space<vmem>> -> memref<1x128x64xf32, #tpu.memory_space<vmem>>
        %dma_wait3A_297 = tpu.memref_squeeze %dma_wait3A_296 : memref<1x128x64xf32, #tpu.memory_space<vmem>> -> memref<128x64xf32, #tpu.memory_space<vmem>>
        tpu.wait_dma2 semaphore(%arg17 : memref<!tpu.dma_semaphore, #tpu.memory_space<semaphore_mem>>) src(%dma_wait3A_297 : memref<128x64xf32, #tpu.memory_space<vmem>>) dst(%dma_wait3A_293 : memref<128x64xf32, #tpu.memory_space<vmem_shared>>)
      } else {
      }
      %lt3A_212 = arith.constant 157 : i32
      %lt3A_213 = arith.cmpi slt, %add3A_206, %lt3A_212 : i32
      %convert_element_type3A_214 = arith.extui %lt3A_213 : i1 to i32
      %cond3A_215 = arith.constant 0 : i32
      %cond3A_216 = arith.cmpi ne, %convert_element_type3A_214, %cond3A_215 : i32
      scf.if %cond3A_216 {
        %add3A_283 = arith.constant 3 : i32
        %add3A_284 = arith.addi %add3A_206, %add3A_283 : i32
        %dma_start3A_285 = arith.constant 1 : i32
        %dma_start3A_286 = arith.constant 0 : i32
        %dma_start3A_287 = arith.constant 0 : i32
        %dma_start3A_288 = tpu.memref_slice %arg9[%dma_start3A_285, %dma_start3A_286, %dma_start3A_287] : memref<5x128x64xf32, #tpu.memory_space<vmem>> -> memref<1x128x64xf32, #tpu.memory_space<vmem>>
        %dma_start3A_289 = tpu.memref_squeeze %dma_start3A_288 : memref<1x128x64xf32, #tpu.memory_space<vmem>> -> memref<128x64xf32, #tpu.memory_space<vmem>>
        %dma_start3A_290 = arith.constant 0 : i32
        %dma_start3A_291 = tpu.memref_slice %arg7[%add3A_284, %dma_start3A_290] : memref<160x128xi32, #tpu.memory_space<vmem>> -> memref<1x128xi32, #tpu.memory_space<vmem>>
        %dma_start3A_292 = tpu.memref_squeeze %dma_start3A_291 : memref<1x128xi32, #tpu.memory_space<vmem>> -> memref<128xi32, #tpu.memory_space<vmem>>
        %dma_start3A_293 = arith.constant 0 : i32
        %dma_start3A_294 = arith.constant 0 : i32
        %dma_start3A_295 = tpu.memref_slice %arg2[%arg0, %dma_start3A_293, %dma_start3A_294] : memref<2x10240x64xf32, #tpu.memory_space<hbm>> -> memref<1x10240x64xf32, #tpu.memory_space<hbm>>
        %dma_start3A_296 = tpu.memref_squeeze %dma_start3A_295 : memref<1x10240x64xf32, #tpu.memory_space<hbm>> -> memref<10240x64xf32, #tpu.memory_space<hbm>>
        %dma_start3A_297 = arith.constant 0 : i32
        %dma_start3A_298 = arith.constant 0 : i32
        %dma_start3A_299 = tpu.memref_slice %dma_start3A_296[%dma_start3A_297, %dma_start3A_298] : memref<10240x64xf32, #tpu.memory_space<hbm>> -> memref<10240x64xf32, #tpu.memory_space<hbm>>
        tpu.enqueue_indirect_dma source(%dma_start3A_299 : memref<10240x64xf32, #tpu.memory_space<hbm>>) target(%dma_start3A_289 : memref<128x64xf32, #tpu.memory_space<vmem>>) offsets(%dma_start3A_292 : memref<128xi32, #tpu.memory_space<vmem>>) semaphore(%arg12 : memref<!tpu.dma_semaphore, #tpu.memory_space<semaphore_mem>>)
      } else {
      }
      %dma_wait3A_217 = arith.constant 3 : i32
      %dma_wait3A_218 = arith.constant 0 : i32
      %dma_wait3A_219 = arith.constant 0 : i32
      %dma_wait3A_220 = tpu.memref_slice %arg9[%dma_wait3A_217, %dma_wait3A_218, %dma_wait3A_219] : memref<5x128x64xf32, #tpu.memory_space<vmem>> -> memref<1x128x64xf32, #tpu.memory_space<vmem>>
      %dma_wait3A_221 = tpu.memref_squeeze %dma_wait3A_220 : memref<1x128x64xf32, #tpu.memory_space<vmem>> -> memref<128x64xf32, #tpu.memory_space<vmem>>
      %dma_wait3A_222 = arith.constant 0 : i32
      %dma_wait3A_223 = arith.constant 0 : i32
      %dma_wait3A_224 = tpu.memref_slice %arg5[%dma_wait3A_222, %dma_wait3A_223] : memref<640x64xf32, #tpu.memory_space<hbm>> -> memref<128x64xf32, #tpu.memory_space<hbm>>
      %dma_wait3A_225 = arith.constant 0 : i32
      %dma_wait3A_226 = arith.constant 0 : i32
      %dma_wait3A_227 = tpu.memref_slice %arg9[%dma_wait3A_217, %dma_wait3A_225, %dma_wait3A_226] : memref<5x128x64xf32, #tpu.memory_space<vmem>> -> memref<1x128x64xf32, #tpu.memory_space<vmem>>
      %dma_wait3A_228 = tpu.memref_squeeze %dma_wait3A_227 : memref<1x128x64xf32, #tpu.memory_space<vmem>> -> memref<128x64xf32, #tpu.memory_space<vmem>>
      %dma_wait3A_229 = arith.constant 0 : i32
      %dma_wait3A_230 = arith.constant 0 : i32
      %dma_wait3A_231 = tpu.memref_slice %arg5[%dma_wait3A_229, %dma_wait3A_230] : memref<640x64xf32, #tpu.memory_space<hbm>> -> memref<128x64xf32, #tpu.memory_space<hbm>>
      tpu.wait_dma2 semaphore(%arg14 : memref<!tpu.dma_semaphore, #tpu.memory_space<semaphore_mem>>) src(%dma_wait3A_231 : memref<128x64xf32, #tpu.memory_space<hbm>>) dst(%dma_wait3A_228 : memref<128x64xf32, #tpu.memory_space<vmem>>)
      %dma_start3A_232 = arith.constant 3 : i32
      %dma_start3A_233 = arith.constant 0 : i32
      %dma_start3A_234 = arith.constant 0 : i32
      %dma_start3A_235 = tpu.memref_slice %arg9[%dma_start3A_232, %dma_start3A_233, %dma_start3A_234] : memref<5x128x64xf32, #tpu.memory_space<vmem>> -> memref<1x128x64xf32, #tpu.memory_space<vmem>>
      %dma_start3A_236 = tpu.memref_squeeze %dma_start3A_235 : memref<1x128x64xf32, #tpu.memory_space<vmem>> -> memref<128x64xf32, #tpu.memory_space<vmem>>
      %dma_start3A_237 = arith.constant 0 : i32
      %dma_start3A_238 = tpu.memref_slice %arg8[%add3A_206, %dma_start3A_237] : memref<160x128xi32, #tpu.memory_space<vmem>> -> memref<1x128xi32, #tpu.memory_space<vmem>>
      %dma_start3A_239 = tpu.memref_squeeze %dma_start3A_238 : memref<1x128xi32, #tpu.memory_space<vmem>> -> memref<128xi32, #tpu.memory_space<vmem>>
      %dma_start3A_240 = arith.constant 0 : i32
      %dma_start3A_241 = arith.constant 0 : i32
      %dma_start3A_242 = tpu.memref_slice %arg10[%dma_start3A_240, %dma_start3A_241] : memref<10240x64xf32, #tpu.memory_space<vmem_shared>> -> memref<10240x64xf32, #tpu.memory_space<vmem_shared>>
      tpu.enqueue_indirect_dma source(%dma_start3A_236 : memref<128x64xf32, #tpu.memory_space<vmem>>) target(%dma_start3A_242 : memref<10240x64xf32, #tpu.memory_space<vmem_shared>>) offsets(%dma_start3A_239 : memref<128xi32, #tpu.memory_space<vmem>>) semaphore(%arg19 : memref<!tpu.dma_semaphore, #tpu.memory_space<semaphore_mem>>) {add = true}
      %mul3A_243 = arith.constant 5 : i32
      %mul3A_244 = arith.muli %scan3A_87, %mul3A_243 : i32
      %add3A_245 = arith.constant 4 : i32
      %add3A_246 = arith.addi %mul3A_244, %add3A_245 : i32
      %ge3A_247 = arith.constant 2 : i32
      %ge3A_248 = arith.cmpi sge, %add3A_246, %ge3A_247 : i32
      %convert_element_type3A_249 = arith.extui %ge3A_248 : i1 to i32
      %cond3A_250 = arith.constant 0 : i32
      %cond3A_251 = arith.cmpi ne, %convert_element_type3A_249, %cond3A_250 : i32
      scf.if %cond3A_251 {
        %dma_wait3A_283 = arith.constant 2 : i32
        %dma_wait3A_284 = arith.constant 0 : i32
        %dma_wait3A_285 = arith.constant 0 : i32
        %dma_wait3A_286 = tpu.memref_slice %arg9[%dma_wait3A_283, %dma_wait3A_284, %dma_wait3A_285] : memref<5x128x64xf32, #tpu.memory_space<vmem>> -> memref<1x128x64xf32, #tpu.memory_space<vmem>>
        %dma_wait3A_287 = tpu.memref_squeeze %dma_wait3A_286 : memref<1x128x64xf32, #tpu.memory_space<vmem>> -> memref<128x64xf32, #tpu.memory_space<vmem>>
        %dma_wait3A_288 = arith.constant 0 : i32
        %dma_wait3A_289 = arith.constant 0 : i32
        %dma_wait3A_290 = tpu.memref_slice %arg10[%dma_wait3A_288, %dma_wait3A_289] : memref<10240x64xf32, #tpu.memory_space<vmem_shared>> -> memref<128x64xf32, #tpu.memory_space<vmem_shared>>
        %dma_wait3A_291 = arith.constant 0 : i32
        %dma_wait3A_292 = arith.constant 0 : i32
        %dma_wait3A_293 = tpu.memref_slice %arg10[%dma_wait3A_291, %dma_wait3A_292] : memref<10240x64xf32, #tpu.memory_space<vmem_shared>> -> memref<128x64xf32, #tpu.memory_space<vmem_shared>>
        %dma_wait3A_294 = arith.constant 0 : i32
        %dma_wait3A_295 = arith.constant 0 : i32
        %dma_wait3A_296 = tpu.memref_slice %arg9[%dma_wait3A_283, %dma_wait3A_294, %dma_wait3A_295] : memref<5x128x64xf32, #tpu.memory_space<vmem>> -> memref<1x128x64xf32, #tpu.memory_space<vmem>>
        %dma_wait3A_297 = tpu.memref_squeeze %dma_wait3A_296 : memref<1x128x64xf32, #tpu.memory_space<vmem>> -> memref<128x64xf32, #tpu.memory_space<vmem>>
        tpu.wait_dma2 semaphore(%arg18 : memref<!tpu.dma_semaphore, #tpu.memory_space<semaphore_mem>>) src(%dma_wait3A_297 : memref<128x64xf32, #tpu.memory_space<vmem>>) dst(%dma_wait3A_293 : memref<128x64xf32, #tpu.memory_space<vmem_shared>>)
      } else {
      }
      %lt3A_252 = arith.constant 157 : i32
      %lt3A_253 = arith.cmpi slt, %add3A_246, %lt3A_252 : i32
      %convert_element_type3A_254 = arith.extui %lt3A_253 : i1 to i32
      %cond3A_255 = arith.constant 0 : i32
      %cond3A_256 = arith.cmpi ne, %convert_element_type3A_254, %cond3A_255 : i32
      scf.if %cond3A_256 {
        %add3A_283 = arith.constant 3 : i32
        %add3A_284 = arith.addi %add3A_246, %add3A_283 : i32
        %dma_start3A_285 = arith.constant 2 : i32
        %dma_start3A_286 = arith.constant 0 : i32
        %dma_start3A_287 = arith.constant 0 : i32
        %dma_start3A_288 = tpu.memref_slice %arg9[%dma_start3A_285, %dma_start3A_286, %dma_start3A_287] : memref<5x128x64xf32, #tpu.memory_space<vmem>> -> memref<1x128x64xf32, #tpu.memory_space<vmem>>
        %dma_start3A_289 = tpu.memref_squeeze %dma_start3A_288 : memref<1x128x64xf32, #tpu.memory_space<vmem>> -> memref<128x64xf32, #tpu.memory_space<vmem>>
        %dma_start3A_290 = arith.constant 0 : i32
        %dma_start3A_291 = tpu.memref_slice %arg7[%add3A_284, %dma_start3A_290] : memref<160x128xi32, #tpu.memory_space<vmem>> -> memref<1x128xi32, #tpu.memory_space<vmem>>
        %dma_start3A_292 = tpu.memref_squeeze %dma_start3A_291 : memref<1x128xi32, #tpu.memory_space<vmem>> -> memref<128xi32, #tpu.memory_space<vmem>>
        %dma_start3A_293 = arith.constant 0 : i32
        %dma_start3A_294 = arith.constant 0 : i32
        %dma_start3A_295 = tpu.memref_slice %arg2[%arg0, %dma_start3A_293, %dma_start3A_294] : memref<2x10240x64xf32, #tpu.memory_space<hbm>> -> memref<1x10240x64xf32, #tpu.memory_space<hbm>>
        %dma_start3A_296 = tpu.memref_squeeze %dma_start3A_295 : memref<1x10240x64xf32, #tpu.memory_space<hbm>> -> memref<10240x64xf32, #tpu.memory_space<hbm>>
        %dma_start3A_297 = arith.constant 0 : i32
        %dma_start3A_298 = arith.constant 0 : i32
        %dma_start3A_299 = tpu.memref_slice %dma_start3A_296[%dma_start3A_297, %dma_start3A_298] : memref<10240x64xf32, #tpu.memory_space<hbm>> -> memref<10240x64xf32, #tpu.memory_space<hbm>>
        tpu.enqueue_indirect_dma source(%dma_start3A_299 : memref<10240x64xf32, #tpu.memory_space<hbm>>) target(%dma_start3A_289 : memref<128x64xf32, #tpu.memory_space<vmem>>) offsets(%dma_start3A_292 : memref<128xi32, #tpu.memory_space<vmem>>) semaphore(%arg13 : memref<!tpu.dma_semaphore, #tpu.memory_space<semaphore_mem>>)
      } else {
      }
      %dma_wait3A_257 = arith.constant 4 : i32
      %dma_wait3A_258 = arith.constant 0 : i32
      %dma_wait3A_259 = arith.constant 0 : i32
      %dma_wait3A_260 = tpu.memref_slice %arg9[%dma_wait3A_257, %dma_wait3A_258, %dma_wait3A_259] : memref<5x128x64xf32, #tpu.memory_space<vmem>> -> memref<1x128x64xf32, #tpu.memory_space<vmem>>
      %dma_wait3A_261 = tpu.memref_squeeze %dma_wait3A_260 : memref<1x128x64xf32, #tpu.memory_space<vmem>> -> memref<128x64xf32, #tpu.memory_space<vmem>>
      %dma_wait3A_262 = arith.constant 0 : i32
      %dma_wait3A_263 = arith.constant 0 : i32
      %dma_wait3A_264 = tpu.memref_slice %arg5[%dma_wait3A_262, %dma_wait3A_263] : memref<640x64xf32, #tpu.memory_space<hbm>> -> memref<128x64xf32, #tpu.memory_space<hbm>>
      %dma_wait3A_265 = arith.constant 0 : i32
      %dma_wait3A_266 = arith.constant 0 : i32
      %dma_wait3A_267 = tpu.memref_slice %arg9[%dma_wait3A_257, %dma_wait3A_265, %dma_wait3A_266] : memref<5x128x64xf32, #tpu.memory_space<vmem>> -> memref<1x128x64xf32, #tpu.memory_space<vmem>>
      %dma_wait3A_268 = tpu.memref_squeeze %dma_wait3A_267 : memref<1x128x64xf32, #tpu.memory_space<vmem>> -> memref<128x64xf32, #tpu.memory_space<vmem>>
      %dma_wait3A_269 = arith.constant 0 : i32
      %dma_wait3A_270 = arith.constant 0 : i32
      %dma_wait3A_271 = tpu.memref_slice %arg5[%dma_wait3A_269, %dma_wait3A_270] : memref<640x64xf32, #tpu.memory_space<hbm>> -> memref<128x64xf32, #tpu.memory_space<hbm>>
      tpu.wait_dma2 semaphore(%arg15 : memref<!tpu.dma_semaphore, #tpu.memory_space<semaphore_mem>>) src(%dma_wait3A_271 : memref<128x64xf32, #tpu.memory_space<hbm>>) dst(%dma_wait3A_268 : memref<128x64xf32, #tpu.memory_space<vmem>>)
      %dma_start3A_272 = arith.constant 4 : i32
      %dma_start3A_273 = arith.constant 0 : i32
      %dma_start3A_274 = arith.constant 0 : i32
      %dma_start3A_275 = tpu.memref_slice %arg9[%dma_start3A_272, %dma_start3A_273, %dma_start3A_274] : memref<5x128x64xf32, #tpu.memory_space<vmem>> -> memref<1x128x64xf32, #tpu.memory_space<vmem>>
      %dma_start3A_276 = tpu.memref_squeeze %dma_start3A_275 : memref<1x128x64xf32, #tpu.memory_space<vmem>> -> memref<128x64xf32, #tpu.memory_space<vmem>>
      %dma_start3A_277 = arith.constant 0 : i32
      %dma_start3A_278 = tpu.memref_slice %arg8[%add3A_246, %dma_start3A_277] : memref<160x128xi32, #tpu.memory_space<vmem>> -> memref<1x128xi32, #tpu.memory_space<vmem>>
      %dma_start3A_279 = tpu.memref_squeeze %dma_start3A_278 : memref<1x128xi32, #tpu.memory_space<vmem>> -> memref<128xi32, #tpu.memory_space<vmem>>
      %dma_start3A_280 = arith.constant 0 : i32
      %dma_start3A_281 = arith.constant 0 : i32
      %dma_start3A_282 = tpu.memref_slice %arg10[%dma_start3A_280, %dma_start3A_281] : memref<10240x64xf32, #tpu.memory_space<vmem_shared>> -> memref<10240x64xf32, #tpu.memory_space<vmem_shared>>
      tpu.enqueue_indirect_dma source(%dma_start3A_276 : memref<128x64xf32, #tpu.memory_space<vmem>>) target(%dma_start3A_282 : memref<10240x64xf32, #tpu.memory_space<vmem_shared>>) offsets(%dma_start3A_279 : memref<128xi32, #tpu.memory_space<vmem>>) semaphore(%arg20 : memref<!tpu.dma_semaphore, #tpu.memory_space<semaphore_mem>>) {add = true}
    }
    %scan3A_52 = arith.constant 32 : i32
    %dma_wait3A = arith.constant 3 : i32
    %dma_wait3A_53 = arith.constant 0 : i32
    %dma_wait3A_54 = arith.constant 0 : i32
    %dma_wait3A_55 = tpu.memref_slice %arg9[%dma_wait3A, %dma_wait3A_53, %dma_wait3A_54] : memref<5x128x64xf32, #tpu.memory_space<vmem>> -> memref<1x128x64xf32, #tpu.memory_space<vmem>>
    %dma_wait3A_56 = tpu.memref_squeeze %dma_wait3A_55 : memref<1x128x64xf32, #tpu.memory_space<vmem>> -> memref<128x64xf32, #tpu.memory_space<vmem>>
    %dma_wait3A_57 = arith.constant 0 : i32
    %dma_wait3A_58 = arith.constant 0 : i32
    %dma_wait3A_59 = tpu.memref_slice %arg10[%dma_wait3A_57, %dma_wait3A_58] : memref<10240x64xf32, #tpu.memory_space<vmem_shared>> -> memref<128x64xf32, #tpu.memory_space<vmem_shared>>
    %dma_wait3A_60 = arith.constant 0 : i32
    %dma_wait3A_61 = arith.constant 0 : i32
    %dma_wait3A_62 = tpu.memref_slice %arg10[%dma_wait3A_60, %dma_wait3A_61] : memref<10240x64xf32, #tpu.memory_space<vmem_shared>> -> memref<128x64xf32, #tpu.memory_space<vmem_shared>>
    %dma_wait3A_63 = arith.constant 0 : i32
    %dma_wait3A_64 = arith.constant 0 : i32
    %dma_wait3A_65 = tpu.memref_slice %arg9[%dma_wait3A, %dma_wait3A_63, %dma_wait3A_64] : memref<5x128x64xf32, #tpu.memory_space<vmem>> -> memref<1x128x64xf32, #tpu.memory_space<vmem>>
    %dma_wait3A_66 = tpu.memref_squeeze %dma_wait3A_65 : memref<1x128x64xf32, #tpu.memory_space<vmem>> -> memref<128x64xf32, #tpu.memory_space<vmem>>
    tpu.wait_dma2 semaphore(%arg19 : memref<!tpu.dma_semaphore, #tpu.memory_space<semaphore_mem>>) src(%dma_wait3A_66 : memref<128x64xf32, #tpu.memory_space<vmem>>) dst(%dma_wait3A_62 : memref<128x64xf32, #tpu.memory_space<vmem_shared>>)
    %dma_wait3A_67 = arith.constant 4 : i32
    %dma_wait3A_68 = arith.constant 0 : i32
    %dma_wait3A_69 = arith.constant 0 : i32
    %dma_wait3A_70 = tpu.memref_slice %arg9[%dma_wait3A_67, %dma_wait3A_68, %dma_wait3A_69] : memref<5x128x64xf32, #tpu.memory_space<vmem>> -> memref<1x128x64xf32, #tpu.memory_space<vmem>>
    %dma_wait3A_71 = tpu.memref_squeeze %dma_wait3A_70 : memref<1x128x64xf32, #tpu.memory_space<vmem>> -> memref<128x64xf32, #tpu.memory_space<vmem>>
    %dma_wait3A_72 = arith.constant 0 : i32
    %dma_wait3A_73 = arith.constant 0 : i32
    %dma_wait3A_74 = tpu.memref_slice %arg10[%dma_wait3A_72, %dma_wait3A_73] : memref<10240x64xf32, #tpu.memory_space<vmem_shared>> -> memref<128x64xf32, #tpu.memory_space<vmem_shared>>
    %dma_wait3A_75 = arith.constant 0 : i32
    %dma_wait3A_76 = arith.constant 0 : i32
    %dma_wait3A_77 = tpu.memref_slice %arg10[%dma_wait3A_75, %dma_wait3A_76] : memref<10240x64xf32, #tpu.memory_space<vmem_shared>> -> memref<128x64xf32, #tpu.memory_space<vmem_shared>>
    %dma_wait3A_78 = arith.constant 0 : i32
    %dma_wait3A_79 = arith.constant 0 : i32
    %dma_wait3A_80 = tpu.memref_slice %arg9[%dma_wait3A_67, %dma_wait3A_78, %dma_wait3A_79] : memref<5x128x64xf32, #tpu.memory_space<vmem>> -> memref<1x128x64xf32, #tpu.memory_space<vmem>>
    %dma_wait3A_81 = tpu.memref_squeeze %dma_wait3A_80 : memref<1x128x64xf32, #tpu.memory_space<vmem>> -> memref<128x64xf32, #tpu.memory_space<vmem>>
    tpu.wait_dma2 semaphore(%arg20 : memref<!tpu.dma_semaphore, #tpu.memory_space<semaphore_mem>>) src(%dma_wait3A_81 : memref<128x64xf32, #tpu.memory_space<vmem>>) dst(%dma_wait3A_77 : memref<128x64xf32, #tpu.memory_space<vmem_shared>>)
    %barrier3A_82 = arith.constant 0 : index
    tpu.barrier barrier_id(%barrier3A_82)
    %mul3A_83 = arith.constant 640 : i32
    %mul3A_84 = arith.muli %arg1, %mul3A_83 : i32
    %mul3A_85 = arith.constant 640 : i32
    %mul3A_86 = arith.muli %arg1, %mul3A_85 : i32
    "tpu.region"() ({
      %run_scoped3A = tpu.sem_alloc : memref<!tpu.dma_semaphore, #tpu.memory_space<semaphore_mem>>
      %dma_start3A_87 = arith.constant 0 : i32
      %dma_start3A_88 = tpu.memref_slice %arg6[%arg0, %mul3A_86, %dma_start3A_87] : memref<2x10240x64xf32, #tpu.memory_space<hbm>> -> memref<1x640x64xf32, #tpu.memory_space<hbm>>
      %dma_start3A_89 = tpu.memref_squeeze %dma_start3A_88 : memref<1x640x64xf32, #tpu.memory_space<hbm>> -> memref<640x64xf32, #tpu.memory_space<hbm>>
      %dma_start3A_90 = arith.constant 0 : i32
      %dma_start3A_91 = tpu.memref_slice %arg10[%mul3A_84, %dma_start3A_90] : memref<10240x64xf32, #tpu.memory_space<vmem_shared>> -> memref<640x64xf32, #tpu.memory_space<vmem_shared>>
      tpu.enqueue_dma source(%dma_start3A_91 : memref<640x64xf32, #tpu.memory_space<vmem_shared>>) target(%dma_start3A_89 : memref<640x64xf32, #tpu.memory_space<hbm>>) target_semaphore(%run_scoped3A : memref<!tpu.dma_semaphore, #tpu.memory_space<semaphore_mem>>)
      %dma_wait3A_92 = arith.constant 0 : i32
      %dma_wait3A_93 = tpu.memref_slice %arg6[%arg0, %mul3A_86, %dma_wait3A_92] : memref<2x10240x64xf32, #tpu.memory_space<hbm>> -> memref<1x640x64xf32, #tpu.memory_space<hbm>>
      %dma_wait3A_94 = tpu.memref_squeeze %dma_wait3A_93 : memref<1x640x64xf32, #tpu.memory_space<hbm>> -> memref<640x64xf32, #tpu.memory_space<hbm>>
      %dma_wait3A_95 = arith.constant 0 : i32
      %dma_wait3A_96 = tpu.memref_slice %arg10[%mul3A_84, %dma_wait3A_95] : memref<10240x64xf32, #tpu.memory_space<vmem_shared>> -> memref<640x64xf32, #tpu.memory_space<vmem_shared>>
      tpu.wait_dma2 semaphore(%run_scoped3A : memref<!tpu.dma_semaphore, #tpu.memory_space<semaphore_mem>>) src(%dma_wait3A_96 : memref<640x64xf32, #tpu.memory_space<vmem_shared>>) dst(%dma_wait3A_94 : memref<640x64xf32, #tpu.memory_space<hbm>>)
      tpu.yield
    }) : () -> ()
    return
  }
}

module attributes {stable_mosaic.version = 14 : i64} {
  func.func @_prep_body(%arg0: i32, %arg1: memref<1280x128xf32, #tpu.memory_space<vmem>>, %arg2: memref<128x128xf32, #tpu.memory_space<vmem>>, %arg3: memref<1280x16xf32, #tpu.memory_space<vmem>>, %arg4: memref<1280x16xf32, #tpu.memory_space<vmem>>, %arg5: memref<1280x128xf32, #tpu.memory_space<vmem>>, %arg6: memref<1280x1xf32, #tpu.memory_space<vmem>>) attributes {dimension_semantics = [#tpu.dimension_semantics<arbitrary>], iteration_bounds = array<i64: 8>, scalar_prefetch = 0 : i64, scratch_operands = 0 : i64, tpu.core_type = #tpu.core_type<tc>, window_params = [{transform_indices = @transform_0, window_bounds = array<i64: 1280, 128>}, {pipeline_mode = #tpu.pipeline_mode<synchronous>, transform_indices = @transform_1, window_bounds = array<i64: 128, 128>}, {transform_indices = @transform_2, window_bounds = array<i64: 1280, 16>}, {transform_indices = @transform_3, window_bounds = array<i64: 1280, 16>}, {transform_indices = @transform_4, window_bounds = array<i64: 1280, 128>}, {transform_indices = @transform_5, window_bounds = array<i64: 1280, 1>}]} {
    %get3A = arith.constant 0 : index
    %get3A_0 = arith.constant 0 : index
    %get3A_1 = vector.load %arg3[%get3A, %get3A_0] : memref<1280x16xf32, #tpu.memory_space<vmem>>, vector<1280x16xf32>
    %get3A_2 = arith.constant 0 : index
    %get3A_3 = arith.constant 0 : index
    %get3A_4 = vector.load %arg4[%get3A_2, %get3A_3] : memref<1280x16xf32, #tpu.memory_space<vmem>>, vector<1280x16xf32>
    %add3A = arith.addf %get3A_1, %get3A_4 : vector<1280x16xf32>
    %reduce_sum3A = arith.constant dense<0.000000e+00> : vector<1280xf32>
    %reduce_sum3A_5 = vector.multi_reduction <add>, %add3A, %reduce_sum3A [1] : vector<1280x16xf32> to vector<1280xf32>
    %broadcast_in_dim3A = vector.shape_cast %reduce_sum3A_5 : vector<1280xf32> to vector<1280x1xf32>
    %mul3A = arith.constant 6.250000e-02 : f32
    %mul3A_6 = vector.broadcast %mul3A : f32 to vector<1280x1xf32>
    %mul3A_7 = arith.mulf %broadcast_in_dim3A, %mul3A_6 : vector<1280x1xf32>
    %add3A_8 = arith.constant 1.000000e+00 : f32
    %add3A_9 = vector.broadcast %add3A_8 : f32 to vector<1280x1xf32>
    %add3A_10 = arith.addf %add3A_9, %mul3A_7 : vector<1280x1xf32>
    %rsqrt3A = math.rsqrt %add3A_10 : vector<1280x1xf32>
    %get3A_11 = arith.constant 0 : index
    %get3A_12 = arith.constant 0 : index
    %get3A_13 = vector.load %arg1[%get3A_11, %get3A_12] : memref<1280x128xf32, #tpu.memory_space<vmem>>, vector<1280x128xf32>
    %get3A_14 = arith.constant 0 : index
    %get3A_15 = arith.constant 0 : index
    %get3A_16 = vector.load %arg2[%get3A_14, %get3A_15] : memref<128x128xf32, #tpu.memory_space<vmem>>, vector<128x128xf32>
    %dot_general3A = arith.constant dense<0.000000e+00> : vector<1280x128xf32>
    %dot_general3A_17 = tpu.matmul %get3A_13, %get3A_16, %dot_general3A {dimension_numbers = #tpu.dot_dimension_numbers<[1], [0], [0], [1], [0, 0, 1, 1], [], []>, transpose_lhs_hint = false} : vector<1280x128xf32>, vector<128x128xf32>, vector<1280x128xf32> -> vector<1280x128xf32>
    %mul3A_18 = vector.broadcast %rsqrt3A : vector<1280x1xf32> to vector<1280x128xf32>
    %mul3A_19 = arith.mulf %mul3A_18, %dot_general3A_17 : vector<1280x128xf32>
    %swap3A = arith.constant 0 : index
    %swap3A_20 = arith.constant 0 : index
    %swap3A_21 = vector.load %arg5[%swap3A, %swap3A_20] : memref<1280x128xf32, #tpu.memory_space<vmem>>, vector<1280x128xf32>
    tpu.vector_store %arg5[%swap3A, %swap3A_20], %mul3A_19 {strides = array<i32>} : memref<1280x128xf32, #tpu.memory_space<vmem>>, vector<1280x128xf32>,
    %swap3A_22 = arith.constant 0 : index
    %swap3A_23 = arith.constant 0 : index
    %swap3A_24 = vector.load %arg6[%swap3A_22, %swap3A_23] : memref<1280x1xf32, #tpu.memory_space<vmem>>, vector<1280x1xf32>
    tpu.vector_store %arg6[%swap3A_22, %swap3A_23], %rsqrt3A {strides = array<i32>} : memref<1280x1xf32, #tpu.memory_space<vmem>>, vector<1280x1xf32>,
    return
  }
  func.func @transform_0(%arg0: i32) -> (i32, i32) {
    %c0_i32 = arith.constant 0 : i32
    %c0_i32_0 = arith.constant 0 : i32
    return %arg0, %c0_i32 : i32, i32
  }
  func.func @transform_1(%arg0: i32) -> (i32, i32) {
    %c0_i32 = arith.constant 0 : i32
    %c0_i32_0 = arith.constant 0 : i32
    %c0_i32_1 = arith.constant 0 : i32
    return %c0_i32, %c0_i32_0 : i32, i32
  }
  func.func @transform_2(%arg0: i32) -> (i32, i32) {
    %c0_i32 = arith.constant 0 : i32
    %c0_i32_0 = arith.constant 0 : i32
    return %arg0, %c0_i32 : i32, i32
  }
  func.func @transform_3(%arg0: i32) -> (i32, i32) {
    %c0_i32 = arith.constant 0 : i32
    %c0_i32_0 = arith.constant 0 : i32
    return %arg0, %c0_i32 : i32, i32
  }
  func.func @transform_4(%arg0: i32) -> (i32, i32) {
    %c0_i32 = arith.constant 0 : i32
    %c0_i32_0 = arith.constant 0 : i32
    return %arg0, %c0_i32 : i32, i32
  }
  func.func @transform_5(%arg0: i32) -> (i32, i32) {
    %c0_i32 = arith.constant 0 : i32
    %c0_i32_0 = arith.constant 0 : i32
    return %arg0, %c0_i32 : i32, i32
  }
}

module attributes {stable_mosaic.version = 14 : i64} {
  func.func @_mid_body(%arg0: i32, %arg1: memref<1x1280x64xf32, #tpu.memory_space<vmem>>, %arg2: memref<1x1280x64xf32, #tpu.memory_space<vmem>>, %arg3: memref<1280x128xf32, #tpu.memory_space<vmem>>, %arg4: memref<1280x1xf32, #tpu.memory_space<vmem>>, %arg5: memref<1x128xf32, #tpu.memory_space<vmem>>, %arg6: memref<128x128xf32, #tpu.memory_space<vmem>>, %arg7: memref<1280x128xf32, #tpu.memory_space<vmem>>) attributes {dimension_semantics = [#tpu.dimension_semantics<arbitrary>], iteration_bounds = array<i64: 8>, scalar_prefetch = 0 : i64, scratch_operands = 0 : i64, tpu.core_type = #tpu.core_type<tc>, window_params = [{transform_indices = @transform_0, window_bounds = array<i64: 1, 1280, 64>}, {transform_indices = @transform_1, window_bounds = array<i64: 1, 1280, 64>}, {transform_indices = @transform_2, window_bounds = array<i64: 1280, 128>}, {transform_indices = @transform_3, window_bounds = array<i64: 1280, 1>}, {pipeline_mode = #tpu.pipeline_mode<synchronous>, transform_indices = @transform_4, window_bounds = array<i64: 1, 128>}, {pipeline_mode = #tpu.pipeline_mode<synchronous>, transform_indices = @transform_5, window_bounds = array<i64: 128, 128>}, {transform_indices = @transform_6, window_bounds = array<i64: 1280, 128>}]} {
    %get3A = arith.constant 0 : index
    %get3A_0 = arith.constant 0 : index
    %get3A_1 = arith.constant 0 : index
    %get3A_2 = vector.load %arg1[%get3A, %get3A_0, %get3A_1] : memref<1x1280x64xf32, #tpu.memory_space<vmem>>, vector<1x1280x64xf32>
    %get3A_3 = vector.shape_cast %get3A_2 : vector<1x1280x64xf32> to vector<1280x64xf32>
    %get3A_4 = arith.constant 0 : index
    %get3A_5 = arith.constant 0 : index
    %get3A_6 = arith.constant 0 : index
    %get3A_7 = vector.load %arg2[%get3A_4, %get3A_5, %get3A_6] : memref<1x1280x64xf32, #tpu.memory_space<vmem>>, vector<1x1280x64xf32>
    %get3A_8 = vector.shape_cast %get3A_7 : vector<1x1280x64xf32> to vector<1280x64xf32>
    %concatenate3A = tpu.concatenate %get3A_3, %get3A_8 in 1 : vector<1280x64xf32>, vector<1280x64xf32> -> vector<1280x128xf32>
    %get3A_9 = arith.constant 0 : index
    %get3A_10 = arith.constant 0 : index
    %get3A_11 = vector.load %arg4[%get3A_9, %get3A_10] : memref<1280x1xf32, #tpu.memory_space<vmem>>, vector<1280x1xf32>
    %get3A_12 = arith.constant 0 : index
    %get3A_13 = arith.constant 0 : index
    %get3A_14 = vector.load %arg3[%get3A_12, %get3A_13] : memref<1280x128xf32, #tpu.memory_space<vmem>>, vector<1280x128xf32>
    %add3A = arith.addf %concatenate3A, %get3A_14 : vector<1280x128xf32>
    %mul3A = vector.broadcast %get3A_11 : vector<1280x1xf32> to vector<1280x128xf32>
    %mul3A_15 = arith.mulf %mul3A, %add3A : vector<1280x128xf32>
    %get3A_16 = arith.constant 0 : index
    %get3A_17 = arith.constant 0 : index
    %get3A_18 = vector.load %arg5[%get3A_16, %get3A_17] : memref<1x128xf32, #tpu.memory_space<vmem>>, vector<1x128xf32>
    %add3A_19 = vector.broadcast %get3A_18 : vector<1x128xf32> to vector<1280x128xf32>
    %add3A_20 = arith.addf %mul3A_15, %add3A_19 : vector<1280x128xf32>
    %max3A = arith.constant 0.000000e+00 : f32
    %max3A_21 = vector.broadcast %max3A : f32 to vector<1280x128xf32>
    %max3A_22 = arith.maximumf %add3A_20, %max3A_21 : vector<1280x128xf32>
    %get3A_23 = arith.constant 0 : index
    %get3A_24 = arith.constant 0 : index
    %get3A_25 = vector.load %arg6[%get3A_23, %get3A_24] : memref<128x128xf32, #tpu.memory_space<vmem>>, vector<128x128xf32>
    %dot_general3A = arith.constant dense<0.000000e+00> : vector<1280x128xf32>
    %dot_general3A_26 = tpu.matmul %max3A_22, %get3A_25, %dot_general3A {dimension_numbers = #tpu.dot_dimension_numbers<[1], [0], [0], [1], [0, 0, 1, 1], [], []>, transpose_lhs_hint = false} : vector<1280x128xf32>, vector<128x128xf32>, vector<1280x128xf32> -> vector<1280x128xf32>
    %mul3A_27 = vector.broadcast %get3A_11 : vector<1280x1xf32> to vector<1280x128xf32>
    %mul3A_28 = arith.mulf %mul3A_27, %dot_general3A_26 : vector<1280x128xf32>
    %swap3A = arith.constant 0 : index
    %swap3A_29 = arith.constant 0 : index
    %swap3A_30 = vector.load %arg7[%swap3A, %swap3A_29] : memref<1280x128xf32, #tpu.memory_space<vmem>>, vector<1280x128xf32>
    tpu.vector_store %arg7[%swap3A, %swap3A_29], %mul3A_28 {strides = array<i32>} : memref<1280x128xf32, #tpu.memory_space<vmem>>, vector<1280x128xf32>,
    return
  }
  func.func @transform_0(%arg0: i32) -> (i32, i32, i32) {
    %c0_i32 = arith.constant 0 : i32
    %c0_i32_0 = arith.constant 0 : i32
    %c0_i32_1 = arith.constant 0 : i32
    return %c0_i32, %arg0, %c0_i32_0 : i32, i32, i32
  }
  func.func @transform_1(%arg0: i32) -> (i32, i32, i32) {
    %c1_i32 = arith.constant 1 : i32
    %c0_i32 = arith.constant 0 : i32
    %c0_i32_0 = arith.constant 0 : i32
    return %c1_i32, %arg0, %c0_i32 : i32, i32, i32
  }
  func.func @transform_2(%arg0: i32) -> (i32, i32) {
    %c0_i32 = arith.constant 0 : i32
    %c0_i32_0 = arith.constant 0 : i32
    return %arg0, %c0_i32 : i32, i32
  }
  func.func @transform_3(%arg0: i32) -> (i32, i32) {
    %c0_i32 = arith.constant 0 : i32
    %c0_i32_0 = arith.constant 0 : i32
    return %arg0, %c0_i32 : i32, i32
  }
  func.func @transform_4(%arg0: i32) -> (i32, i32) {
    %c0_i32 = arith.constant 0 : i32
    %c0_i32_0 = arith.constant 0 : i32
    %c0_i32_1 = arith.constant 0 : i32
    return %c0_i32, %c0_i32_0 : i32, i32
  }
  func.func @transform_5(%arg0: i32) -> (i32, i32) {
    %c0_i32 = arith.constant 0 : i32
    %c0_i32_0 = arith.constant 0 : i32
    %c0_i32_1 = arith.constant 0 : i32
    return %c0_i32, %c0_i32_0 : i32, i32
  }
  func.func @transform_6(%arg0: i32) -> (i32, i32) {
    %c0_i32 = arith.constant 0 : i32
    %c0_i32_0 = arith.constant 0 : i32
    return %arg0, %c0_i32 : i32, i32
  }
}

module attributes {stable_mosaic.version = 14 : i64} {
  func.func @_out_body(%arg0: i32, %arg1: memref<1x1280x64xf32, #tpu.memory_space<vmem>>, %arg2: memref<1x1280x64xf32, #tpu.memory_space<vmem>>, %arg3: memref<1280x128xf32, #tpu.memory_space<vmem>>, %arg4: memref<1280x1xf32, #tpu.memory_space<vmem>>, %arg5: memref<1x128xf32, #tpu.memory_space<vmem>>, %arg6: memref<1280x128xf32, #tpu.memory_space<vmem>>) attributes {dimension_semantics = [#tpu.dimension_semantics<arbitrary>], iteration_bounds = array<i64: 8>, scalar_prefetch = 0 : i64, scratch_operands = 0 : i64, tpu.core_type = #tpu.core_type<tc>, window_params = [{transform_indices = @transform_0, window_bounds = array<i64: 1, 1280, 64>}, {transform_indices = @transform_1, window_bounds = array<i64: 1, 1280, 64>}, {transform_indices = @transform_2, window_bounds = array<i64: 1280, 128>}, {transform_indices = @transform_3, window_bounds = array<i64: 1280, 1>}, {pipeline_mode = #tpu.pipeline_mode<synchronous>, transform_indices = @transform_4, window_bounds = array<i64: 1, 128>}, {transform_indices = @transform_5, window_bounds = array<i64: 1280, 128>}]} {
    %get3A = arith.constant 0 : index
    %get3A_0 = arith.constant 0 : index
    %get3A_1 = arith.constant 0 : index
    %get3A_2 = vector.load %arg1[%get3A, %get3A_0, %get3A_1] : memref<1x1280x64xf32, #tpu.memory_space<vmem>>, vector<1x1280x64xf32>
    %get3A_3 = vector.shape_cast %get3A_2 : vector<1x1280x64xf32> to vector<1280x64xf32>
    %get3A_4 = arith.constant 0 : index
    %get3A_5 = arith.constant 0 : index
    %get3A_6 = arith.constant 0 : index
    %get3A_7 = vector.load %arg2[%get3A_4, %get3A_5, %get3A_6] : memref<1x1280x64xf32, #tpu.memory_space<vmem>>, vector<1x1280x64xf32>
    %get3A_8 = vector.shape_cast %get3A_7 : vector<1x1280x64xf32> to vector<1280x64xf32>
    %concatenate3A = tpu.concatenate %get3A_3, %get3A_8 in 1 : vector<1280x64xf32>, vector<1280x64xf32> -> vector<1280x128xf32>
    %get3A_9 = arith.constant 0 : index
    %get3A_10 = arith.constant 0 : index
    %get3A_11 = vector.load %arg4[%get3A_9, %get3A_10] : memref<1280x1xf32, #tpu.memory_space<vmem>>, vector<1280x1xf32>
    %get3A_12 = arith.constant 0 : index
    %get3A_13 = arith.constant 0 : index
    %get3A_14 = vector.load %arg3[%get3A_12, %get3A_13] : memref<1280x128xf32, #tpu.memory_space<vmem>>, vector<1280x128xf32>
    %add3A = arith.addf %concatenate3A, %get3A_14 : vector<1280x128xf32>
    %mul3A = vector.broadcast %get3A_11 : vector<1280x1xf32> to vector<1280x128xf32>
    %mul3A_15 = arith.mulf %mul3A, %add3A : vector<1280x128xf32>
    %get3A_16 = arith.constant 0 : index
    %get3A_17 = arith.constant 0 : index
    %get3A_18 = vector.load %arg5[%get3A_16, %get3A_17] : memref<1x128xf32, #tpu.memory_space<vmem>>, vector<1x128xf32>
    %add3A_19 = vector.broadcast %get3A_18 : vector<1x128xf32> to vector<1280x128xf32>
    %add3A_20 = arith.addf %mul3A_15, %add3A_19 : vector<1280x128xf32>
    %swap3A = arith.constant 0 : index
    %swap3A_21 = arith.constant 0 : index
    %swap3A_22 = vector.load %arg6[%swap3A, %swap3A_21] : memref<1280x128xf32, #tpu.memory_space<vmem>>, vector<1280x128xf32>
    tpu.vector_store %arg6[%swap3A, %swap3A_21], %add3A_20 {strides = array<i32>} : memref<1280x128xf32, #tpu.memory_space<vmem>>, vector<1280x128xf32>,
    return
  }
  func.func @transform_0(%arg0: i32) -> (i32, i32, i32) {
    %c0_i32 = arith.constant 0 : i32
    %c0_i32_0 = arith.constant 0 : i32
    %c0_i32_1 = arith.constant 0 : i32
    return %c0_i32, %arg0, %c0_i32_0 : i32, i32, i32
  }
  func.func @transform_1(%arg0: i32) -> (i32, i32, i32) {
    %c1_i32 = arith.constant 1 : i32
    %c0_i32 = arith.constant 0 : i32
    %c0_i32_0 = arith.constant 0 : i32
    return %c1_i32, %arg0, %c0_i32 : i32, i32, i32
  }
  func.func @transform_2(%arg0: i32) -> (i32, i32) {
    %c0_i32 = arith.constant 0 : i32
    %c0_i32_0 = arith.constant 0 : i32
    return %arg0, %c0_i32 : i32, i32
  }
  func.func @transform_3(%arg0: i32) -> (i32, i32) {
    %c0_i32 = arith.constant 0 : i32
    %c0_i32_0 = arith.constant 0 : i32
    return %arg0, %c0_i32 : i32, i32
  }
  func.func @transform_4(%arg0: i32) -> (i32, i32) {
    %c0_i32 = arith.constant 0 : i32
    %c0_i32_0 = arith.constant 0 : i32
    %c0_i32_1 = arith.constant 0 : i32
    return %c0_i32, %c0_i32_0 : i32, i32
  }
  func.func @transform_5(%arg0: i32) -> (i32, i32) {
    %c0_i32 = arith.constant 0 : i32
    %c0_i32_0 = arith.constant 0 : i32
    return %arg0, %c0_i32 : i32, i32
  }
}

</mosaic_0001>

<sc_bundles>
// kernel: kernel.11.cloned.1.call-start
scs
__scs_entry_jumppad:
0x0: {  	(pc) =	sbr.rel $0x88, $3  }
0x1: {  	(tag) =	ssettag $0x0;
	lr =	simm.s32 $0x1  }
0x2: {  	[smem:$0x3F9B] =	sst lr;
	_ =	strace $0xD0000000  }
0x3: {  	_ = 	snop  }
0x4: {  	_ = 	snop  }
0x5: {  	_ = 	snop  }
0x6: {  	_ = 	snop  }
0x7: {  	_ = 	snop  }
__scs_overlays_trampoline_lowered:
0x8: {  	[smem:$0x3FAA] =	sst s0  }
0x9: {  	[smem:$0x3FAB] =	sst s1  }
0xa: {  	[smem:$0x3FAC] =	sst s2  }
0xb: {  	[smem:$0x3FAD] =	sst s3  }
0xc: {  	[smem:$0x3FAE] =	sst s4  }
0xd: {  	[smem:$0x3FAF] =	sst s5  }
0xe: {  	[smem:$0x3FB0] =	sst s6  }
0xf: {  	[smem:$0x3FB1] =	sst s7  }
0x10: {  	[smem:$0x3FB2] =	sst s8  }
0x11: {  	[smem:$0x3FB3] =	sst s9;
	s0 =	simm.s32 @!p0 $0x0  }
0x12: {  	s1 =	sld [smem:$0x3F99];
	s0 =	simm.s32 @p0 $0x1  }
0x13: {  	[smem:$0x3FB4] =	sst s0;
	s0 =	simm.s32 @!p1 $0x0  }
0x14: {  	s2 =	sld [smem:$0x3F98];
	s0 =	simm.s32 @p1 $0x1  }
0x15: {  	[smem:$0x3FB5] =	sst s0;
	s0 =	simm.s32 @!p2 $0x0  }
0x16: {  	s3 =	sld [smem:$0x3FDB];
	s0 =	simm.s32 @p2 $0x1  }
0x17: {  	s4 =	simm.s32 $0x1BF5;
	[smem:$0x3FB7] =	sst s0  }
0x18: {  	s0 =	sld [smem:$0x3F9A];
	_ =	swait.ge [sflag:s4], $0x0  }
0x19: {  	s7 =	sld [smem:$0x3F9B]  }
0x1a: {  	s8 =	sadd.s32 $0xFFFFE003, lr  }
0x1b: {  	s9 =	sadd.s32 $0xFFFFFEF7, lr;
	s5 =	simm.s32 $0xFFFFFFFF;
	p2 =	slt.u32 s8, $0xFFFFF086  }
0x1c: {  	p1 =	slt.u32 s9, $0xF7A;
	s5 =	simm.s32 @!p2 $0x0  }
0x1d: {  	s5 =	simm.s32 @p1 $0x1;
	p0 =	seq.s32 s7, s2  }
0x1e: {  	s7 =	smul.u32 @!p0 $0xF7A, s2;
	p2 =	seq.s32 @!p0 s5, $0x0  }
0x1f: {  	s9 =	smul.u32 $0xF7A, s1;
	s8 =	simm.s32 @!p0 $0x1BF5;
	p2 =	por !p2, p0  }
0x20: {  	[sflag:s8] =	ssyncset.s32 @!p0 $0xFFFFF086;
	s6 =	sadd.s32 @!p0 s3, s7;
	s7 =	simm.s32 @!p0 $0x108  }
0x21: {  	s3 =	sadd.s32 s3, s9;
	s6 =	sadd.s32 @!p0 $0x88, s6;
	s7 =	simm.s32 @p2 $0x1082  }
0x22: {  	[simem:s7], [sflag:s8] =	dma.local @!p0 [hbm:s6], $0xF7A  }
0x23: {  	s9 =	sor.u32 $0xD0000000, s2;
	s6 =	simm.s32 $0x108;
	_ =	swait.ge @!p0 [sflag:s8], $0x0  }
0x24: {  	s3 =	sadd.s32 $0x88, s3;
	s6 =	simm.s32 @!p1 $0x1082;
	[sflag:s4] =	ssyncset.s32 $0xFFFFF086  }
0x25: {  	[simem:s6], [sflag:s4] =	dma.local [hbm:s3], $0xF7A  }
0x26: {  	[smem:$0x3F9B] =	sst s1;
	(tag) =	ssettag s2;
	_ =	strace s9  }
0x27: {  	s1 =	sld [smem:$0x3FAB]  }
0x28: {  	s2 =	sld [smem:$0x3FAC]  }
0x29: {  	s4 =	sld [smem:$0x3FAE]  }
0x2a: {  	p0 =	seq.s32 s5, $0x0;
	s5 =	sld [smem:$0x3FAF]  }
0x2b: {  	s6 =	sld [smem:$0x3FB0]  }
0x2c: {  	s7 =	sld [smem:$0x3FB1]  }
0x2d: {  	s3 =	simm.s32 $0x108;
	s8 =	sld [smem:$0x3FB2]  }
0x2e: {  	s3 =	simm.s32 @!p0 $0x1082;
	s9 =	sld [smem:$0x3FB3]  }
0x2f: {  	lr =	sadd.s32 s0, s3;
	s0 =	sld [smem:$0x3FAA]  }
0x30: {  	s3 =	sld [smem:$0x3FAD]  }
0x31: {  	[smem:$0x3FB6] =	sst s10  }
0x32: {  	s10 =	sld [smem:$0x3FB4];
	_ =	sdelay $0x3  }
0x33: {  	p0 =	seq.s32 s10, $0x1;
	s10 =	sld [smem:$0x3FB6];
	_ =	sdelay $0x3  }
0x34: {  	[smem:$0x3FB6] =	sst s10  }
0x35: {  	s10 =	sld [smem:$0x3FB5];
	_ =	sdelay $0x3  }
0x36: {  	p1 =	seq.s32 s10, $0x1;
	s10 =	sld [smem:$0x3FB6];
	_ =	sdelay $0x3  }
0x37: {  	[smem:$0x3FB6] =	sst s10  }
0x38: {  	s10 =	sld [smem:$0x3FB7]  }
0x39: {  	_ = 	snop;
	(pc) =	sbr.ind lr, $3  }
0x3a: {  	_ = 	snop  }
0x3b: {  	_ = 	snop  }
0x3c: {  	p2 =	seq.s32 s10, $0x1;
	s10 =	sld [smem:$0x3FB6]  }
0x3d: {  	_ =	shalt  }
0x3e: {  	_ =	shalt  }
0x3f: {  	_ =	shalt  }
0x40: {  	_ =	shalt  }
0x41: {  	_ =	shalt  }
0x42: {  	_ =	shalt  }
0x43: {  	_ =	shalt  }
0x44: {  	_ =	shalt  }
0x45: {  	_ =	shalt  }
0x46: {  	_ =	shalt  }
0x47: {  	_ =	shalt  }
0x48: {  	_ =	shalt  }
0x49: {  	_ =	shalt  }
0x4a: {  	_ =	shalt  }
0x4b: {  	_ =	shalt  }
0x4c: {  	_ =	shalt  }
0x4d: {  	_ =	shalt  }
0x4e: {  	_ =	shalt  }
0x4f: {  	_ =	shalt  }
0x50: {  	_ =	shalt  }
0x51: {  	_ =	shalt  }
0x52: {  	_ =	shalt  }
0x53: {  	_ =	shalt  }
0x54: {  	_ =	shalt  }
0x55: {  	_ =	shalt  }
0x56: {  	_ =	shalt  }
0x57: {  	_ =	shalt  }
0x58: {  	_ =	shalt  }
0x59: {  	_ =	shalt  }
0x5a: {  	_ =	shalt  }
0x5b: {  	_ =	shalt  }
0x5c: {  	_ =	shalt  }
0x5d: {  	_ =	shalt  }
0x5e: {  	_ =	shalt  }
0x5f: {  	_ =	shalt  }
0x60: {  	_ =	shalt  }
0x61: {  	_ =	shalt  }
0x62: {  	_ =	shalt  }
0x63: {  	_ =	shalt  }
0x64: {  	_ =	shalt  }
0x65: {  	_ =	shalt  }
0x66: {  	_ =	shalt  }
0x67: {  	_ =	shalt  }
0x68: {  	_ =	shalt  }
0x69: {  	_ =	shalt  }
0x6a: {  	_ =	shalt  }
0x6b: {  	_ =	shalt  }
0x6c: {  	_ =	shalt  }
0x6d: {  	_ =	shalt  }
0x6e: {  	_ =	shalt  }
0x6f: {  	_ =	shalt  }
0x70: {  	_ =	shalt  }
0x71: {  	_ =	shalt  }
0x72: {  	_ =	shalt  }
0x73: {  	_ =	shalt  }
0x74: {  	_ =	shalt  }
0x75: {  	_ =	shalt  }
0x76: {  	_ =	shalt  }
0x77: {  	_ =	shalt  }
0x78: {  	_ =	shalt  }
0x79: {  	_ =	shalt  }
0x7a: {  	_ =	shalt  }
0x7b: {  	_ =	shalt  }
0x7c: {  	_ =	shalt  }
0x7d: {  	_ =	shalt  }
0x7e: {  	_ =	shalt  }
0x7f: {  	_ =	shalt  }
0x80: {  	_ =	shalt  }
0x81: {  	_ =	shalt  }
0x82: {  	_ =	shalt  }
0x83: {  	_ =	shalt  }
0x84: {  	_ =	shalt  }
0x85: {  	_ =	shalt  }
0x86: {  	_ =	shalt  }
0x87: {  	_ =	shalt  }
.Lfunc_end0:
.L_simem_size_0:
called_computation.1_lowered:
.L_overlay_start_0:
0x88: {  	s2 =	sld [smem:$0x3FD9]  }
0x89: {  	s3 =	sld [smem:$0x3FFE];
	_ =	sdelay $0x1  }
0x8a: {  	s1 =	srdreg.scid  }
0x8b: {  	s0 =	sand.u32 $0x1, s1  }
0x8c: {  	s17 =	sshll.u32 s0, $0xA;
	s2 =	sadd.s32 s3, s2  }
0x8d: {  	s2 =	sadd.s32 s2, s17  }
0x8e: {  	[smem:$0x3FC2] =	sst s2  }
0x8f: {  	_ = 	snop  }
0x90: {  	s2 =	sld [smem:$0x3FD0];
	(tm) =	ssettm $0x1  }
0x91: {  	s18 =	sld [smem:$0x3FFB];
	_ =	sdelay $0x3  }
0x92: {  	_ =	strace s18  }
0x93: {  	s3 =	sld [smem:$0x3FFC];
	_ =	sdelay $0x3  }
0x94: {  	_ =	strace s3  }
0x95: {  	s3 =	sld [smem:$0x3FFD];
	_ =	sdelay $0x3  }
0x96: {  	_ =	strace s3  }
0x97: {  	_ =	strace $0x8FFFFFFF  }
0x98: {  	s19 =	sld [smem:$0x3FDB];
	_ =	sdelay $0x1  }
0x99: {  	s4 =	simm.s32 $_scs_section_size  }
0x9a: {  	s5 =	simm.s32 $_size__tile_overlayer_lowered;
	s6 =	simm.s32 $_tile_overlayer_lowered  }
0x9b: {  	s22 =	simm.s32 $0x1BFF;
	s21 =	sshll.u32 s6, $0x1;
	s3 =	sadd.s32 s4, s19  }
0x9c: {  	s7 =	simm.s32 $0x0;
	s20 =	sshll.u32 s5, $0x1;
	s5 =	sadd.s32 s21, s3  }
0x9d: {  	[timem:s7], [sflag:s22] =	dma.local [hbm:s5], s20  }
0x9e: {  	_ =	swait.ge [sflag:s22], s20  }
0x9f: {  	s4 =	ssub.s32 $0x0, s20;
	[sflag:s22] =	ssyncset.done $0x0  }
0xa0: {  	[sflag:s22] =	ssyncadd.s32 s4;
	_ =	sdelay $0x1  }
0xa1: {  	s23 =	simm.s32 $0x1B8B  }
0xa2: {  	_ =	swait.ge [sflag:s23], $0x1  }
0xa3: {  	[sflag:s23] =	ssyncset.done $0x0  }
0xa4: {  	s25 =	simm.s32 $0x1B8E;
	s24 =	sld [smem:$0x3FFE];
	[sflag:s23] =	ssyncadd.s32 $0xFFFFFFFF  }
0xa5: {  	s26 =	simm.s32 $execute0_lowered;
	[smem:$0x3FD2] =	sst s25  }
0xa6: {  	s5 =	sshll.u32 s26, $0x1;
	_ =	strace $0x80000049;
	[dreg:$0x1] =	wrdreg $0xFFFFFFFF  }
0xa7: {  	s28 =	simm.s32 $_size_execute0_lowered;
	s3 =	sadd.s32 s3, s5;
	[dreg:$0x0] =	wrdreg $0x0  }
0xa8: {  	s5 =	sshll.u32 s28, $0x1;
	[dreg:$0x2] =	wrdreg s3  }
0xa9: {  	[dreg:$0x3] =	wrdreg s5  }
0xaa: {  	[dreg:$0x4] =	wrdreg $0xC0  }
0xab: {  	_ =	task [dreg:s7], $0x5FFFF  }
0xac: {  	[dreg:$0x1] =	wrdreg $0xFFFFFFFF  }
0xad: {  	[dreg:$0x0] =	wrdreg $0x60  }
0xae: {  	[dreg:$0x2] =	wrdreg s24  }
0xaf: {  	[dreg:$0x3] =	wrdreg s2  }
0xb0: {  	[dreg:$0x4] =	wrdreg $0x140000  }
0xb1: {  	[dreg:$0x5] =	wrdreg $0x9  }
0xb2: {  	_ =	task.clear_ibuf [dreg:s7], $0x6FFFF;
	_ =	strace $0x90000049  }
0xb3: {  	s29 =	simm.s32 $0x9;
	_ =	strace $0x8000004B  }
0xb4: {  	_ =	swait.ge [sflag:s29], $0x1  }
0xb5: {  	[sflag:s29] =	ssyncadd.s32 $0xFFFFFFFF  }
0xb6: {  	_ =	strace $0x9000004B  }
0xb7: {  	_ =	sfence  }
0xb8: {  	s30 =	sld [smem:$0x0];
	_ =	sdelay $0x2  }
0xb9: {  	s31 =	sshll.u32 s1, $0xD;
	s1 =	sshrl.u32 s1, $0x2  }
0xba: {  	s3 =	sand.u32 $0x4000, s31;
	s1 =	sadd.s32 s1, s30  }
0xbb: {  	s0 =	sor.u32 s3, s0;
	s1 =	sshll.u32 s1, $0x11  }
0xbc: {  	s0 =	sor.u32 s1, s0  }
0xbd: {  	s0 =	sadd.s32 $0x8F2B, s0  }
0xbe: {  	[sflag:s0] =	ssyncadd.remote.s32 $0x1  }
0xbf: {  	_ =	sfence.sel $0xFFFF  }
0xc0: {  	[dreg:$0x0] =	wrdreg $0xFFFFFFFF;
	(pc) =	sbr.abs _section_cstart, $3  }
0xc1: {  	[dreg:$0x1] =	wrdreg $0xFFFFFFFF  }
0xc2: {  	_ =	task.clear_ibuf [dreg:s7], $0x2FFFF;
	_ =	strace $0x9FFFFFFF  }
0xc3: {  	(tm) =	ssettm $0x7FFFFFFF  }
tec
execute0_lowered:
.L_overlay_start_1:
0x0: {  	(tag) =	ssettag $0x1  }
0x1: {  	s0 =	rddreg [dreg:$0x0]  }
0x2: {  	s1 =	rddreg [dreg:$0x1];
	s3 =	srdreg.scid  }
0x3: {  	s2 =	rddreg [dreg:$0x2];
	s12 =	stileid.u32;
	s13 =	simm.s32 $0x5000  }
0x4: {  	s14 =	simm.s32 $0x80;
	s15 =	simm.s32 $0xA000;
	s16 =	simm.s32 $0xC000  }
0x5: {  	s18 =	simm.s32 $0xE000;
	s20 =	simm.s32 $0x10000;
	s21 =	simm.s32 $0x1  }
0x6: {  	s23 =	simm.s32 $0x12000;
	s29 =	simm.s32 $0x3;
	s31 =	simm.s32 $0x7  }
0x7: {  	s19 =	simm.s32 $0x8;
	s30 =	simm.s32 $0x9;
	s17 =	simm.s32 $0x0  }
0x8: {  	s4 =	sand.u32 $0x1, s3;
	s3 =	simm.s32 $0x0;
	s6 =	smul.u32 $0xA000, s12  }
0x9: {  	s8 =	smul.u32 $0xA00, s12;
	s25 =	sadd.s32 $0x1C00, s0;
	s28 =	sshll.u32 s12, $0x6  }
0xa: {  	s12 =	simm.s32 $0xB;
	s5 =	smul.u32 $0xA0000, s4;
	[smem:$0x7FF] =	sst s3  }
0xb: {  	s10 =	ssub.s32 $0x2, s4;
	_ =	strace $0x8000004A;
	s24 =	sadd.s32 s8, s0  }
0xc: {  	[dreg:$0x4] =	wrdreg s25;
	s26 =	sshrl.u32 s10, $0x1;
	s11 =	sadd.s32 s6, s2  }
0xd: {  	s25 =	simm.s32 $0x5;
	s7 =	sshrl.u32 s5, $0x3;
	s5 =	sadd.s32 s6, s5  }
0xe: {  	s10 =	ssub.s32 s10, s26;
	s6 =	sadd.s32 $0xC600, s24;
	s11 =	sshrl.u32 s11, $0x3  }
0xf: {  	s24 =	simm.s32 $0x2;
	s26 =	simm.s32 $0x6;
	s9 =	sadd.s32 s7, s0  }
0x10: {  	s5 =	sshrl.u32 s5, $0x3;
	s7 =	sadd.s32 s1, s8;
	s10 =	smax.u32 s10, $0x1  }
0x11: {  	s1 =	simm.s32 $0x4;
	s0 =	sadd.s32 s5, s0;
	s5 =	sor.u32 $0x1C0B, s28  }
0x12: {  	s8 =	sadd.s32 $0x16600, s9;
	s9 =	sadd.s32 $0x3E600, s0;
	s0 =	simm.s32 $0xA  }
.LBB2_1:
0x13: {  	s4 =	rddreg [dreg:$0x4]  }
0x14: {  	[spmem:s11], [sflag:s5] =	dma.local [hbm:s4], $0x1400  }
0x15: {  	_ =	swait.ge [sflag:s12], $0x1400  }
0x16: {  	[sflag:s12] =	ssyncset.done $0x0  }
0x17: {  	[sflag:s12] =	ssyncadd.s32 $0xFFFFEC00  }
0x18: {  	[tilespmem:s3], [sflag:$0xB] =	stream.linear.gather [hbm4b:s6+s3], $0x5000, $0x38;
	[tilespmem:$0x1E000] =	vst v63  }
0x19: {  	_ =	swait.ge [sflag:s12], $0x5000  }
0x1a: {  	[sflag:s12] =	ssyncset.done $0x0  }
0x1b: {  	[sflag:s12] =	ssyncadd.s32 $0xFFFFB000  }
0x1c: {  	[tilespmem:s13], [sflag:$0xB] =	stream.linear.gather [hbm4b:s7+s3], $0x5000, $0x38;
	[tilespmem:$0x1E000] =	vst v63  }
0x1d: {  	_ =	swait.ge [sflag:s12], $0x5000  }
0x1e: {  	[sflag:s12] =	ssyncset.done $0x0  }
0x1f: {  	[sflag:s12] =	ssyncadd.s32 $0xFFFFB000  }
0x20: {  	[bflag:$0x0] =	sbarrier.arrive $0xFFFF  }
0x21: {  	[tilespmem:s15], [sflag:$0x1] =	stream.indirect.gather [hbm4b:s8+s14], $0x40, s3, s14, $0xb8;
	[tilespmem:$0x1E000] =	vst v63  }
0x22: {  	_ = 	snop  }
0x23: {  	[tilespmem:s16], [sflag:$0x2] =	stream.indirect.gather [hbm4b:s8+s14], $0x40, s14, s14, $0xb8;
	[tilespmem:$0x1E000] =	vst v63  }
0x24: {  	s22 =	simm.s32 $0x100  }
0x25: {  	[tilespmem:s18], [sflag:$0x3] =	stream.indirect.gather [hbm4b:s8+s14], $0x40, s22, s14, $0xb8;
	[tilespmem:$0x1E000] =	vst v63  }
0x26: {  	s22 =	simm.s32 $0x180  }
0x27: {  	[tilespmem:s20], [sflag:$0x4] =	stream.indirect.gather [hbm4b:s8+s14], $0x40, s22, s14, $0xb8;
	[tilespmem:$0x1E000] =	vst v63  }
0x28: {  	_ =	swait.ge [sflag:s21], $0x2000  }
0x29: {  	[sflag:s21] =	ssyncset.done $0x0  }
0x2a: {  	[sflag:s21] =	ssyncadd.s32 $0xFFFFE000  }
0x2b: {  	[spmem:s2] =	stream.indirect.scatter.add.f32 [tilespmem:s15], [sflag:$0x6], $0x40, s13, s14, $0xb8;
	[tilespmem:$0x1E000] =	vst v63  }
0x2c: {  	s22 =	simm.s32 $0x200  }
0x2d: {  	[tilespmem:s23], [sflag:$0x5] =	stream.indirect.gather [hbm4b:s8+s14], $0x40, s22, s14, $0xb8;
	[tilespmem:$0x1E000] =	vst v63  }
0x2e: {  	_ =	swait.ge [sflag:s24], $0x2000  }
0x2f: {  	[sflag:s24] =	ssyncset.done $0x0  }
0x30: {  	s22 =	simm.s32 $0x5080;
	[sflag:s24] =	ssyncadd.s32 $0xFFFFE000  }
0x31: {  	[spmem:s2] =	stream.indirect.scatter.add.f32 [tilespmem:s16], [sflag:$0x7], $0x40, s22, s14, $0xb8;
	[tilespmem:$0x1E000] =	vst v63  }
0x32: {  	_ =	swait.ge [sflag:s26], $0x2000  }
0x33: {  	[sflag:s26] =	ssyncset.done $0x0  }
0x34: {  	s22 =	simm.s32 $0x280;
	[sflag:s26] =	ssyncadd.s32 $0xFFFFE000  }
0x35: {  	[tilespmem:s15], [sflag:$0x1] =	stream.indirect.gather [hbm4b:s8+s14], $0x40, s22, s14, $0xb8;
	[tilespmem:$0x1E000] =	vst v63  }
0x36: {  	_ =	swait.ge [sflag:s29], $0x2000  }
0x37: {  	[sflag:s29] =	ssyncset.done $0x0  }
0x38: {  	s22 =	simm.s32 $0x5100;
	[sflag:s29] =	ssyncadd.s32 $0xFFFFE000  }
0x39: {  	[spmem:s2] =	stream.indirect.scatter.add.f32 [tilespmem:s18], [sflag:$0x8], $0x40, s22, s14, $0xb8;
	[tilespmem:$0x1E000] =	vst v63  }
0x3a: {  	_ =	swait.ge [sflag:s31], $0x2000  }
0x3b: {  	[sflag:s31] =	ssyncset.done $0x0  }
0x3c: {  	s22 =	simm.s32 $0x300;
	[sflag:s31] =	ssyncadd.s32 $0xFFFFE000  }
0x3d: {  	[tilespmem:s16], [sflag:$0x2] =	stream.indirect.gather [hbm4b:s8+s14], $0x40, s22, s14, $0xb8;
	[tilespmem:$0x1E000] =	vst v63  }
0x3e: {  	_ =	swait.ge [sflag:s1], $0x2000  }
0x3f: {  	[sflag:s1] =	ssyncset.done $0x0  }
0x40: {  	s22 =	simm.s32 $0x5180;
	[sflag:s1] =	ssyncadd.s32 $0xFFFFE000  }
0x41: {  	[spmem:s2] =	stream.indirect.scatter.add.f32 [tilespmem:s20], [sflag:$0x9], $0x40, s22, s14, $0xb8;
	[tilespmem:$0x1E000] =	vst v63  }
0x42: {  	_ =	swait.ge [sflag:s19], $0x2000  }
0x43: {  	[sflag:s19] =	ssyncset.done $0x0  }
0x44: {  	s22 =	simm.s32 $0x380;
	[sflag:s19] =	ssyncadd.s32 $0xFFFFE000  }
0x45: {  	[tilespmem:s18], [sflag:$0x3] =	stream.indirect.gather [hbm4b:s8+s14], $0x40, s22, s14, $0xb8;
	[tilespmem:$0x1E000] =	vst v63  }
0x46: {  	_ =	swait.ge [sflag:s25], $0x2000  }
0x47: {  	[sflag:s25] =	ssyncset.done $0x0  }
0x48: {  	s22 =	simm.s32 $0x5200;
	[sflag:s25] =	ssyncadd.s32 $0xFFFFE000  }
0x49: {  	[spmem:s2] =	stream.indirect.scatter.add.f32 [tilespmem:s23], [sflag:$0xA], $0x40, s22, s14, $0xb8;
	[tilespmem:$0x1E000] =	vst v63  }
0x4a: {  	_ =	swait.ge [sflag:s30], $0x2000  }
0x4b: {  	[sflag:s30] =	ssyncset.done $0x0  }
0x4c: {  	s22 =	simm.s32 $0x400;
	[sflag:s30] =	ssyncadd.s32 $0xFFFFE000  }
0x4d: {  	[tilespmem:s20], [sflag:$0x4] =	stream.indirect.gather [hbm4b:s8+s14], $0x40, s22, s14, $0xb8;
	[tilespmem:$0x1E000] =	vst v63  }
0x4e: {  	_ =	swait.ge [sflag:s21], $0x2000  }
0x4f: {  	[sflag:s21] =	ssyncset.done $0x0  }
0x50: {  	s4 =	simm.s32 $0x5280;
	[sflag:s21] =	ssyncadd.s32 $0xFFFFE000  }
0x51: {  	[spmem:s2] =	stream.indirect.scatter.add.f32 [tilespmem:s15], [sflag:$0x6], $0x40, s4, s14, $0xb8;
	[tilespmem:$0x1E000] =	vst v63  }
0x52: {  	_ =	swait.ge [sflag:s0], $0x2000  }
0x53: {  	[sflag:s0] =	ssyncset.done $0x0  }
0x54: {  	s4 =	simm.s32 $0x480;
	[sflag:s0] =	ssyncadd.s32 $0xFFFFE000  }
0x55: {  	[tilespmem:s23], [sflag:$0x5] =	stream.indirect.gather [hbm4b:s8+s14], $0x40, s4, s14, $0xb8;
	[tilespmem:$0x1E000] =	vst v63  }
0x56: {  	_ =	swait.ge [sflag:s24], $0x2000  }
0x57: {  	[sflag:s24] =	ssyncset.done $0x0  }
0x58: {  	s4 =	simm.s32 $0x5300;
	[sflag:s24] =	ssyncadd.s32 $0xFFFFE000  }
0x59: {  	[spmem:s2] =	stream.indirect.scatter.add.f32 [tilespmem:s16], [sflag:$0x7], $0x40, s4, s14, $0xb8;
	[tilespmem:$0x1E000] =	vst v63  }
0x5a: {  	_ =	swait.ge [sflag:s26], $0x2000  }
0x5b: {  	[sflag:s26] =	ssyncset.done $0x0  }
0x5c: {  	s4 =	simm.s32 $0x500;
	[sflag:s26] =	ssyncadd.s32 $0xFFFFE000  }
0x5d: {  	[tilespmem:s15], [sflag:$0x1] =	stream.indirect.gather [hbm4b:s8+s14], $0x40, s4, s14, $0xb8;
	[tilespmem:$0x1E000] =	vst v63  }
0x5e: {  	_ =	swait.ge [sflag:s29], $0x2000  }
0x5f: {  	[sflag:s29] =	ssyncset.done $0x0  }
0x60: {  	s4 =	simm.s32 $0x5380;
	[sflag:s29] =	ssyncadd.s32 $0xFFFFE000  }
0x61: {  	[spmem:s2] =	stream.indirect.scatter.add.f32 [tilespmem:s18], [sflag:$0x8], $0x40, s4, s14, $0xb8;
	[tilespmem:$0x1E000] =	vst v63  }
0x62: {  	_ =	swait.ge [sflag:s31], $0x2000  }
0x63: {  	[sflag:s31] =	ssyncset.done $0x0  }
0x64: {  	s4 =	simm.s32 $0x580;
	[sflag:s31] =	ssyncadd.s32 $0xFFFFE000  }
0x65: {  	[tilespmem:s16], [sflag:$0x2] =	stream.indirect.gather [hbm4b:s8+s14], $0x40, s4, s14, $0xb8;
	[tilespmem:$0x1E000] =	vst v63  }
0x66: {  	_ =	swait.ge [sflag:s1], $0x2000  }
0x67: {  	[sflag:s1] =	ssyncset.done $0x0  }
0x68: {  	s4 =	simm.s32 $0x5400;
	[sflag:s1] =	ssyncadd.s32 $0xFFFFE000  }
0x69: {  	[spmem:s2] =	stream.indirect.scatter.add.f32 [tilespmem:s20], [sflag:$0x9], $0x40, s4, s14, $0xb8;
	[tilespmem:$0x1E000] =	vst v63  }
0x6a: {  	_ =	swait.ge [sflag:s19], $0x2000  }
0x6b: {  	[sflag:s19] =	ssyncset.done $0x0  }
0x6c: {  	s4 =	simm.s32 $0x600;
	[sflag:s19] =	ssyncadd.s32 $0xFFFFE000  }
0x6d: {  	[tilespmem:s18], [sflag:$0x3] =	stream.indirect.gather [hbm4b:s8+s14], $0x40, s4, s14, $0xb8;
	[tilespmem:$0x1E000] =	vst v63  }
0x6e: {  	_ =	swait.ge [sflag:s25], $0x2000  }
0x6f: {  	[sflag:s25] =	ssyncset.done $0x0  }
0x70: {  	s28 =	simm.s32 $0x5480;
	s22 =	simm.s32 $0xA00;
	[sflag:s25] =	ssyncadd.s32 $0xFFFFE000  }
.LBB2_2:
0x71: {  	[spmem:s2] =	stream.indirect.scatter.add.f32 [tilespmem:s23], [sflag:$0xA], $0x40, s28, s14, $0xb8;
	[tilespmem:$0x1E000] =	vst v63  }
0x72: {  	s28 =	smov.u32 s22;
	s22 =	sadd.s32 $0xA00, s22;
	_ =	swait.ge [sflag:s30], $0x2000  }
0x73: {  	s28 =	sshra.s32 s28, $0x2;
	p0 =	sne.s32 s22, $0x12C00;
	[sflag:s30] =	ssyncset.done $0x0  }
0x74: {  	s4 =	sadd.s32 $0x400, s28;
	[sflag:s30] =	ssyncadd.s32 $0xFFFFE000  }
0x75: {  	[tilespmem:s20], [sflag:$0x4] =	stream.indirect.gather [hbm4b:s8+s14], $0x40, s4, s14, $0xb8;
	[tilespmem:$0x1E000] =	vst v63  }
0x76: {  	_ =	swait.ge [sflag:s21], $0x2000  }
0x77: {  	[sflag:s21] =	ssyncset.done $0x0  }
0x78: {  	s4 =	sadd.s32 $0x5280, s28;
	[sflag:s21] =	ssyncadd.s32 $0xFFFFE000  }
0x79: {  	[spmem:s2] =	stream.indirect.scatter.add.f32 [tilespmem:s15], [sflag:$0x6], $0x40, s4, s14, $0xb8;
	[tilespmem:$0x1E000] =	vst v63  }
0x7a: {  	_ =	swait.ge [sflag:s0], $0x2000  }
0x7b: {  	[sflag:s0] =	ssyncset.done $0x0  }
0x7c: {  	s4 =	sadd.s32 $0x480, s28;
	[sflag:s0] =	ssyncadd.s32 $0xFFFFE000  }
0x7d: {  	[tilespmem:s23], [sflag:$0x5] =	stream.indirect.gather [hbm4b:s8+s14], $0x40, s4, s14, $0xb8;
	[tilespmem:$0x1E000] =	vst v63  }
0x7e: {  	_ =	swait.ge [sflag:s24], $0x2000  }
0x7f: {  	[sflag:s24] =	ssyncset.done $0x0  }
0x80: {  	s4 =	sadd.s32 $0x5300, s28;
	[sflag:s24] =	ssyncadd.s32 $0xFFFFE000  }
0x81: {  	[spmem:s2] =	stream.indirect.scatter.add.f32 [tilespmem:s16], [sflag:$0x7], $0x40, s4, s14, $0xb8;
	[tilespmem:$0x1E000] =	vst v63  }
0x82: {  	_ =	swait.ge [sflag:s26], $0x2000  }
0x83: {  	[sflag:s26] =	ssyncset.done $0x0  }
0x84: {  	s4 =	sadd.s32 $0x500, s28;
	[sflag:s26] =	ssyncadd.s32 $0xFFFFE000  }
0x85: {  	[tilespmem:s15], [sflag:$0x1] =	stream.indirect.gather [hbm4b:s8+s14], $0x40, s4, s14, $0xb8;
	[tilespmem:$0x1E000] =	vst v63  }
0x86: {  	_ =	swait.ge [sflag:s29], $0x2000  }
0x87: {  	[sflag:s29] =	ssyncset.done $0x0  }
0x88: {  	s4 =	sadd.s32 $0x5380, s28;
	[sflag:s29] =	ssyncadd.s32 $0xFFFFE000  }
0x89: {  	[spmem:s2] =	stream.indirect.scatter.add.f32 [tilespmem:s18], [sflag:$0x8], $0x40, s4, s14, $0xb8;
	[tilespmem:$0x1E000] =	vst v63  }
0x8a: {  	_ =	swait.ge [sflag:s31], $0x2000  }
0x8b: {  	[sflag:s31] =	ssyncset.done $0x0  }
0x8c: {  	s4 =	sadd.s32 $0x580, s28;
	[sflag:s31] =	ssyncadd.s32 $0xFFFFE000  }
0x8d: {  	[tilespmem:s16], [sflag:$0x2] =	stream.indirect.gather [hbm4b:s8+s14], $0x40, s4, s14, $0xb8;
	[tilespmem:$0x1E000] =	vst v63  }
0x8e: {  	_ =	swait.ge [sflag:s1], $0x2000  }
0x8f: {  	[sflag:s1] =	ssyncset.done $0x0  }
0x90: {  	s4 =	sadd.s32 $0x5400, s28;
	[sflag:s1] =	ssyncadd.s32 $0xFFFFE000  }
0x91: {  	[spmem:s2] =	stream.indirect.scatter.add.f32 [tilespmem:s20], [sflag:$0x9], $0x40, s4, s14, $0xb8;
	[tilespmem:$0x1E000] =	vst v63  }
0x92: {  	_ =	swait.ge [sflag:s19], $0x2000  }
0x93: {  	[sflag:s19] =	ssyncset.done $0x0  }
.Ltmp0:
0x94: {  	s4 =	sadd.s32 $0x600, s28;
	[sflag:s19] =	ssyncadd.s32 $0xFFFFE000;
	(pc) =	sbr.rel @p0 .LBB2_2-.Ltmp0, $4  }
0x95: {  	[tilespmem:s18], [sflag:$0x3] =	stream.indirect.gather [hbm4b:s8+s14], $0x40, s4, s14, $0xb8;
	[tilespmem:$0x1E000] =	vst v63  }
0x96: {  	_ =	swait.ge [sflag:s25], $0x2000  }
0x97: {  	[sflag:s25] =	ssyncset.done $0x0  }
0x98: {  	s28 =	sadd.s32 $0x5480, s28;
	[sflag:s25] =	ssyncadd.s32 $0xFFFFE000  }
0x99: {  	[spmem:s2] =	stream.indirect.scatter.add.f32 [tilespmem:s23], [sflag:$0xA], $0x40, s28, s14, $0xb8;
	[tilespmem:$0x1E000] =	vst v63  }
0x9a: {  	_ =	swait.ge [sflag:s30], $0x2000  }
0x9b: {  	s4 =	sshra.s32 s22, $0x2;
	[sflag:s30] =	ssyncset.done $0x0  }
0x9c: {  	s22 =	sadd.s32 $0x400, s4;
	[sflag:s30] =	ssyncadd.s32 $0xFFFFE000  }
0x9d: {  	[tilespmem:s20], [sflag:$0x4] =	stream.indirect.gather [hbm4b:s8+s14], $0x40, s22, s14, $0xb8;
	[tilespmem:$0x1E000] =	vst v63  }
0x9e: {  	_ =	swait.ge [sflag:s21], $0x2000  }
0x9f: {  	[sflag:s21] =	ssyncset.done $0x0  }
0xa0: {  	s28 =	sadd.s32 $0x5280, s4;
	[sflag:s21] =	ssyncadd.s32 $0xFFFFE000  }
0xa1: {  	[spmem:s2] =	stream.indirect.scatter.add.f32 [tilespmem:s15], [sflag:$0x6], $0x40, s28, s14, $0xb8;
	[tilespmem:$0x1E000] =	vst v63  }
0xa2: {  	_ =	swait.ge [sflag:s0], $0x2000  }
0xa3: {  	[sflag:s0] =	ssyncset.done $0x0  }
0xa4: {  	s28 =	sadd.s32 $0x480, s4;
	[sflag:s0] =	ssyncadd.s32 $0xFFFFE000  }
0xa5: {  	[tilespmem:s23], [sflag:$0x5] =	stream.indirect.gather [hbm4b:s8+s14], $0x40, s28, s14, $0xb8;
	[tilespmem:$0x1E000] =	vst v63  }
0xa6: {  	_ =	swait.ge [sflag:s24], $0x2000  }
0xa7: {  	[sflag:s24] =	ssyncset.done $0x0  }
0xa8: {  	s28 =	sadd.s32 $0x5300, s4;
	[sflag:s24] =	ssyncadd.s32 $0xFFFFE000  }
0xa9: {  	[spmem:s2] =	stream.indirect.scatter.add.f32 [tilespmem:s16], [sflag:$0x7], $0x40, s28, s14, $0xb8;
	[tilespmem:$0x1E000] =	vst v63  }
0xaa: {  	_ =	swait.ge [sflag:s26], $0x2000  }
0xab: {  	[sflag:s26] =	ssyncset.done $0x0  }
0xac: {  	[sflag:s26] =	ssyncadd.s32 $0xFFFFE000  }
0xad: {  	_ =	swait.ge [sflag:s29], $0x2000  }
0xae: {  	[sflag:s29] =	ssyncset.done $0x0  }
0xaf: {  	s28 =	sadd.s32 $0x5380, s4;
	[sflag:s29] =	ssyncadd.s32 $0xFFFFE000  }
0xb0: {  	[spmem:s2] =	stream.indirect.scatter.add.f32 [tilespmem:s18], [sflag:$0x8], $0x40, s28, s14, $0xb8;
	[tilespmem:$0x1E000] =	vst v63  }
0xb1: {  	_ =	swait.ge [sflag:s31], $0x2000  }
0xb2: {  	[sflag:s31] =	ssyncset.done $0x0  }
0xb3: {  	[sflag:s31] =	ssyncadd.s32 $0xFFFFE000  }
0xb4: {  	_ =	swait.ge [sflag:s1], $0x2000  }
0xb5: {  	[sflag:s1] =	ssyncset.done $0x0  }
0xb6: {  	s28 =	sadd.s32 $0x5400, s4;
	[sflag:s1] =	ssyncadd.s32 $0xFFFFE000  }
0xb7: {  	[spmem:s2] =	stream.indirect.scatter.add.f32 [tilespmem:s20], [sflag:$0x9], $0x40, s28, s14, $0xb8;
	[tilespmem:$0x1E000] =	vst v63  }
0xb8: {  	_ =	swait.ge [sflag:s19], $0x2000  }
0xb9: {  	[sflag:s19] =	ssyncset.done $0x0  }
0xba: {  	[sflag:s19] =	ssyncadd.s32 $0xFFFFE000  }
0xbb: {  	_ =	swait.ge [sflag:s25], $0x2000  }
0xbc: {  	[sflag:s25] =	ssyncset.done $0x0  }
0xbd: {  	s4 =	sadd.s32 $0x5480, s4;
	[sflag:s25] =	ssyncadd.s32 $0xFFFFE000  }
0xbe: {  	[spmem:s2] =	stream.indirect.scatter.add.f32 [tilespmem:s23], [sflag:$0xA], $0x40, s4, s14, $0xb8;
	[tilespmem:$0x1E000] =	vst v63  }
0xbf: {  	_ =	swait.ge [sflag:s30], $0x2000  }
0xc0: {  	[sflag:s30] =	ssyncset.done $0x0  }
0xc1: {  	[sflag:s30] =	ssyncadd.s32 $0xFFFFE000  }
0xc2: {  	_ =	swait.ge [sflag:s0], $0x2000  }
0xc3: {  	s17 =	sadd.s32 $0x1, s17;
	[sflag:s0] =	ssyncset.done $0x0  }
0xc4: {  	p0 =	sne.s32 s17, s10;
	[sflag:s0] =	ssyncadd.s32 $0xFFFFE000  }
.Ltmp1:
0xc5: {  	[bflag:$0x0] =	sbarrier.arrive $0xFFFF;
	(pc) =	sbr.rel @p0 .LBB2_1-.Ltmp1, $4  }
0xc6: {  	[hbm:s9], [sflag:s5] =	dma.local [spmem:s11], $0x1400  }
0xc7: {  	_ =	swait.ge [sflag:s12], $0x1400  }
0xc8: {  	[sflag:s12] =	ssyncset.done $0x0  }
0xc9: {  	[sflag:s12] =	ssyncadd.s32 $0xFFFFEC00  }
0xca: {  	_ =	sfence.sel $0x180000  }
0xcb: {  	[bflag:$0x0] =	sbarrier.arrive $0xFFFF  }
0xcc: {  	_ =	strace $0x9000004A  }
0xcd: {  	s0 =	stileid.u32;
	[bflag:$0x2] =	sbarrier.arrive $0xFFFF  }
0xce: {  	p0 =	sne.s32 s0, $0x0;
	s0 =	rddreg [dreg:$0x3]  }
0xcf: {  	s0 =	sadd.s32 @!p0 $0x100000, s0  }
0xd0: {  	[sflag:s0] =	ssyncadd.tile.s32 @!p0 $0x1;
	_ =	shalt  }
.Lfunc_end2:
_tile_overlayer_lowered:
.L_overlay_start_2:
0xd1: {  	(tag) =	ssettag $0x2  }
0xd2: {  	s0 =	rddreg [dreg:$0x0];
	s2 =	stileid.u32  }
0xd3: {  	s1 =	rddreg [dreg:$0x1];
	p0 =	sne.s32 s2, $0x0  }
0xd4: {  	s3 =	rddreg [dreg:$0x2];
	[bflag:$0x3] =	sbarrier.arrive $0xFFFF;
	s2 =	simm.s32 @!p0 $0x1C0B  }
0xd5: {  	[timem:s3], [sflag:s2] =	dma.local @!p0 [hbm:s0], s1  }
0xd6: {  	s0 =	simm.s32 @!p0 $0xB  }
0xd7: {  	_ =	swait.ge @!p0 [sflag:s0], s1  }
0xd8: {  	s1 =	ssub.s32 @!p0 $0x0, s1;
	[sflag:s0] =	ssyncset.done @!p0 $0x0  }
0xd9: {  	[sflag:s0] =	ssyncadd.s32 @!p0 s1  }
0xda: {  	[bflag:$0x3] =	sbarrier.arrive $0xFFFF  }
0xdb: {  	_ =	shalt  }

// kernel: kernel.14.cloned.1.call-start
scs
__scs_entry_jumppad:
0x0: {  	(pc) =	sbr.rel $0x88, $3  }
0x1: {  	(tag) =	ssettag $0x0;
	lr =	simm.s32 $0x1  }
0x2: {  	[smem:$0x3F9B] =	sst lr;
	_ =	strace $0xD0000000  }
0x3: {  	_ = 	snop  }
0x4: {  	_ = 	snop  }
0x5: {  	_ = 	snop  }
0x6: {  	_ = 	snop  }
0x7: {  	_ = 	snop  }
__scs_overlays_trampoline_lowered:
0x8: {  	[smem:$0x3FAA] =	sst s0  }
0x9: {  	[smem:$0x3FAB] =	sst s1  }
0xa: {  	[smem:$0x3FAC] =	sst s2  }
0xb: {  	[smem:$0x3FAD] =	sst s3  }
0xc: {  	[smem:$0x3FAE] =	sst s4  }
0xd: {  	[smem:$0x3FAF] =	sst s5  }
0xe: {  	[smem:$0x3FB0] =	sst s6  }
0xf: {  	[smem:$0x3FB1] =	sst s7  }
0x10: {  	[smem:$0x3FB2] =	sst s8  }
0x11: {  	[smem:$0x3FB3] =	sst s9;
	s0 =	simm.s32 @!p0 $0x0  }
0x12: {  	s1 =	sld [smem:$0x3F99];
	s0 =	simm.s32 @p0 $0x1  }
0x13: {  	[smem:$0x3FB4] =	sst s0;
	s0 =	simm.s32 @!p1 $0x0  }
0x14: {  	s2 =	sld [smem:$0x3F98];
	s0 =	simm.s32 @p1 $0x1  }
0x15: {  	[smem:$0x3FB5] =	sst s0;
	s0 =	simm.s32 @!p2 $0x0  }
0x16: {  	s3 =	sld [smem:$0x3FDB];
	s0 =	simm.s32 @p2 $0x1  }
0x17: {  	s4 =	simm.s32 $0x1BF5;
	[smem:$0x3FB7] =	sst s0  }
0x18: {  	s0 =	sld [smem:$0x3F9A];
	_ =	swait.ge [sflag:s4], $0x0  }
0x19: {  	s7 =	sld [smem:$0x3F9B]  }
0x1a: {  	s8 =	sadd.s32 $0xFFFFE003, lr  }
0x1b: {  	s9 =	sadd.s32 $0xFFFFFEF7, lr;
	s5 =	simm.s32 $0xFFFFFFFF;
	p2 =	slt.u32 s8, $0xFFFFF086  }
0x1c: {  	p1 =	slt.u32 s9, $0xF7A;
	s5 =	simm.s32 @!p2 $0x0  }
0x1d: {  	s5 =	simm.s32 @p1 $0x1;
	p0 =	seq.s32 s7, s2  }
0x1e: {  	s7 =	smul.u32 @!p0 $0xF7A, s2;
	p2 =	seq.s32 @!p0 s5, $0x0  }
0x1f: {  	s9 =	smul.u32 $0xF7A, s1;
	s8 =	simm.s32 @!p0 $0x1BF5;
	p2 =	por !p2, p0  }
0x20: {  	[sflag:s8] =	ssyncset.s32 @!p0 $0xFFFFF086;
	s6 =	sadd.s32 @!p0 s3, s7;
	s7 =	simm.s32 @!p0 $0x108  }
0x21: {  	s3 =	sadd.s32 s3, s9;
	s6 =	sadd.s32 @!p0 $0x88, s6;
	s7 =	simm.s32 @p2 $0x1082  }
0x22: {  	[simem:s7], [sflag:s8] =	dma.local @!p0 [hbm:s6], $0xF7A  }
0x23: {  	s9 =	sor.u32 $0xD0000000, s2;
	s6 =	simm.s32 $0x108;
	_ =	swait.ge @!p0 [sflag:s8], $0x0  }
0x24: {  	s3 =	sadd.s32 $0x88, s3;
	s6 =	simm.s32 @!p1 $0x1082;
	[sflag:s4] =	ssyncset.s32 $0xFFFFF086  }
0x25: {  	[simem:s6], [sflag:s4] =	dma.local [hbm:s3], $0xF7A  }
0x26: {  	[smem:$0x3F9B] =	sst s1;
	(tag) =	ssettag s2;
	_ =	strace s9  }
0x27: {  	s1 =	sld [smem:$0x3FAB]  }
0x28: {  	s2 =	sld [smem:$0x3FAC]  }
0x29: {  	s4 =	sld [smem:$0x3FAE]  }
0x2a: {  	p0 =	seq.s32 s5, $0x0;
	s5 =	sld [smem:$0x3FAF]  }
0x2b: {  	s6 =	sld [smem:$0x3FB0]  }
0x2c: {  	s7 =	sld [smem:$0x3FB1]  }
0x2d: {  	s3 =	simm.s32 $0x108;
	s8 =	sld [smem:$0x3FB2]  }
0x2e: {  	s3 =	simm.s32 @!p0 $0x1082;
	s9 =	sld [smem:$0x3FB3]  }
0x2f: {  	lr =	sadd.s32 s0, s3;
	s0 =	sld [smem:$0x3FAA]  }
0x30: {  	s3 =	sld [smem:$0x3FAD]  }
0x31: {  	[smem:$0x3FB6] =	sst s10  }
0x32: {  	s10 =	sld [smem:$0x3FB4];
	_ =	sdelay $0x3  }
0x33: {  	p0 =	seq.s32 s10, $0x1;
	s10 =	sld [smem:$0x3FB6];
	_ =	sdelay $0x3  }
0x34: {  	[smem:$0x3FB6] =	sst s10  }
0x35: {  	s10 =	sld [smem:$0x3FB5];
	_ =	sdelay $0x3  }
0x36: {  	p1 =	seq.s32 s10, $0x1;
	s10 =	sld [smem:$0x3FB6];
	_ =	sdelay $0x3  }
0x37: {  	[smem:$0x3FB6] =	sst s10  }
0x38: {  	s10 =	sld [smem:$0x3FB7]  }
0x39: {  	_ = 	snop;
	(pc) =	sbr.ind lr, $3  }
0x3a: {  	_ = 	snop  }
0x3b: {  	_ = 	snop  }
0x3c: {  	p2 =	seq.s32 s10, $0x1;
	s10 =	sld [smem:$0x3FB6]  }
0x3d: {  	_ =	shalt  }
0x3e: {  	_ =	shalt  }
0x3f: {  	_ =	shalt  }
0x40: {  	_ =	shalt  }
0x41: {  	_ =	shalt  }
0x42: {  	_ =	shalt  }
0x43: {  	_ =	shalt  }
0x44: {  	_ =	shalt  }
0x45: {  	_ =	shalt  }
0x46: {  	_ =	shalt  }
0x47: {  	_ =	shalt  }
0x48: {  	_ =	shalt  }
0x49: {  	_ =	shalt  }
0x4a: {  	_ =	shalt  }
0x4b: {  	_ =	shalt  }
0x4c: {  	_ =	shalt  }
0x4d: {  	_ =	shalt  }
0x4e: {  	_ =	shalt  }
0x4f: {  	_ =	shalt  }
0x50: {  	_ =	shalt  }
0x51: {  	_ =	shalt  }
0x52: {  	_ =	shalt  }
0x53: {  	_ =	shalt  }
0x54: {  	_ =	shalt  }
0x55: {  	_ =	shalt  }
0x56: {  	_ =	shalt  }
0x57: {  	_ =	shalt  }
0x58: {  	_ =	shalt  }
0x59: {  	_ =	shalt  }
0x5a: {  	_ =	shalt  }
0x5b: {  	_ =	shalt  }
0x5c: {  	_ =	shalt  }
0x5d: {  	_ =	shalt  }
0x5e: {  	_ =	shalt  }
0x5f: {  	_ =	shalt  }
0x60: {  	_ =	shalt  }
0x61: {  	_ =	shalt  }
0x62: {  	_ =	shalt  }
0x63: {  	_ =	shalt  }
0x64: {  	_ =	shalt  }
0x65: {  	_ =	shalt  }
0x66: {  	_ =	shalt  }
0x67: {  	_ =	shalt  }
0x68: {  	_ =	shalt  }
0x69: {  	_ =	shalt  }
0x6a: {  	_ =	shalt  }
0x6b: {  	_ =	shalt  }
0x6c: {  	_ =	shalt  }
0x6d: {  	_ =	shalt  }
0x6e: {  	_ =	shalt  }
0x6f: {  	_ =	shalt  }
0x70: {  	_ =	shalt  }
0x71: {  	_ =	shalt  }
0x72: {  	_ =	shalt  }
0x73: {  	_ =	shalt  }
0x74: {  	_ =	shalt  }
0x75: {  	_ =	shalt  }
0x76: {  	_ =	shalt  }
0x77: {  	_ =	shalt  }
0x78: {  	_ =	shalt  }
0x79: {  	_ =	shalt  }
0x7a: {  	_ =	shalt  }
0x7b: {  	_ =	shalt  }
0x7c: {  	_ =	shalt  }
0x7d: {  	_ =	shalt  }
0x7e: {  	_ =	shalt  }
0x7f: {  	_ =	shalt  }
0x80: {  	_ =	shalt  }
0x81: {  	_ =	shalt  }
0x82: {  	_ =	shalt  }
0x83: {  	_ =	shalt  }
0x84: {  	_ =	shalt  }
0x85: {  	_ =	shalt  }
0x86: {  	_ =	shalt  }
0x87: {  	_ =	shalt  }
.Lfunc_end0:
.L_simem_size_0:
called_computation.2_lowered:
.L_overlay_start_0:
0x88: {  	s2 =	sld [smem:$0x3FD9]  }
0x89: {  	s3 =	sld [smem:$0x3FFE];
	_ =	sdelay $0x1  }
0x8a: {  	s1 =	srdreg.scid  }
0x8b: {  	s0 =	sand.u32 $0x1, s1  }
0x8c: {  	s17 =	sshll.u32 s0, $0xA;
	s2 =	sadd.s32 s3, s2  }
0x8d: {  	s2 =	sadd.s32 s2, s17  }
0x8e: {  	[smem:$0x3FC2] =	sst s2  }
0x8f: {  	_ = 	snop  }
0x90: {  	s2 =	sld [smem:$0x3FD0];
	(tm) =	ssettm $0x1  }
0x91: {  	s18 =	sld [smem:$0x3FFB];
	_ =	sdelay $0x3  }
0x92: {  	_ =	strace s18  }
0x93: {  	s3 =	sld [smem:$0x3FFC];
	_ =	sdelay $0x3  }
0x94: {  	_ =	strace s3  }
0x95: {  	s3 =	sld [smem:$0x3FFD];
	_ =	sdelay $0x3  }
0x96: {  	_ =	strace s3  }
0x97: {  	_ =	strace $0x8FFFFFFF  }
0x98: {  	s19 =	sld [smem:$0x3FDB];
	_ =	sdelay $0x1  }
0x99: {  	s4 =	simm.s32 $_scs_section_size  }
0x9a: {  	s5 =	simm.s32 $_size__tile_overlayer_lowered;
	s6 =	simm.s32 $_tile_overlayer_lowered  }
0x9b: {  	s22 =	simm.s32 $0x1BFF;
	s21 =	sshll.u32 s6, $0x1;
	s3 =	sadd.s32 s4, s19  }
0x9c: {  	s7 =	simm.s32 $0x0;
	s20 =	sshll.u32 s5, $0x1;
	s5 =	sadd.s32 s21, s3  }
0x9d: {  	[timem:s7], [sflag:s22] =	dma.local [hbm:s5], s20  }
0x9e: {  	_ =	swait.ge [sflag:s22], s20  }
0x9f: {  	s4 =	ssub.s32 $0x0, s20;
	[sflag:s22] =	ssyncset.done $0x0  }
0xa0: {  	[sflag:s22] =	ssyncadd.s32 s4;
	_ =	sdelay $0x1  }
0xa1: {  	s23 =	simm.s32 $0x1B8B  }
0xa2: {  	_ =	swait.ge [sflag:s23], $0x1  }
0xa3: {  	[sflag:s23] =	ssyncset.done $0x0  }
0xa4: {  	s25 =	simm.s32 $0x1B8E;
	s24 =	sld [smem:$0x3FFE];
	[sflag:s23] =	ssyncadd.s32 $0xFFFFFFFF  }
0xa5: {  	s26 =	simm.s32 $execute0_lowered;
	[smem:$0x3FD2] =	sst s25  }
0xa6: {  	s5 =	sshll.u32 s26, $0x1;
	_ =	strace $0x8000004C;
	[dreg:$0x1] =	wrdreg $0xFFFFFFFF  }
0xa7: {  	s28 =	simm.s32 $_size_execute0_lowered;
	s3 =	sadd.s32 s3, s5;
	[dreg:$0x0] =	wrdreg $0x0  }
0xa8: {  	s5 =	sshll.u32 s28, $0x1;
	[dreg:$0x2] =	wrdreg s3  }
0xa9: {  	[dreg:$0x3] =	wrdreg s5  }
0xaa: {  	[dreg:$0x4] =	wrdreg $0xC0  }
0xab: {  	_ =	task [dreg:s7], $0x5FFFF  }
0xac: {  	[dreg:$0x1] =	wrdreg $0xFFFFFFFF  }
0xad: {  	[dreg:$0x0] =	wrdreg $0x60  }
0xae: {  	[dreg:$0x2] =	wrdreg s24  }
0xaf: {  	[dreg:$0x3] =	wrdreg s2  }
0xb0: {  	[dreg:$0x4] =	wrdreg $0x140000  }
0xb1: {  	[dreg:$0x5] =	wrdreg $0x9  }
0xb2: {  	_ =	task.clear_ibuf [dreg:s7], $0x6FFFF;
	_ =	strace $0x9000004C  }
0xb3: {  	s29 =	simm.s32 $0x9;
	_ =	strace $0x8000004E  }
0xb4: {  	_ =	swait.ge [sflag:s29], $0x1  }
0xb5: {  	[sflag:s29] =	ssyncadd.s32 $0xFFFFFFFF  }
0xb6: {  	_ =	strace $0x9000004E  }
0xb7: {  	_ =	sfence  }
0xb8: {  	s30 =	sld [smem:$0x0];
	_ =	sdelay $0x2  }
0xb9: {  	s31 =	sshll.u32 s1, $0xD;
	s1 =	sshrl.u32 s1, $0x2  }
0xba: {  	s3 =	sand.u32 $0x4000, s31;
	s1 =	sadd.s32 s1, s30  }
0xbb: {  	s0 =	sor.u32 s3, s0;
	s1 =	sshll.u32 s1, $0x11  }
0xbc: {  	s0 =	sor.u32 s1, s0  }
0xbd: {  	s0 =	sadd.s32 $0x8F2B, s0  }
0xbe: {  	[sflag:s0] =	ssyncadd.remote.s32 $0x1  }
0xbf: {  	_ =	sfence.sel $0xFFFF  }
0xc0: {  	[dreg:$0x0] =	wrdreg $0xFFFFFFFF;
	(pc) =	sbr.abs _section_cstart, $3  }
0xc1: {  	[dreg:$0x1] =	wrdreg $0xFFFFFFFF  }
0xc2: {  	_ =	task.clear_ibuf [dreg:s7], $0x2FFFF;
	_ =	strace $0x9FFFFFFF  }
0xc3: {  	(tm) =	ssettm $0x7FFFFFFF  }
tec
execute0_lowered:
.L_overlay_start_1:
0x0: {  	(tag) =	ssettag $0x1  }
0x1: {  	s0 =	rddreg [dreg:$0x0]  }
0x2: {  	s1 =	rddreg [dreg:$0x1];
	s3 =	srdreg.scid  }
0x3: {  	s2 =	rddreg [dreg:$0x2];
	s12 =	stileid.u32;
	s13 =	simm.s32 $0x5000  }
0x4: {  	s14 =	simm.s32 $0x80;
	s15 =	simm.s32 $0xA000;
	s16 =	simm.s32 $0xC000  }
0x5: {  	s18 =	simm.s32 $0xE000;
	s20 =	simm.s32 $0x10000;
	s21 =	simm.s32 $0x1  }
0x6: {  	s23 =	simm.s32 $0x12000;
	s29 =	simm.s32 $0x3;
	s31 =	simm.s32 $0x7  }
0x7: {  	s19 =	simm.s32 $0x8;
	s30 =	simm.s32 $0x9;
	s17 =	simm.s32 $0x0  }
0x8: {  	s4 =	sand.u32 $0x1, s3;
	s3 =	simm.s32 $0x0;
	s6 =	smul.u32 $0xA000, s12  }
0x9: {  	s8 =	smul.u32 $0xA00, s12;
	s25 =	sadd.s32 $0x1C00, s0;
	s28 =	sshll.u32 s12, $0x6  }
0xa: {  	s12 =	simm.s32 $0xB;
	s5 =	smul.u32 $0xA0000, s4;
	[smem:$0x7FF] =	sst s3  }
0xb: {  	s10 =	ssub.s32 $0x2, s4;
	_ =	strace $0x8000004D;
	s24 =	sadd.s32 s8, s0  }
0xc: {  	[dreg:$0x4] =	wrdreg s25;
	s26 =	sshrl.u32 s10, $0x1;
	s11 =	sadd.s32 s6, s2  }
0xd: {  	s25 =	simm.s32 $0x5;
	s7 =	sshrl.u32 s5, $0x3;
	s5 =	sadd.s32 s6, s5  }
0xe: {  	s10 =	ssub.s32 s10, s26;
	s6 =	sadd.s32 $0xC600, s24;
	s11 =	sshrl.u32 s11, $0x3  }
0xf: {  	s24 =	simm.s32 $0x2;
	s26 =	simm.s32 $0x6;
	s9 =	sadd.s32 s7, s0  }
0x10: {  	s5 =	sshrl.u32 s5, $0x3;
	s7 =	sadd.s32 s1, s8;
	s10 =	smax.u32 s10, $0x1  }
0x11: {  	s1 =	simm.s32 $0x4;
	s0 =	sadd.s32 s5, s0;
	s5 =	sor.u32 $0x1C0B, s28  }
0x12: {  	s8 =	sadd.s32 $0x16600, s9;
	s9 =	sadd.s32 $0x3E600, s0;
	s0 =	simm.s32 $0xA  }
.LBB2_1:
0x13: {  	s4 =	rddreg [dreg:$0x4]  }
0x14: {  	[spmem:s11], [sflag:s5] =	dma.local [hbm:s4], $0x1400  }
0x15: {  	_ =	swait.ge [sflag:s12], $0x1400  }
0x16: {  	[sflag:s12] =	ssyncset.done $0x0  }
0x17: {  	[sflag:s12] =	ssyncadd.s32 $0xFFFFEC00  }
0x18: {  	[tilespmem:s3], [sflag:$0xB] =	stream.linear.gather [hbm4b:s6+s3], $0x5000, $0x38;
	[tilespmem:$0x1E000] =	vst v63  }
0x19: {  	_ =	swait.ge [sflag:s12], $0x5000  }
0x1a: {  	[sflag:s12] =	ssyncset.done $0x0  }
0x1b: {  	[sflag:s12] =	ssyncadd.s32 $0xFFFFB000  }
0x1c: {  	[tilespmem:s13], [sflag:$0xB] =	stream.linear.gather [hbm4b:s7+s3], $0x5000, $0x38;
	[tilespmem:$0x1E000] =	vst v63  }
0x1d: {  	_ =	swait.ge [sflag:s12], $0x5000  }
0x1e: {  	[sflag:s12] =	ssyncset.done $0x0  }
0x1f: {  	[sflag:s12] =	ssyncadd.s32 $0xFFFFB000  }
0x20: {  	[bflag:$0x0] =	sbarrier.arrive $0xFFFF  }
0x21: {  	[tilespmem:s15], [sflag:$0x1] =	stream.indirect.gather [hbm4b:s8+s14], $0x40, s3, s14, $0xb8;
	[tilespmem:$0x1E000] =	vst v63  }
0x22: {  	_ = 	snop  }
0x23: {  	[tilespmem:s16], [sflag:$0x2] =	stream.indirect.gather [hbm4b:s8+s14], $0x40, s14, s14, $0xb8;
	[tilespmem:$0x1E000] =	vst v63  }
0x24: {  	s22 =	simm.s32 $0x100  }
0x25: {  	[tilespmem:s18], [sflag:$0x3] =	stream.indirect.gather [hbm4b:s8+s14], $0x40, s22, s14, $0xb8;
	[tilespmem:$0x1E000] =	vst v63  }
0x26: {  	s22 =	simm.s32 $0x180  }
0x27: {  	[tilespmem:s20], [sflag:$0x4] =	stream.indirect.gather [hbm4b:s8+s14], $0x40, s22, s14, $0xb8;
	[tilespmem:$0x1E000] =	vst v63  }
0x28: {  	_ =	swait.ge [sflag:s21], $0x2000  }
0x29: {  	[sflag:s21] =	ssyncset.done $0x0  }
0x2a: {  	[sflag:s21] =	ssyncadd.s32 $0xFFFFE000  }
0x2b: {  	[spmem:s2] =	stream.indirect.scatter.add.f32 [tilespmem:s15], [sflag:$0x6], $0x40, s13, s14, $0xb8;
	[tilespmem:$0x1E000] =	vst v63  }
0x2c: {  	s22 =	simm.s32 $0x200  }
0x2d: {  	[tilespmem:s23], [sflag:$0x5] =	stream.indirect.gather [hbm4b:s8+s14], $0x40, s22, s14, $0xb8;
	[tilespmem:$0x1E000] =	vst v63  }
0x2e: {  	_ =	swait.ge [sflag:s24], $0x2000  }
0x2f: {  	[sflag:s24] =	ssyncset.done $0x0  }
0x30: {  	s22 =	simm.s32 $0x5080;
	[sflag:s24] =	ssyncadd.s32 $0xFFFFE000  }
0x31: {  	[spmem:s2] =	stream.indirect.scatter.add.f32 [tilespmem:s16], [sflag:$0x7], $0x40, s22, s14, $0xb8;
	[tilespmem:$0x1E000] =	vst v63  }
0x32: {  	_ =	swait.ge [sflag:s26], $0x2000  }
0x33: {  	[sflag:s26] =	ssyncset.done $0x0  }
0x34: {  	s22 =	simm.s32 $0x280;
	[sflag:s26] =	ssyncadd.s32 $0xFFFFE000  }
0x35: {  	[tilespmem:s15], [sflag:$0x1] =	stream.indirect.gather [hbm4b:s8+s14], $0x40, s22, s14, $0xb8;
	[tilespmem:$0x1E000] =	vst v63  }
0x36: {  	_ =	swait.ge [sflag:s29], $0x2000  }
0x37: {  	[sflag:s29] =	ssyncset.done $0x0  }
0x38: {  	s22 =	simm.s32 $0x5100;
	[sflag:s29] =	ssyncadd.s32 $0xFFFFE000  }
0x39: {  	[spmem:s2] =	stream.indirect.scatter.add.f32 [tilespmem:s18], [sflag:$0x8], $0x40, s22, s14, $0xb8;
	[tilespmem:$0x1E000] =	vst v63  }
0x3a: {  	_ =	swait.ge [sflag:s31], $0x2000  }
0x3b: {  	[sflag:s31] =	ssyncset.done $0x0  }
0x3c: {  	s22 =	simm.s32 $0x300;
	[sflag:s31] =	ssyncadd.s32 $0xFFFFE000  }
0x3d: {  	[tilespmem:s16], [sflag:$0x2] =	stream.indirect.gather [hbm4b:s8+s14], $0x40, s22, s14, $0xb8;
	[tilespmem:$0x1E000] =	vst v63  }
0x3e: {  	_ =	swait.ge [sflag:s1], $0x2000  }
0x3f: {  	[sflag:s1] =	ssyncset.done $0x0  }
0x40: {  	s22 =	simm.s32 $0x5180;
	[sflag:s1] =	ssyncadd.s32 $0xFFFFE000  }
0x41: {  	[spmem:s2] =	stream.indirect.scatter.add.f32 [tilespmem:s20], [sflag:$0x9], $0x40, s22, s14, $0xb8;
	[tilespmem:$0x1E000] =	vst v63  }
0x42: {  	_ =	swait.ge [sflag:s19], $0x2000  }
0x43: {  	[sflag:s19] =	ssyncset.done $0x0  }
0x44: {  	s22 =	simm.s32 $0x380;
	[sflag:s19] =	ssyncadd.s32 $0xFFFFE000  }
0x45: {  	[tilespmem:s18], [sflag:$0x3] =	stream.indirect.gather [hbm4b:s8+s14], $0x40, s22, s14, $0xb8;
	[tilespmem:$0x1E000] =	vst v63  }
0x46: {  	_ =	swait.ge [sflag:s25], $0x2000  }
0x47: {  	[sflag:s25] =	ssyncset.done $0x0  }
0x48: {  	s22 =	simm.s32 $0x5200;
	[sflag:s25] =	ssyncadd.s32 $0xFFFFE000  }
0x49: {  	[spmem:s2] =	stream.indirect.scatter.add.f32 [tilespmem:s23], [sflag:$0xA], $0x40, s22, s14, $0xb8;
	[tilespmem:$0x1E000] =	vst v63  }
0x4a: {  	_ =	swait.ge [sflag:s30], $0x2000  }
0x4b: {  	[sflag:s30] =	ssyncset.done $0x0  }
0x4c: {  	s22 =	simm.s32 $0x400;
	[sflag:s30] =	ssyncadd.s32 $0xFFFFE000  }
0x4d: {  	[tilespmem:s20], [sflag:$0x4] =	stream.indirect.gather [hbm4b:s8+s14], $0x40, s22, s14, $0xb8;
	[tilespmem:$0x1E000] =	vst v63  }
0x4e: {  	_ =	swait.ge [sflag:s21], $0x2000  }
0x4f: {  	[sflag:s21] =	ssyncset.done $0x0  }
0x50: {  	s4 =	simm.s32 $0x5280;
	[sflag:s21] =	ssyncadd.s32 $0xFFFFE000  }
0x51: {  	[spmem:s2] =	stream.indirect.scatter.add.f32 [tilespmem:s15], [sflag:$0x6], $0x40, s4, s14, $0xb8;
	[tilespmem:$0x1E000] =	vst v63  }
0x52: {  	_ =	swait.ge [sflag:s0], $0x2000  }
0x53: {  	[sflag:s0] =	ssyncset.done $0x0  }
0x54: {  	s4 =	simm.s32 $0x480;
	[sflag:s0] =	ssyncadd.s32 $0xFFFFE000  }
0x55: {  	[tilespmem:s23], [sflag:$0x5] =	stream.indirect.gather [hbm4b:s8+s14], $0x40, s4, s14, $0xb8;
	[tilespmem:$0x1E000] =	vst v63  }
0x56: {  	_ =	swait.ge [sflag:s24], $0x2000  }
0x57: {  	[sflag:s24] =	ssyncset.done $0x0  }
0x58: {  	s4 =	simm.s32 $0x5300;
	[sflag:s24] =	ssyncadd.s32 $0xFFFFE000  }
0x59: {  	[spmem:s2] =	stream.indirect.scatter.add.f32 [tilespmem:s16], [sflag:$0x7], $0x40, s4, s14, $0xb8;
	[tilespmem:$0x1E000] =	vst v63  }
0x5a: {  	_ =	swait.ge [sflag:s26], $0x2000  }
0x5b: {  	[sflag:s26] =	ssyncset.done $0x0  }
0x5c: {  	s4 =	simm.s32 $0x500;
	[sflag:s26] =	ssyncadd.s32 $0xFFFFE000  }
0x5d: {  	[tilespmem:s15], [sflag:$0x1] =	stream.indirect.gather [hbm4b:s8+s14], $0x40, s4, s14, $0xb8;
	[tilespmem:$0x1E000] =	vst v63  }
0x5e: {  	_ =	swait.ge [sflag:s29], $0x2000  }
0x5f: {  	[sflag:s29] =	ssyncset.done $0x0  }
0x60: {  	s4 =	simm.s32 $0x5380;
	[sflag:s29] =	ssyncadd.s32 $0xFFFFE000  }
0x61: {  	[spmem:s2] =	stream.indirect.scatter.add.f32 [tilespmem:s18], [sflag:$0x8], $0x40, s4, s14, $0xb8;
	[tilespmem:$0x1E000] =	vst v63  }
0x62: {  	_ =	swait.ge [sflag:s31], $0x2000  }
0x63: {  	[sflag:s31] =	ssyncset.done $0x0  }
0x64: {  	s4 =	simm.s32 $0x580;
	[sflag:s31] =	ssyncadd.s32 $0xFFFFE000  }
0x65: {  	[tilespmem:s16], [sflag:$0x2] =	stream.indirect.gather [hbm4b:s8+s14], $0x40, s4, s14, $0xb8;
	[tilespmem:$0x1E000] =	vst v63  }
0x66: {  	_ =	swait.ge [sflag:s1], $0x2000  }
0x67: {  	[sflag:s1] =	ssyncset.done $0x0  }
0x68: {  	s4 =	simm.s32 $0x5400;
	[sflag:s1] =	ssyncadd.s32 $0xFFFFE000  }
0x69: {  	[spmem:s2] =	stream.indirect.scatter.add.f32 [tilespmem:s20], [sflag:$0x9], $0x40, s4, s14, $0xb8;
	[tilespmem:$0x1E000] =	vst v63  }
0x6a: {  	_ =	swait.ge [sflag:s19], $0x2000  }
0x6b: {  	[sflag:s19] =	ssyncset.done $0x0  }
0x6c: {  	s4 =	simm.s32 $0x600;
	[sflag:s19] =	ssyncadd.s32 $0xFFFFE000  }
0x6d: {  	[tilespmem:s18], [sflag:$0x3] =	stream.indirect.gather [hbm4b:s8+s14], $0x40, s4, s14, $0xb8;
	[tilespmem:$0x1E000] =	vst v63  }
0x6e: {  	_ =	swait.ge [sflag:s25], $0x2000  }
0x6f: {  	[sflag:s25] =	ssyncset.done $0x0  }
0x70: {  	s28 =	simm.s32 $0x5480;
	s22 =	simm.s32 $0xA00;
	[sflag:s25] =	ssyncadd.s32 $0xFFFFE000  }
.LBB2_2:
0x71: {  	[spmem:s2] =	stream.indirect.scatter.add.f32 [tilespmem:s23], [sflag:$0xA], $0x40, s28, s14, $0xb8;
	[tilespmem:$0x1E000] =	vst v63  }
0x72: {  	s28 =	smov.u32 s22;
	s22 =	sadd.s32 $0xA00, s22;
	_ =	swait.ge [sflag:s30], $0x2000  }
0x73: {  	s28 =	sshra.s32 s28, $0x2;
	p0 =	sne.s32 s22, $0x12C00;
	[sflag:s30] =	ssyncset.done $0x0  }
0x74: {  	s4 =	sadd.s32 $0x400, s28;
	[sflag:s30] =	ssyncadd.s32 $0xFFFFE000  }
0x75: {  	[tilespmem:s20], [sflag:$0x4] =	stream.indirect.gather [hbm4b:s8+s14], $0x40, s4, s14, $0xb8;
	[tilespmem:$0x1E000] =	vst v63  }
0x76: {  	_ =	swait.ge [sflag:s21], $0x2000  }
0x77: {  	[sflag:s21] =	ssyncset.done $0x0  }
0x78: {  	s4 =	sadd.s32 $0x5280, s28;
	[sflag:s21] =	ssyncadd.s32 $0xFFFFE000  }
0x79: {  	[spmem:s2] =	stream.indirect.scatter.add.f32 [tilespmem:s15], [sflag:$0x6], $0x40, s4, s14, $0xb8;
	[tilespmem:$0x1E000] =	vst v63  }
0x7a: {  	_ =	swait.ge [sflag:s0], $0x2000  }
0x7b: {  	[sflag:s0] =	ssyncset.done $0x0  }
0x7c: {  	s4 =	sadd.s32 $0x480, s28;
	[sflag:s0] =	ssyncadd.s32 $0xFFFFE000  }
0x7d: {  	[tilespmem:s23], [sflag:$0x5] =	stream.indirect.gather [hbm4b:s8+s14], $0x40, s4, s14, $0xb8;
	[tilespmem:$0x1E000] =	vst v63  }
0x7e: {  	_ =	swait.ge [sflag:s24], $0x2000  }
0x7f: {  	[sflag:s24] =	ssyncset.done $0x0  }
0x80: {  	s4 =	sadd.s32 $0x5300, s28;
	[sflag:s24] =	ssyncadd.s32 $0xFFFFE000  }
0x81: {  	[spmem:s2] =	stream.indirect.scatter.add.f32 [tilespmem:s16], [sflag:$0x7], $0x40, s4, s14, $0xb8;
	[tilespmem:$0x1E000] =	vst v63  }
0x82: {  	_ =	swait.ge [sflag:s26], $0x2000  }
0x83: {  	[sflag:s26] =	ssyncset.done $0x0  }
0x84: {  	s4 =	sadd.s32 $0x500, s28;
	[sflag:s26] =	ssyncadd.s32 $0xFFFFE000  }
0x85: {  	[tilespmem:s15], [sflag:$0x1] =	stream.indirect.gather [hbm4b:s8+s14], $0x40, s4, s14, $0xb8;
	[tilespmem:$0x1E000] =	vst v63  }
0x86: {  	_ =	swait.ge [sflag:s29], $0x2000  }
0x87: {  	[sflag:s29] =	ssyncset.done $0x0  }
0x88: {  	s4 =	sadd.s32 $0x5380, s28;
	[sflag:s29] =	ssyncadd.s32 $0xFFFFE000  }
0x89: {  	[spmem:s2] =	stream.indirect.scatter.add.f32 [tilespmem:s18], [sflag:$0x8], $0x40, s4, s14, $0xb8;
	[tilespmem:$0x1E000] =	vst v63  }
0x8a: {  	_ =	swait.ge [sflag:s31], $0x2000  }
0x8b: {  	[sflag:s31] =	ssyncset.done $0x0  }
0x8c: {  	s4 =	sadd.s32 $0x580, s28;
	[sflag:s31] =	ssyncadd.s32 $0xFFFFE000  }
0x8d: {  	[tilespmem:s16], [sflag:$0x2] =	stream.indirect.gather [hbm4b:s8+s14], $0x40, s4, s14, $0xb8;
	[tilespmem:$0x1E000] =	vst v63  }
0x8e: {  	_ =	swait.ge [sflag:s1], $0x2000  }
0x8f: {  	[sflag:s1] =	ssyncset.done $0x0  }
0x90: {  	s4 =	sadd.s32 $0x5400, s28;
	[sflag:s1] =	ssyncadd.s32 $0xFFFFE000  }
0x91: {  	[spmem:s2] =	stream.indirect.scatter.add.f32 [tilespmem:s20], [sflag:$0x9], $0x40, s4, s14, $0xb8;
	[tilespmem:$0x1E000] =	vst v63  }
0x92: {  	_ =	swait.ge [sflag:s19], $0x2000  }
0x93: {  	[sflag:s19] =	ssyncset.done $0x0  }
.Ltmp0:
0x94: {  	s4 =	sadd.s32 $0x600, s28;
	[sflag:s19] =	ssyncadd.s32 $0xFFFFE000;
	(pc) =	sbr.rel @p0 .LBB2_2-.Ltmp0, $4  }
0x95: {  	[tilespmem:s18], [sflag:$0x3] =	stream.indirect.gather [hbm4b:s8+s14], $0x40, s4, s14, $0xb8;
	[tilespmem:$0x1E000] =	vst v63  }
0x96: {  	_ =	swait.ge [sflag:s25], $0x2000  }
0x97: {  	[sflag:s25] =	ssyncset.done $0x0  }
0x98: {  	s28 =	sadd.s32 $0x5480, s28;
	[sflag:s25] =	ssyncadd.s32 $0xFFFFE000  }
0x99: {  	[spmem:s2] =	stream.indirect.scatter.add.f32 [tilespmem:s23], [sflag:$0xA], $0x40, s28, s14, $0xb8;
	[tilespmem:$0x1E000] =	vst v63  }
0x9a: {  	_ =	swait.ge [sflag:s30], $0x2000  }
0x9b: {  	s4 =	sshra.s32 s22, $0x2;
	[sflag:s30] =	ssyncset.done $0x0  }
0x9c: {  	s22 =	sadd.s32 $0x400, s4;
	[sflag:s30] =	ssyncadd.s32 $0xFFFFE000  }
0x9d: {  	[tilespmem:s20], [sflag:$0x4] =	stream.indirect.gather [hbm4b:s8+s14], $0x40, s22, s14, $0xb8;
	[tilespmem:$0x1E000] =	vst v63  }
0x9e: {  	_ =	swait.ge [sflag:s21], $0x2000  }
0x9f: {  	[sflag:s21] =	ssyncset.done $0x0  }
0xa0: {  	s28 =	sadd.s32 $0x5280, s4;
	[sflag:s21] =	ssyncadd.s32 $0xFFFFE000  }
0xa1: {  	[spmem:s2] =	stream.indirect.scatter.add.f32 [tilespmem:s15], [sflag:$0x6], $0x40, s28, s14, $0xb8;
	[tilespmem:$0x1E000] =	vst v63  }
0xa2: {  	_ =	swait.ge [sflag:s0], $0x2000  }
0xa3: {  	[sflag:s0] =	ssyncset.done $0x0  }
0xa4: {  	s28 =	sadd.s32 $0x480, s4;
	[sflag:s0] =	ssyncadd.s32 $0xFFFFE000  }
0xa5: {  	[tilespmem:s23], [sflag:$0x5] =	stream.indirect.gather [hbm4b:s8+s14], $0x40, s28, s14, $0xb8;
	[tilespmem:$0x1E000] =	vst v63  }
0xa6: {  	_ =	swait.ge [sflag:s24], $0x2000  }
0xa7: {  	[sflag:s24] =	ssyncset.done $0x0  }
0xa8: {  	s28 =	sadd.s32 $0x5300, s4;
	[sflag:s24] =	ssyncadd.s32 $0xFFFFE000  }
0xa9: {  	[spmem:s2] =	stream.indirect.scatter.add.f32 [tilespmem:s16], [sflag:$0x7], $0x40, s28, s14, $0xb8;
	[tilespmem:$0x1E000] =	vst v63  }
0xaa: {  	_ =	swait.ge [sflag:s26], $0x2000  }
0xab: {  	[sflag:s26] =	ssyncset.done $0x0  }
0xac: {  	[sflag:s26] =	ssyncadd.s32 $0xFFFFE000  }
0xad: {  	_ =	swait.ge [sflag:s29], $0x2000  }
0xae: {  	[sflag:s29] =	ssyncset.done $0x0  }
0xaf: {  	s28 =	sadd.s32 $0x5380, s4;
	[sflag:s29] =	ssyncadd.s32 $0xFFFFE000  }
0xb0: {  	[spmem:s2] =	stream.indirect.scatter.add.f32 [tilespmem:s18], [sflag:$0x8], $0x40, s28, s14, $0xb8;
	[tilespmem:$0x1E000] =	vst v63  }
0xb1: {  	_ =	swait.ge [sflag:s31], $0x2000  }
0xb2: {  	[sflag:s31] =	ssyncset.done $0x0  }
0xb3: {  	[sflag:s31] =	ssyncadd.s32 $0xFFFFE000  }
0xb4: {  	_ =	swait.ge [sflag:s1], $0x2000  }
0xb5: {  	[sflag:s1] =	ssyncset.done $0x0  }
0xb6: {  	s28 =	sadd.s32 $0x5400, s4;
	[sflag:s1] =	ssyncadd.s32 $0xFFFFE000  }
0xb7: {  	[spmem:s2] =	stream.indirect.scatter.add.f32 [tilespmem:s20], [sflag:$0x9], $0x40, s28, s14, $0xb8;
	[tilespmem:$0x1E000] =	vst v63  }
0xb8: {  	_ =	swait.ge [sflag:s19], $0x2000  }
0xb9: {  	[sflag:s19] =	ssyncset.done $0x0  }
0xba: {  	[sflag:s19] =	ssyncadd.s32 $0xFFFFE000  }
0xbb: {  	_ =	swait.ge [sflag:s25], $0x2000  }
0xbc: {  	[sflag:s25] =	ssyncset.done $0x0  }
0xbd: {  	s4 =	sadd.s32 $0x5480, s4;
	[sflag:s25] =	ssyncadd.s32 $0xFFFFE000  }
0xbe: {  	[spmem:s2] =	stream.indirect.scatter.add.f32 [tilespmem:s23], [sflag:$0xA], $0x40, s4, s14, $0xb8;
	[tilespmem:$0x1E000] =	vst v63  }
0xbf: {  	_ =	swait.ge [sflag:s30], $0x2000  }
0xc0: {  	[sflag:s30] =	ssyncset.done $0x0  }
0xc1: {  	[sflag:s30] =	ssyncadd.s32 $0xFFFFE000  }
0xc2: {  	_ =	swait.ge [sflag:s0], $0x2000  }
0xc3: {  	s17 =	sadd.s32 $0x1, s17;
	[sflag:s0] =	ssyncset.done $0x0  }
0xc4: {  	p0 =	sne.s32 s17, s10;
	[sflag:s0] =	ssyncadd.s32 $0xFFFFE000  }
.Ltmp1:
0xc5: {  	[bflag:$0x0] =	sbarrier.arrive $0xFFFF;
	(pc) =	sbr.rel @p0 .LBB2_1-.Ltmp1, $4  }
0xc6: {  	[hbm:s9], [sflag:s5] =	dma.local [spmem:s11], $0x1400  }
0xc7: {  	_ =	swait.ge [sflag:s12], $0x1400  }
0xc8: {  	[sflag:s12] =	ssyncset.done $0x0  }
0xc9: {  	[sflag:s12] =	ssyncadd.s32 $0xFFFFEC00  }
0xca: {  	_ =	sfence.sel $0x180000  }
0xcb: {  	[bflag:$0x0] =	sbarrier.arrive $0xFFFF  }
0xcc: {  	_ =	strace $0x9000004D  }
0xcd: {  	s0 =	stileid.u32;
	[bflag:$0x2] =	sbarrier.arrive $0xFFFF  }
0xce: {  	p0 =	sne.s32 s0, $0x0;
	s0 =	rddreg [dreg:$0x3]  }
0xcf: {  	s0 =	sadd.s32 @!p0 $0x100000, s0  }
0xd0: {  	[sflag:s0] =	ssyncadd.tile.s32 @!p0 $0x1;
	_ =	shalt  }
.Lfunc_end2:
_tile_overlayer_lowered:
.L_overlay_start_2:
0xd1: {  	(tag) =	ssettag $0x2  }
0xd2: {  	s0 =	rddreg [dreg:$0x0];
	s2 =	stileid.u32  }
0xd3: {  	s1 =	rddreg [dreg:$0x1];
	p0 =	sne.s32 s2, $0x0  }
0xd4: {  	s3 =	rddreg [dreg:$0x2];
	[bflag:$0x3] =	sbarrier.arrive $0xFFFF;
	s2 =	simm.s32 @!p0 $0x1C0B  }
0xd5: {  	[timem:s3], [sflag:s2] =	dma.local @!p0 [hbm:s0], s1  }
0xd6: {  	s0 =	simm.s32 @!p0 $0xB  }
0xd7: {  	_ =	swait.ge @!p0 [sflag:s0], s1  }
0xd8: {  	s1 =	ssub.s32 @!p0 $0x0, s1;
	[sflag:s0] =	ssyncset.done @!p0 $0x0  }
0xd9: {  	[sflag:s0] =	ssyncadd.s32 @!p0 s1  }
0xda: {  	[bflag:$0x3] =	sbarrier.arrive $0xFFFF  }
0xdb: {  	_ =	shalt  }

// kernel: kernel.8.cloned.1.call-start
scs
__scs_entry_jumppad:
0x0: {  	(pc) =	sbr.rel $0x88, $3  }
0x1: {  	(tag) =	ssettag $0x0;
	lr =	simm.s32 $0x1  }
0x2: {  	[smem:$0x3F9B] =	sst lr;
	_ =	strace $0xD0000000  }
0x3: {  	_ = 	snop  }
0x4: {  	_ = 	snop  }
0x5: {  	_ = 	snop  }
0x6: {  	_ = 	snop  }
0x7: {  	_ = 	snop  }
__scs_overlays_trampoline_lowered:
0x8: {  	[smem:$0x3FAA] =	sst s0  }
0x9: {  	[smem:$0x3FAB] =	sst s1  }
0xa: {  	[smem:$0x3FAC] =	sst s2  }
0xb: {  	[smem:$0x3FAD] =	sst s3  }
0xc: {  	[smem:$0x3FAE] =	sst s4  }
0xd: {  	[smem:$0x3FAF] =	sst s5  }
0xe: {  	[smem:$0x3FB0] =	sst s6  }
0xf: {  	[smem:$0x3FB1] =	sst s7  }
0x10: {  	[smem:$0x3FB2] =	sst s8  }
0x11: {  	[smem:$0x3FB3] =	sst s9;
	s0 =	simm.s32 @!p0 $0x0  }
0x12: {  	s1 =	sld [smem:$0x3F99];
	s0 =	simm.s32 @p0 $0x1  }
0x13: {  	[smem:$0x3FB4] =	sst s0;
	s0 =	simm.s32 @!p1 $0x0  }
0x14: {  	s2 =	sld [smem:$0x3F98];
	s0 =	simm.s32 @p1 $0x1  }
0x15: {  	[smem:$0x3FB5] =	sst s0;
	s0 =	simm.s32 @!p2 $0x0  }
0x16: {  	s3 =	sld [smem:$0x3FDB];
	s0 =	simm.s32 @p2 $0x1  }
0x17: {  	s4 =	simm.s32 $0x1BF5;
	[smem:$0x3FB7] =	sst s0  }
0x18: {  	s0 =	sld [smem:$0x3F9A];
	_ =	swait.ge [sflag:s4], $0x0  }
0x19: {  	s7 =	sld [smem:$0x3F9B]  }
0x1a: {  	s8 =	sadd.s32 $0xFFFFE003, lr  }
0x1b: {  	s9 =	sadd.s32 $0xFFFFFEF7, lr;
	s5 =	simm.s32 $0xFFFFFFFF;
	p2 =	slt.u32 s8, $0xFFFFF086  }
0x1c: {  	p1 =	slt.u32 s9, $0xF7A;
	s5 =	simm.s32 @!p2 $0x0  }
0x1d: {  	s5 =	simm.s32 @p1 $0x1;
	p0 =	seq.s32 s7, s2  }
0x1e: {  	s7 =	smul.u32 @!p0 $0xF7A, s2;
	p2 =	seq.s32 @!p0 s5, $0x0  }
0x1f: {  	s9 =	smul.u32 $0xF7A, s1;
	s8 =	simm.s32 @!p0 $0x1BF5;
	p2 =	por !p2, p0  }
0x20: {  	[sflag:s8] =	ssyncset.s32 @!p0 $0xFFFFF086;
	s6 =	sadd.s32 @!p0 s3, s7;
	s7 =	simm.s32 @!p0 $0x108  }
0x21: {  	s3 =	sadd.s32 s3, s9;
	s6 =	sadd.s32 @!p0 $0x88, s6;
	s7 =	simm.s32 @p2 $0x1082  }
0x22: {  	[simem:s7], [sflag:s8] =	dma.local @!p0 [hbm:s6], $0xF7A  }
0x23: {  	s9 =	sor.u32 $0xD0000000, s2;
	s6 =	simm.s32 $0x108;
	_ =	swait.ge @!p0 [sflag:s8], $0x0  }
0x24: {  	s3 =	sadd.s32 $0x88, s3;
	s6 =	simm.s32 @!p1 $0x1082;
	[sflag:s4] =	ssyncset.s32 $0xFFFFF086  }
0x25: {  	[simem:s6], [sflag:s4] =	dma.local [hbm:s3], $0xF7A  }
0x26: {  	[smem:$0x3F9B] =	sst s1;
	(tag) =	ssettag s2;
	_ =	strace s9  }
0x27: {  	s1 =	sld [smem:$0x3FAB]  }
0x28: {  	s2 =	sld [smem:$0x3FAC]  }
0x29: {  	s4 =	sld [smem:$0x3FAE]  }
0x2a: {  	p0 =	seq.s32 s5, $0x0;
	s5 =	sld [smem:$0x3FAF]  }
0x2b: {  	s6 =	sld [smem:$0x3FB0]  }
0x2c: {  	s7 =	sld [smem:$0x3FB1]  }
0x2d: {  	s3 =	simm.s32 $0x108;
	s8 =	sld [smem:$0x3FB2]  }
0x2e: {  	s3 =	simm.s32 @!p0 $0x1082;
	s9 =	sld [smem:$0x3FB3]  }
0x2f: {  	lr =	sadd.s32 s0, s3;
	s0 =	sld [smem:$0x3FAA]  }
0x30: {  	s3 =	sld [smem:$0x3FAD]  }
0x31: {  	[smem:$0x3FB6] =	sst s10  }
0x32: {  	s10 =	sld [smem:$0x3FB4];
	_ =	sdelay $0x3  }
0x33: {  	p0 =	seq.s32 s10, $0x1;
	s10 =	sld [smem:$0x3FB6];
	_ =	sdelay $0x3  }
0x34: {  	[smem:$0x3FB6] =	sst s10  }
0x35: {  	s10 =	sld [smem:$0x3FB5];
	_ =	sdelay $0x3  }
0x36: {  	p1 =	seq.s32 s10, $0x1;
	s10 =	sld [smem:$0x3FB6];
	_ =	sdelay $0x3  }
0x37: {  	[smem:$0x3FB6] =	sst s10  }
0x38: {  	s10 =	sld [smem:$0x3FB7]  }
0x39: {  	_ = 	snop;
	(pc) =	sbr.ind lr, $3  }
0x3a: {  	_ = 	snop  }
0x3b: {  	_ = 	snop  }
0x3c: {  	p2 =	seq.s32 s10, $0x1;
	s10 =	sld [smem:$0x3FB6]  }
0x3d: {  	_ =	shalt  }
0x3e: {  	_ =	shalt  }
0x3f: {  	_ =	shalt  }
0x40: {  	_ =	shalt  }
0x41: {  	_ =	shalt  }
0x42: {  	_ =	shalt  }
0x43: {  	_ =	shalt  }
0x44: {  	_ =	shalt  }
0x45: {  	_ =	shalt  }
0x46: {  	_ =	shalt  }
0x47: {  	_ =	shalt  }
0x48: {  	_ =	shalt  }
0x49: {  	_ =	shalt  }
0x4a: {  	_ =	shalt  }
0x4b: {  	_ =	shalt  }
0x4c: {  	_ =	shalt  }
0x4d: {  	_ =	shalt  }
0x4e: {  	_ =	shalt  }
0x4f: {  	_ =	shalt  }
0x50: {  	_ =	shalt  }
0x51: {  	_ =	shalt  }
0x52: {  	_ =	shalt  }
0x53: {  	_ =	shalt  }
0x54: {  	_ =	shalt  }
0x55: {  	_ =	shalt  }
0x56: {  	_ =	shalt  }
0x57: {  	_ =	shalt  }
0x58: {  	_ =	shalt  }
0x59: {  	_ =	shalt  }
0x5a: {  	_ =	shalt  }
0x5b: {  	_ =	shalt  }
0x5c: {  	_ =	shalt  }
0x5d: {  	_ =	shalt  }
0x5e: {  	_ =	shalt  }
0x5f: {  	_ =	shalt  }
0x60: {  	_ =	shalt  }
0x61: {  	_ =	shalt  }
0x62: {  	_ =	shalt  }
0x63: {  	_ =	shalt  }
0x64: {  	_ =	shalt  }
0x65: {  	_ =	shalt  }
0x66: {  	_ =	shalt  }
0x67: {  	_ =	shalt  }
0x68: {  	_ =	shalt  }
0x69: {  	_ =	shalt  }
0x6a: {  	_ =	shalt  }
0x6b: {  	_ =	shalt  }
0x6c: {  	_ =	shalt  }
0x6d: {  	_ =	shalt  }
0x6e: {  	_ =	shalt  }
0x6f: {  	_ =	shalt  }
0x70: {  	_ =	shalt  }
0x71: {  	_ =	shalt  }
0x72: {  	_ =	shalt  }
0x73: {  	_ =	shalt  }
0x74: {  	_ =	shalt  }
0x75: {  	_ =	shalt  }
0x76: {  	_ =	shalt  }
0x77: {  	_ =	shalt  }
0x78: {  	_ =	shalt  }
0x79: {  	_ =	shalt  }
0x7a: {  	_ =	shalt  }
0x7b: {  	_ =	shalt  }
0x7c: {  	_ =	shalt  }
0x7d: {  	_ =	shalt  }
0x7e: {  	_ =	shalt  }
0x7f: {  	_ =	shalt  }
0x80: {  	_ =	shalt  }
0x81: {  	_ =	shalt  }
0x82: {  	_ =	shalt  }
0x83: {  	_ =	shalt  }
0x84: {  	_ =	shalt  }
0x85: {  	_ =	shalt  }
0x86: {  	_ =	shalt  }
0x87: {  	_ =	shalt  }
.Lfunc_end0:
.L_simem_size_0:
called_computation_lowered:
.L_overlay_start_0:
0x88: {  	s2 =	sld [smem:$0x3FD9]  }
0x89: {  	s3 =	sld [smem:$0x3FFE];
	_ =	sdelay $0x1  }
0x8a: {  	s1 =	srdreg.scid  }
0x8b: {  	s0 =	sand.u32 $0x1, s1  }
0x8c: {  	s17 =	sshll.u32 s0, $0xA;
	s2 =	sadd.s32 s3, s2  }
0x8d: {  	s2 =	sadd.s32 s2, s17  }
0x8e: {  	[smem:$0x3FC2] =	sst s2  }
0x8f: {  	_ = 	snop  }
0x90: {  	s2 =	sld [smem:$0x3FD0];
	(tm) =	ssettm $0x1  }
0x91: {  	s18 =	sld [smem:$0x3FFB];
	_ =	sdelay $0x3  }
0x92: {  	_ =	strace s18  }
0x93: {  	s3 =	sld [smem:$0x3FFC];
	_ =	sdelay $0x3  }
0x94: {  	_ =	strace s3  }
0x95: {  	s3 =	sld [smem:$0x3FFD];
	_ =	sdelay $0x3  }
0x96: {  	_ =	strace s3  }
0x97: {  	_ =	strace $0x8FFFFFFF  }
0x98: {  	s19 =	sld [smem:$0x3FDB];
	_ =	sdelay $0x1  }
0x99: {  	s4 =	simm.s32 $_scs_section_size  }
0x9a: {  	s5 =	simm.s32 $_size__tile_overlayer_lowered;
	s6 =	simm.s32 $_tile_overlayer_lowered  }
0x9b: {  	s22 =	simm.s32 $0x1BFF;
	s21 =	sshll.u32 s6, $0x1;
	s3 =	sadd.s32 s4, s19  }
0x9c: {  	s7 =	simm.s32 $0x0;
	s20 =	sshll.u32 s5, $0x1;
	s5 =	sadd.s32 s21, s3  }
0x9d: {  	[timem:s7], [sflag:s22] =	dma.local [hbm:s5], s20  }
0x9e: {  	_ =	swait.ge [sflag:s22], s20  }
0x9f: {  	s4 =	ssub.s32 $0x0, s20;
	[sflag:s22] =	ssyncset.done $0x0  }
0xa0: {  	[sflag:s22] =	ssyncadd.s32 s4;
	_ =	sdelay $0x1  }
0xa1: {  	s23 =	simm.s32 $0x1B8B  }
0xa2: {  	_ =	swait.ge [sflag:s23], $0x1  }
0xa3: {  	[sflag:s23] =	ssyncset.done $0x0  }
0xa4: {  	s25 =	simm.s32 $0x1B8E;
	s24 =	sld [smem:$0x3FFE];
	[sflag:s23] =	ssyncadd.s32 $0xFFFFFFFF  }
0xa5: {  	s26 =	simm.s32 $execute0_lowered;
	[smem:$0x3FD2] =	sst s25  }
0xa6: {  	s5 =	sshll.u32 s26, $0x1;
	_ =	strace $0x80000046;
	[dreg:$0x1] =	wrdreg $0xFFFFFFFF  }
0xa7: {  	s28 =	simm.s32 $_size_execute0_lowered;
	s3 =	sadd.s32 s3, s5;
	[dreg:$0x0] =	wrdreg $0x0  }
0xa8: {  	s5 =	sshll.u32 s28, $0x1;
	[dreg:$0x2] =	wrdreg s3  }
0xa9: {  	[dreg:$0x3] =	wrdreg s5  }
0xaa: {  	[dreg:$0x4] =	wrdreg $0xC0  }
0xab: {  	_ =	task [dreg:s7], $0x5FFFF  }
0xac: {  	[dreg:$0x1] =	wrdreg $0xFFFFFFFF  }
0xad: {  	[dreg:$0x0] =	wrdreg $0x60  }
0xae: {  	[dreg:$0x2] =	wrdreg s2  }
0xaf: {  	[dreg:$0x3] =	wrdreg s24  }
0xb0: {  	[dreg:$0x4] =	wrdreg $0x48000  }
0xb1: {  	[dreg:$0x5] =	wrdreg $0x9  }
0xb2: {  	_ =	task.clear_ibuf [dreg:s7], $0x6FFFF;
	_ =	strace $0x90000046  }
0xb3: {  	s29 =	simm.s32 $0x9;
	_ =	strace $0x80000048  }
0xb4: {  	_ =	swait.ge [sflag:s29], $0x1  }
0xb5: {  	[sflag:s29] =	ssyncadd.s32 $0xFFFFFFFF  }
0xb6: {  	_ =	strace $0x90000048  }
0xb7: {  	_ =	sfence  }
0xb8: {  	s30 =	sld [smem:$0x0];
	_ =	sdelay $0x2  }
0xb9: {  	s31 =	sshll.u32 s1, $0xD;
	s1 =	sshrl.u32 s1, $0x2  }
0xba: {  	s3 =	sand.u32 $0x4000, s31;
	s1 =	sadd.s32 s1, s30  }
0xbb: {  	s0 =	sor.u32 s3, s0;
	s1 =	sshll.u32 s1, $0x11  }
0xbc: {  	s0 =	sor.u32 s1, s0  }
0xbd: {  	s0 =	sadd.s32 $0x8F2B, s0  }
0xbe: {  	[sflag:s0] =	ssyncadd.remote.s32 $0x1  }
0xbf: {  	_ =	sfence.sel $0xFFFF  }
0xc0: {  	[dreg:$0x0] =	wrdreg $0xFFFFFFFF;
	(pc) =	sbr.abs _section_cstart, $3  }
0xc1: {  	[dreg:$0x1] =	wrdreg $0xFFFFFFFF  }
0xc2: {  	_ =	task.clear_ibuf [dreg:s7], $0x2FFFF;
	_ =	strace $0x9FFFFFFF  }
0xc3: {  	(tm) =	ssettm $0x7FFFFFFF  }
tec
execute0_lowered:
.L_overlay_start_1:
0x0: {  	(tag) =	ssettag $0x1  }
0x1: {  	s4 =	rddreg [dreg:$0x0]  }
0x2: {  	s5 =	rddreg [dreg:$0x1]  }
0x3: {  	s2 =	rddreg [dreg:$0x2];
	s0 =	srdreg.scid  }
0x4: {  	s1 =	stileid.u32;
	s3 =	simm.s32 $0x0;
	s0 =	sand.u32 $0x1, s0  }
0x5: {  	s6 =	smul.u32 $0x2800, s1;
	[smem:$0x7FF] =	sst s3;
	s8 =	sadd.s32 $0x2000, s5  }
0x6: {  	s9 =	sshll.u32 s1, $0x1;
	s22 =	sadd.s32 $0x1C00, s5;
	s7 =	smul.u32 $0x28000, s0  }
0x7: {  	_ =	strace $0x80000047;
	[dreg:$0x4] =	wrdreg s8;
	s21 =	sor.u32 s0, s9  }
0x8: {  	[dreg:$0x5] =	wrdreg s22;
	s8 =	smul.u32 $0x500, s21;
	s7 =	sadd.s32 s6, s7  }
0x9: {  	s23 =	sshll.u32 s1, $0x6;
	s24 =	rddreg [dreg:$0x4];
	s7 =	sshrl.u32 s7, $0x3  }
0xa: {  	s6 =	sadd.s32 s6, s2;
	s8 =	sadd.s32 s4, s8;
	s5 =	sadd.s32 s7, s5  }
0xb: {  	s4 =	sor.u32 $0x1C05, s23;
	[dreg:$0x6] =	wrdreg s8;
	s5 =	sadd.s32 $0x2600, s5  }
0xc: {  	s6 =	sshrl.u32 s6, $0x3;
	[dreg:$0x7] =	wrdreg s5;
	s5 =	simm.s32 $0x5  }
0xd: {  	[spmem:s6], [sflag:s4] =	dma.local [hbm:s24], $0x500  }
0xe: {  	_ =	swait.ge [sflag:s5], $0x500  }
0xf: {  	[sflag:s5] =	ssyncset.done $0x0  }
0x10: {  	s7 =	simm.s32 $0x2800;
	s25 =	rddreg [dreg:$0x5];
	[sflag:s5] =	ssyncadd.s32 $0xFFFFFB00  }
0x11: {  	[tilespmem:s7], [sflag:$0x5] =	stream.linear.gather [hbm4b:s25+s3], $0x2000, $0x38;
	[tilespmem:$0x7000] =	vst v63  }
0x12: {  	_ =	swait.ge [sflag:s5], $0x2000  }
0x13: {  	[sflag:s5] =	ssyncset.done $0x0  }
0x14: {  	s26 =	rddreg [dreg:$0x6];
	[sflag:s5] =	ssyncadd.s32 $0xFFFFE000  }
0x15: {  	[tilespmem:s3], [sflag:$0x5] =	stream.linear.gather [hbm4b:s26+s3], $0x2800, $0x38;
	[tilespmem:$0x7000] =	vst v63  }
0x16: {  	_ =	swait.ge [sflag:s5], $0x2800  }
0x17: {  	[sflag:s5] =	ssyncset.done $0x0  }
0x18: {  	[sflag:s5] =	ssyncadd.s32 $0xFFFFD800  }
0x19: {  	s8 =	simm.s32 $0x200;
	[bflag:$0x0] =	sbarrier.arrive $0xFFFF  }
0x1a: {  	[spmem:s2] =	stream.indirect.scatter.add.f32 [tilespmem:s7], [sflag:$0x1], $0x10, s3, s8, $0xb8;
	[tilespmem:$0x7000] =	vst v63  }
0x1b: {  	_ = 	snop  }
0x1c: {  	[spmem:s2] =	stream.indirect.scatter.add.f32 [tilespmem:s7], [sflag:$0x2], $0x10, s8, s8, $0xb8;
	[tilespmem:$0x7000] =	vst v63  }
0x1d: {  	s9 =	simm.s32 $0x400  }
0x1e: {  	[spmem:s2] =	stream.indirect.scatter.add.f32 [tilespmem:s7], [sflag:$0x3], $0x10, s9, s8, $0xb8;
	[tilespmem:$0x7000] =	vst v63  }
0x1f: {  	s10 =	simm.s32 $0x600;
	s11 =	simm.s32 $0x1  }
0x20: {  	[spmem:s2] =	stream.indirect.scatter.add.f32 [tilespmem:s7], [sflag:$0x4], $0x10, s10, s8, $0xb8;
	[tilespmem:$0x7000] =	vst v63  }
0x21: {  	_ =	swait.ge [sflag:s11], $0x2000  }
0x22: {  	[sflag:s11] =	ssyncset.done $0x0  }
0x23: {  	s12 =	simm.s32 $0x800;
	s13 =	simm.s32 $0x2;
	[sflag:s11] =	ssyncadd.s32 $0xFFFFE000  }
0x24: {  	[spmem:s2] =	stream.indirect.scatter.add.f32 [tilespmem:s7], [sflag:$0x1], $0x10, s12, s8, $0xb8;
	[tilespmem:$0x7000] =	vst v63  }
0x25: {  	_ =	swait.ge [sflag:s13], $0x2000  }
0x26: {  	[sflag:s13] =	ssyncset.done $0x0  }
0x27: {  	s14 =	simm.s32 $0xA00;
	s15 =	simm.s32 $0x3;
	[sflag:s13] =	ssyncadd.s32 $0xFFFFE000  }
0x28: {  	[spmem:s2] =	stream.indirect.scatter.add.f32 [tilespmem:s7], [sflag:$0x2], $0x10, s14, s8, $0xb8;
	[tilespmem:$0x7000] =	vst v63  }
0x29: {  	_ =	swait.ge [sflag:s15], $0x2000  }
0x2a: {  	[sflag:s15] =	ssyncset.done $0x0  }
0x2b: {  	s16 =	simm.s32 $0xC00;
	s17 =	simm.s32 $0x4;
	[sflag:s15] =	ssyncadd.s32 $0xFFFFE000  }
0x2c: {  	[spmem:s2] =	stream.indirect.scatter.add.f32 [tilespmem:s7], [sflag:$0x3], $0x10, s16, s8, $0xb8;
	[tilespmem:$0x7000] =	vst v63  }
0x2d: {  	_ =	swait.ge [sflag:s17], $0x2000  }
0x2e: {  	[sflag:s17] =	ssyncset.done $0x0  }
0x2f: {  	s18 =	simm.s32 $0xE00;
	[sflag:s17] =	ssyncadd.s32 $0xFFFFE000  }
0x30: {  	[spmem:s2] =	stream.indirect.scatter.add.f32 [tilespmem:s7], [sflag:$0x4], $0x10, s18, s8, $0xb8;
	[tilespmem:$0x7000] =	vst v63  }
0x31: {  	_ =	swait.ge [sflag:s11], $0x2000  }
0x32: {  	[sflag:s11] =	ssyncset.done $0x0  }
0x33: {  	s19 =	simm.s32 $0x1000;
	[sflag:s11] =	ssyncadd.s32 $0xFFFFE000  }
0x34: {  	[spmem:s2] =	stream.indirect.scatter.add.f32 [tilespmem:s7], [sflag:$0x1], $0x10, s19, s8, $0xb8;
	[tilespmem:$0x7000] =	vst v63  }
0x35: {  	_ =	swait.ge [sflag:s13], $0x2000  }
0x36: {  	[sflag:s13] =	ssyncset.done $0x0  }
0x37: {  	s20 =	simm.s32 $0x1200;
	[sflag:s13] =	ssyncadd.s32 $0xFFFFE000  }
0x38: {  	[spmem:s2] =	stream.indirect.scatter.add.f32 [tilespmem:s7], [sflag:$0x2], $0x10, s20, s8, $0xb8;
	[tilespmem:$0x7000] =	vst v63  }
0x39: {  	_ =	swait.ge [sflag:s15], $0x2000  }
0x3a: {  	[sflag:s15] =	ssyncset.done $0x0  }
0x3b: {  	s21 =	simm.s32 $0x1400;
	[sflag:s15] =	ssyncadd.s32 $0xFFFFE000  }
0x3c: {  	[spmem:s2] =	stream.indirect.scatter.add.f32 [tilespmem:s7], [sflag:$0x3], $0x10, s21, s8, $0xb8;
	[tilespmem:$0x7000] =	vst v63  }
0x3d: {  	_ =	swait.ge [sflag:s17], $0x2000  }
0x3e: {  	[sflag:s17] =	ssyncset.done $0x0  }
0x3f: {  	s22 =	simm.s32 $0x1600;
	[sflag:s17] =	ssyncadd.s32 $0xFFFFE000  }
0x40: {  	[spmem:s2] =	stream.indirect.scatter.add.f32 [tilespmem:s7], [sflag:$0x4], $0x10, s22, s8, $0xb8;
	[tilespmem:$0x7000] =	vst v63  }
0x41: {  	_ =	swait.ge [sflag:s11], $0x2000  }
0x42: {  	[sflag:s11] =	ssyncset.done $0x0  }
0x43: {  	s23 =	simm.s32 $0x1800;
	[sflag:s11] =	ssyncadd.s32 $0xFFFFE000  }
0x44: {  	[spmem:s2] =	stream.indirect.scatter.add.f32 [tilespmem:s7], [sflag:$0x1], $0x10, s23, s8, $0xb8;
	[tilespmem:$0x7000] =	vst v63  }
0x45: {  	_ =	swait.ge [sflag:s13], $0x2000  }
0x46: {  	[sflag:s13] =	ssyncset.done $0x0  }
0x47: {  	s24 =	simm.s32 $0x1A00;
	[sflag:s13] =	ssyncadd.s32 $0xFFFFE000  }
0x48: {  	[spmem:s2] =	stream.indirect.scatter.add.f32 [tilespmem:s7], [sflag:$0x2], $0x10, s24, s8, $0xb8;
	[tilespmem:$0x7000] =	vst v63  }
0x49: {  	_ =	swait.ge [sflag:s15], $0x2000  }
0x4a: {  	[sflag:s15] =	ssyncset.done $0x0  }
0x4b: {  	s25 =	simm.s32 $0x1C00;
	[sflag:s15] =	ssyncadd.s32 $0xFFFFE000  }
0x4c: {  	[spmem:s2] =	stream.indirect.scatter.add.f32 [tilespmem:s7], [sflag:$0x3], $0x10, s25, s8, $0xb8;
	[tilespmem:$0x7000] =	vst v63  }
0x4d: {  	_ =	swait.ge [sflag:s17], $0x2000  }
0x4e: {  	[sflag:s17] =	ssyncset.done $0x0  }
0x4f: {  	s26 =	simm.s32 $0x1E00;
	[sflag:s17] =	ssyncadd.s32 $0xFFFFE000  }
0x50: {  	[spmem:s2] =	stream.indirect.scatter.add.f32 [tilespmem:s7], [sflag:$0x4], $0x10, s26, s8, $0xb8;
	[tilespmem:$0x7000] =	vst v63  }
0x51: {  	_ =	swait.ge [sflag:s11], $0x2000  }
0x52: {  	[sflag:s11] =	ssyncset.done $0x0  }
0x53: {  	s28 =	simm.s32 $0x2000;
	[sflag:s11] =	ssyncadd.s32 $0xFFFFE000  }
0x54: {  	[spmem:s2] =	stream.indirect.scatter.add.f32 [tilespmem:s7], [sflag:$0x1], $0x10, s28, s8, $0xb8;
	[tilespmem:$0x7000] =	vst v63  }
0x55: {  	_ =	swait.ge [sflag:s13], $0x2000  }
0x56: {  	[sflag:s13] =	ssyncset.done $0x0  }
0x57: {  	s29 =	simm.s32 $0x2200;
	[sflag:s13] =	ssyncadd.s32 $0xFFFFE000  }
0x58: {  	[spmem:s2] =	stream.indirect.scatter.add.f32 [tilespmem:s7], [sflag:$0x2], $0x10, s29, s8, $0xb8;
	[tilespmem:$0x7000] =	vst v63  }
0x59: {  	_ =	swait.ge [sflag:s15], $0x2000  }
0x5a: {  	[sflag:s15] =	ssyncset.done $0x0  }
0x5b: {  	s30 =	simm.s32 $0x2400;
	[sflag:s15] =	ssyncadd.s32 $0xFFFFE000  }
0x5c: {  	[spmem:s2] =	stream.indirect.scatter.add.f32 [tilespmem:s7], [sflag:$0x3], $0x10, s30, s8, $0xb8;
	[tilespmem:$0x7000] =	vst v63  }
0x5d: {  	_ =	swait.ge [sflag:s17], $0x2000  }
0x5e: {  	[sflag:s17] =	ssyncset.done $0x0  }
0x5f: {  	s31 =	simm.s32 $0x2600;
	[sflag:s17] =	ssyncadd.s32 $0xFFFFE000  }
0x60: {  	[spmem:s2] =	stream.indirect.scatter.add.f32 [tilespmem:s7], [sflag:$0x4], $0x10, s31, s8, $0xb8;
	[tilespmem:$0x7000] =	vst v63  }
0x61: {  	_ =	swait.ge [sflag:s11], $0x2000  }
0x62: {  	[sflag:s11] =	ssyncset.done $0x0  }
0x63: {  	[sflag:s11] =	ssyncadd.s32 $0xFFFFE000  }
0x64: {  	_ =	swait.ge [sflag:s13], $0x2000  }
0x65: {  	[sflag:s13] =	ssyncset.done $0x0  }
0x66: {  	[sflag:s13] =	ssyncadd.s32 $0xFFFFE000  }
0x67: {  	_ =	swait.ge [sflag:s15], $0x2000  }
0x68: {  	[sflag:s15] =	ssyncset.done $0x0  }
0x69: {  	[sflag:s15] =	ssyncadd.s32 $0xFFFFE000  }
0x6a: {  	_ =	swait.ge [sflag:s17], $0x2000  }
0x6b: {  	[sflag:s17] =	ssyncset.done $0x0  }
0x6c: {  	[sflag:s17] =	ssyncadd.s32 $0xFFFFE000  }
0x6d: {  	[bflag:$0x0] =	sbarrier.arrive $0xFFFF  }
0x6e: {  	s0 =	ssub.s32 $0x2, s0;
	s1 =	rddreg [dreg:$0x7]  }
0x6f: {  	[dreg:$0x8] =	wrdreg s1;
	s1 =	sshrl.u32 s0, $0x1  }
0x70: {  	s0 =	ssub.s32 s0, s1  }
0x71: {  	s0 =	smax.u32 s0, $0x1  }
0x72: {  	p0 =	sne.s32 s0, $0x1  }
.Ltmp0:
0x73: {  	_ = 	snop;
	(pc) =	sbr.rel @!p0 .LBB2_2-.Ltmp0, $4  }
0x74: {  	_ = 	snop  }
0x75: {  	s1 =	rddreg [dreg:$0x8]  }
0x76: {  	[hbm:s1], [sflag:s4] =	dma.local [spmem:s6], $0x500  }
0x77: {  	s0 =	sadd.s32 $0xFFFFFFFF, s0;
	_ =	swait.ge [sflag:s5], $0x500  }
.LBB2_1:
0x78: {  	[sflag:s5] =	ssyncset.done $0x0  }
0x79: {  	s1 =	rddreg [dreg:$0x4];
	[sflag:s5] =	ssyncadd.s32 $0xFFFFFB00  }
0x7a: {  	[spmem:s6], [sflag:s4] =	dma.local [hbm:s1], $0x500  }
0x7b: {  	_ =	swait.ge [sflag:s5], $0x500  }
0x7c: {  	[sflag:s5] =	ssyncset.done $0x0  }
0x7d: {  	s1 =	rddreg [dreg:$0x5];
	[sflag:s5] =	ssyncadd.s32 $0xFFFFFB00  }
0x7e: {  	[tilespmem:s7], [sflag:$0x5] =	stream.linear.gather [hbm4b:s1+s3], $0x2000, $0x38;
	[tilespmem:$0x7000] =	vst v63  }
0x7f: {  	_ =	swait.ge [sflag:s5], $0x2000  }
0x80: {  	[sflag:s5] =	ssyncset.done $0x0  }
0x81: {  	s1 =	rddreg [dreg:$0x6];
	[sflag:s5] =	ssyncadd.s32 $0xFFFFE000  }
0x82: {  	[tilespmem:s3], [sflag:$0x5] =	stream.linear.gather [hbm4b:s1+s3], $0x2800, $0x38;
	[tilespmem:$0x7000] =	vst v63  }
0x83: {  	_ =	swait.ge [sflag:s5], $0x2800  }
0x84: {  	[sflag:s5] =	ssyncset.done $0x0  }
0x85: {  	[sflag:s5] =	ssyncadd.s32 $0xFFFFD800  }
0x86: {  	[bflag:$0x0] =	sbarrier.arrive $0xFFFF  }
0x87: {  	[spmem:s2] =	stream.indirect.scatter.add.f32 [tilespmem:s7], [sflag:$0x1], $0x10, s3, s8, $0xb8;
	[tilespmem:$0x7000] =	vst v63  }
0x88: {  	_ = 	snop  }
0x89: {  	[spmem:s2] =	stream.indirect.scatter.add.f32 [tilespmem:s7], [sflag:$0x2], $0x10, s8, s8, $0xb8;
	[tilespmem:$0x7000] =	vst v63  }
0x8a: {  	_ = 	snop  }
0x8b: {  	[spmem:s2] =	stream.indirect.scatter.add.f32 [tilespmem:s7], [sflag:$0x3], $0x10, s9, s8, $0xb8;
	[tilespmem:$0x7000] =	vst v63  }
0x8c: {  	_ = 	snop  }
0x8d: {  	[spmem:s2] =	stream.indirect.scatter.add.f32 [tilespmem:s7], [sflag:$0x4], $0x10, s10, s8, $0xb8;
	[tilespmem:$0x7000] =	vst v63  }
0x8e: {  	_ =	swait.ge [sflag:s11], $0x2000  }
0x8f: {  	[sflag:s11] =	ssyncset.done $0x0  }
0x90: {  	[sflag:s11] =	ssyncadd.s32 $0xFFFFE000  }
0x91: {  	[spmem:s2] =	stream.indirect.scatter.add.f32 [tilespmem:s7], [sflag:$0x1], $0x10, s12, s8, $0xb8;
	[tilespmem:$0x7000] =	vst v63  }
0x92: {  	_ =	swait.ge [sflag:s13], $0x2000  }
0x93: {  	[sflag:s13] =	ssyncset.done $0x0  }
0x94: {  	[sflag:s13] =	ssyncadd.s32 $0xFFFFE000  }
0x95: {  	[spmem:s2] =	stream.indirect.scatter.add.f32 [tilespmem:s7], [sflag:$0x2], $0x10, s14, s8, $0xb8;
	[tilespmem:$0x7000] =	vst v63  }
0x96: {  	_ =	swait.ge [sflag:s15], $0x2000  }
0x97: {  	[sflag:s15] =	ssyncset.done $0x0  }
0x98: {  	[sflag:s15] =	ssyncadd.s32 $0xFFFFE000  }
0x99: {  	[spmem:s2] =	stream.indirect.scatter.add.f32 [tilespmem:s7], [sflag:$0x3], $0x10, s16, s8, $0xb8;
	[tilespmem:$0x7000] =	vst v63  }
0x9a: {  	_ =	swait.ge [sflag:s17], $0x2000  }
0x9b: {  	[sflag:s17] =	ssyncset.done $0x0  }
0x9c: {  	[sflag:s17] =	ssyncadd.s32 $0xFFFFE000  }
0x9d: {  	[spmem:s2] =	stream.indirect.scatter.add.f32 [tilespmem:s7], [sflag:$0x4], $0x10, s18, s8, $0xb8;
	[tilespmem:$0x7000] =	vst v63  }
0x9e: {  	_ =	swait.ge [sflag:s11], $0x2000  }
0x9f: {  	[sflag:s11] =	ssyncset.done $0x0  }
0xa0: {  	[sflag:s11] =	ssyncadd.s32 $0xFFFFE000  }
0xa1: {  	[spmem:s2] =	stream.indirect.scatter.add.f32 [tilespmem:s7], [sflag:$0x1], $0x10, s19, s8, $0xb8;
	[tilespmem:$0x7000] =	vst v63  }
0xa2: {  	_ =	swait.ge [sflag:s13], $0x2000  }
0xa3: {  	[sflag:s13] =	ssyncset.done $0x0  }
0xa4: {  	[sflag:s13] =	ssyncadd.s32 $0xFFFFE000  }
0xa5: {  	[spmem:s2] =	stream.indirect.scatter.add.f32 [tilespmem:s7], [sflag:$0x2], $0x10, s20, s8, $0xb8;
	[tilespmem:$0x7000] =	vst v63  }
0xa6: {  	_ =	swait.ge [sflag:s15], $0x2000  }
0xa7: {  	[sflag:s15] =	ssyncset.done $0x0  }
0xa8: {  	[sflag:s15] =	ssyncadd.s32 $0xFFFFE000  }
0xa9: {  	[spmem:s2] =	stream.indirect.scatter.add.f32 [tilespmem:s7], [sflag:$0x3], $0x10, s21, s8, $0xb8;
	[tilespmem:$0x7000] =	vst v63  }
0xaa: {  	_ =	swait.ge [sflag:s17], $0x2000  }
0xab: {  	[sflag:s17] =	ssyncset.done $0x0  }
0xac: {  	[sflag:s17] =	ssyncadd.s32 $0xFFFFE000  }
0xad: {  	[spmem:s2] =	stream.indirect.scatter.add.f32 [tilespmem:s7], [sflag:$0x4], $0x10, s22, s8, $0xb8;
	[tilespmem:$0x7000] =	vst v63  }
0xae: {  	_ =	swait.ge [sflag:s11], $0x2000  }
0xaf: {  	[sflag:s11] =	ssyncset.done $0x0  }
0xb0: {  	[sflag:s11] =	ssyncadd.s32 $0xFFFFE000  }
0xb1: {  	[spmem:s2] =	stream.indirect.scatter.add.f32 [tilespmem:s7], [sflag:$0x1], $0x10, s23, s8, $0xb8;
	[tilespmem:$0x7000] =	vst v63  }
0xb2: {  	_ =	swait.ge [sflag:s13], $0x2000  }
0xb3: {  	[sflag:s13] =	ssyncset.done $0x0  }
0xb4: {  	[sflag:s13] =	ssyncadd.s32 $0xFFFFE000  }
0xb5: {  	[spmem:s2] =	stream.indirect.scatter.add.f32 [tilespmem:s7], [sflag:$0x2], $0x10, s24, s8, $0xb8;
	[tilespmem:$0x7000] =	vst v63  }
0xb6: {  	_ =	swait.ge [sflag:s15], $0x2000  }
0xb7: {  	[sflag:s15] =	ssyncset.done $0x0  }
0xb8: {  	[sflag:s15] =	ssyncadd.s32 $0xFFFFE000  }
0xb9: {  	[spmem:s2] =	stream.indirect.scatter.add.f32 [tilespmem:s7], [sflag:$0x3], $0x10, s25, s8, $0xb8;
	[tilespmem:$0x7000] =	vst v63  }
0xba: {  	_ =	swait.ge [sflag:s17], $0x2000  }
0xbb: {  	[sflag:s17] =	ssyncset.done $0x0  }
0xbc: {  	[sflag:s17] =	ssyncadd.s32 $0xFFFFE000  }
0xbd: {  	[spmem:s2] =	stream.indirect.scatter.add.f32 [tilespmem:s7], [sflag:$0x4], $0x10, s26, s8, $0xb8;
	[tilespmem:$0x7000] =	vst v63  }
0xbe: {  	_ =	swait.ge [sflag:s11], $0x2000  }
0xbf: {  	[sflag:s11] =	ssyncset.done $0x0  }
0xc0: {  	[sflag:s11] =	ssyncadd.s32 $0xFFFFE000  }
0xc1: {  	[spmem:s2] =	stream.indirect.scatter.add.f32 [tilespmem:s7], [sflag:$0x1], $0x10, s28, s8, $0xb8;
	[tilespmem:$0x7000] =	vst v63  }
0xc2: {  	_ =	swait.ge [sflag:s13], $0x2000  }
0xc3: {  	[sflag:s13] =	ssyncset.done $0x0  }
0xc4: {  	[sflag:s13] =	ssyncadd.s32 $0xFFFFE000  }
0xc5: {  	[spmem:s2] =	stream.indirect.scatter.add.f32 [tilespmem:s7], [sflag:$0x2], $0x10, s29, s8, $0xb8;
	[tilespmem:$0x7000] =	vst v63  }
0xc6: {  	_ =	swait.ge [sflag:s15], $0x2000  }
0xc7: {  	[sflag:s15] =	ssyncset.done $0x0  }
0xc8: {  	[sflag:s15] =	ssyncadd.s32 $0xFFFFE000  }
0xc9: {  	[spmem:s2] =	stream.indirect.scatter.add.f32 [tilespmem:s7], [sflag:$0x3], $0x10, s30, s8, $0xb8;
	[tilespmem:$0x7000] =	vst v63  }
0xca: {  	_ =	swait.ge [sflag:s17], $0x2000  }
0xcb: {  	[sflag:s17] =	ssyncset.done $0x0  }
0xcc: {  	[sflag:s17] =	ssyncadd.s32 $0xFFFFE000  }
0xcd: {  	[spmem:s2] =	stream.indirect.scatter.add.f32 [tilespmem:s7], [sflag:$0x4], $0x10, s31, s8, $0xb8;
	[tilespmem:$0x7000] =	vst v63  }
0xce: {  	_ =	swait.ge [sflag:s11], $0x2000  }
0xcf: {  	[sflag:s11] =	ssyncset.done $0x0  }
0xd0: {  	[sflag:s11] =	ssyncadd.s32 $0xFFFFE000  }
0xd1: {  	_ =	swait.ge [sflag:s13], $0x2000  }
0xd2: {  	[sflag:s13] =	ssyncset.done $0x0  }
0xd3: {  	[sflag:s13] =	ssyncadd.s32 $0xFFFFE000  }
0xd4: {  	_ =	swait.ge [sflag:s15], $0x2000  }
0xd5: {  	[sflag:s15] =	ssyncset.done $0x0  }
0xd6: {  	[sflag:s15] =	ssyncadd.s32 $0xFFFFE000  }
0xd7: {  	_ =	swait.ge [sflag:s17], $0x2000  }
0xd8: {  	p0 =	sne.s32 s0, $0x1;
	[sflag:s17] =	ssyncset.done $0x0  }
.Ltmp1:
0xd9: {  	[sflag:s17] =	ssyncadd.s32 $0xFFFFE000;
	(pc) =	sbr.rel @p0 .LBB2_1-.Ltmp1, $4  }
0xda: {  	[bflag:$0x0] =	sbarrier.arrive $0xFFFF  }
0xdb: {  	s1 =	rddreg [dreg:$0x7]  }
0xdc: {  	[hbm:s1], [sflag:s4] =	dma.local [spmem:s6], $0x500  }
0xdd: {  	s0 =	sadd.s32 $0xFFFFFFFF, s0;
	_ =	swait.ge [sflag:s5], $0x500  }
.LBB2_2:
0xde: {  	[sflag:s5] =	ssyncset.done $0x0  }
0xdf: {  	[sflag:s5] =	ssyncadd.s32 $0xFFFFFB00  }
0xe0: {  	_ =	sfence.sel $0x180000  }
0xe1: {  	[bflag:$0x0] =	sbarrier.arrive $0xFFFF  }
0xe2: {  	_ =	strace $0x90000047  }
0xe3: {  	s0 =	stileid.u32;
	[bflag:$0x2] =	sbarrier.arrive $0xFFFF  }
0xe4: {  	p0 =	sne.s32 s0, $0x0;
	s0 =	rddreg [dreg:$0x3]  }
0xe5: {  	s0 =	sadd.s32 @!p0 $0x100000, s0  }
0xe6: {  	[sflag:s0] =	ssyncadd.tile.s32 @!p0 $0x1;
	_ =	shalt  }
.Lfunc_end2:
_tile_overlayer_lowered:
.L_overlay_start_2:
0xe7: {  	(tag) =	ssettag $0x2  }
0xe8: {  	s0 =	rddreg [dreg:$0x0];
	s2 =	stileid.u32  }
0xe9: {  	s1 =	rddreg [dreg:$0x1];
	p0 =	sne.s32 s2, $0x0  }
0xea: {  	s3 =	rddreg [dreg:$0x2];
	[bflag:$0x3] =	sbarrier.arrive $0xFFFF;
	s2 =	simm.s32 @!p0 $0x1C05  }
0xeb: {  	[timem:s3], [sflag:s2] =	dma.local @!p0 [hbm:s0], s1  }
0xec: {  	s0 =	simm.s32 @!p0 $0x5  }
0xed: {  	_ =	swait.ge @!p0 [sflag:s0], s1  }
0xee: {  	s1 =	ssub.s32 @!p0 $0x0, s1;
	[sflag:s0] =	ssyncset.done @!p0 $0x0  }
0xef: {  	[sflag:s0] =	ssyncadd.s32 @!p0 s1  }
0xf0: {  	[bflag:$0x3] =	sbarrier.arrive $0xFFFF  }
0xf1: {  	_ =	shalt  }

</sc_bundles>
